<compile_context>
chip_gen: v7x
topology: tpu7x:2x2x1
jax: 0.10.2.dev20260603
libtpu: 0.0.44.dev20260713+nightly
codegen_flags: <defaults>
</compile_context>

<pallas_src>
import functools

import numpy as np
import jax
import jax.numpy as jnp
from jax import lax
from jax.experimental import pallas as pl
from jax.experimental.pallas import tpu as pltpu
from jax.experimental.pallas import tpu_sc as plsc

_N = 10000
_NP = 10240
_E = 320000
_F = 128
_NC = 2
_NS = 16
_NW = _NC * _NS
_CHUNK = 80
_NCH = _E // (_NW * _CHUNK)
_RPT = _NP // _NS
_BLK = 128
_DLANE = 16

_ALPHA = 0.1
_BETAS = tuple(float(np.log(1.0 / k + 1.0)) for k in (1, 2, 3))

_MESH = dict(core_axis_name="c", subcore_axis_name="s")


def _make_edge_pass(feat):

    @functools.partial(
        pl.kernel,
        mesh=plsc.VectorSubcoreMesh(**_MESH),
        out_type=jax.ShapeDtypeStruct((_NC, _NP, feat), jnp.float32),
        scratch_types=[
            pltpu.VMEM((_CHUNK,), jnp.int32),
            pltpu.VMEM((_CHUNK,), jnp.int32),
            pltpu.VMEM((_CHUNK, feat), jnp.float32),
            pltpu.VMEM((_BLK, feat), jnp.float32),
            pltpu.VMEM_SHARED((_NP, feat), jnp.float32),
            pltpu.SemaphoreType.DMA,
        ],
    )
    def _pass(table_hbm, src_hbm, dst_hbm, out_hbm,
              idx_s, idx_d, rows_v, zv, agg_sh, sem):
        c = lax.axis_index("c")
        s = lax.axis_index("s")
        w = s * _NC + c
        r0 = s * _RPT

        def _fill_zero(i, carry):
            for k in range(feat // 16):
                zv[i, pl.ds(16 * k, 16)] = jnp.zeros((16,), jnp.float32)
            return carry

        lax.fori_loop(0, _BLK, _fill_zero, 0)

        def _zero_blk(st, carry):
            pltpu.sync_copy(zv, agg_sh.at[pl.ds(r0 + st * _BLK, _BLK)])
            return carry

        lax.fori_loop(0, _RPT // _BLK, _zero_blk, 0)
        plsc.subcore_barrier()

        def _chunk(ch, carry):
            pltpu.sync_copy(src_hbm.at[w, ch], idx_s)
            pltpu.sync_copy(dst_hbm.at[w, ch], idx_d)
            pltpu.async_copy(table_hbm.at[idx_s], rows_v, sem).wait()
            pltpu.sync_copy(rows_v, agg_sh.at[idx_d], add=True)
            return carry

        lax.fori_loop(0, _NCH, _chunk, 0)
        plsc.subcore_barrier()

        def _out_blk(st, carry):
            b0 = r0 + st * _BLK
            pltpu.sync_copy(agg_sh.at[pl.ds(b0, _BLK)], zv)
            pltpu.sync_copy(zv, out_hbm.at[c, pl.ds(b0, _BLK)])
            return carry

        lax.fori_loop(0, _RPT // _BLK, _out_blk, 0)

    return _pass


_sc_edge_pass = _make_edge_pass(_F)


_ROWS = 1024


def _tc_prep(x, w_lin1, cnt):
    def body(x_ref, w_ref, cnt_ref, x0_ref, g1_ref, ns_ref, nd_ref):
        cs = cnt_ref[0, 0, :, 0:1] + cnt_ref[1, 0, :, 0:1]
        cd = cnt_ref[0, 1, :, 0:1] + cnt_ref[1, 1, :, 0:1]
        ns = lax.rsqrt(jnp.maximum(cs, 1.0))
        nd = lax.rsqrt(jnp.maximum(cd, 1.0))
        x0 = jnp.dot(x_ref[...], w_ref[...], preferred_element_type=jnp.float32,
                     precision=lax.Precision.HIGHEST)
        x0_ref[...] = x0
        g1_ref[...] = x0 * ns
        ns_ref[...] = ns
        nd_ref[...] = nd

    return pl.pallas_call(
        body,
        grid=(_NP // _ROWS,),
        in_specs=[
            pl.BlockSpec((_ROWS, _F), lambda i: (i, 0)),
            pl.BlockSpec((_F, _F), lambda i: (0, 0)),
            pl.BlockSpec((_NC, 2, _ROWS, _F), lambda i: (0, 0, i, 0)),
        ],
        out_specs=[
            pl.BlockSpec((_ROWS, _F), lambda i: (i, 0)),
            pl.BlockSpec((_ROWS, _F), lambda i: (i, 0)),
            pl.BlockSpec((_ROWS, 1), lambda i: (i, 0)),
            pl.BlockSpec((_ROWS, 1), lambda i: (i, 0)),
        ],
        out_shape=[
            jax.ShapeDtypeStruct((_NP, _F), jnp.float32),
            jax.ShapeDtypeStruct((_NP, _F), jnp.float32),
            jax.ShapeDtypeStruct((_NP, 1), jnp.float32),
            jax.ShapeDtypeStruct((_NP, 1), jnp.float32),
        ],
    )(x, w_lin1, cnt)


def _tc_layer(p, x0, ns, nd, w, beta):
    def body(p_ref, x0_ref, ns_ref, nd_ref, w_ref, o_ref):
        f = ((1.0 - _ALPHA) * (p_ref[0] + p_ref[1]) * nd_ref[...]
             + _ALPHA * x0_ref[...])
        rst = (1.0 - beta) * f + beta * jnp.dot(
            f, w_ref[...], preferred_element_type=jnp.float32,
            precision=lax.Precision.HIGHEST)
        o_ref[...] = rst * ns_ref[...]

    return pl.pallas_call(
        body,
        grid=(_NP // _ROWS,),
        in_specs=[
            pl.BlockSpec((_NC, _ROWS, _F), lambda i: (0, i, 0)),
            pl.BlockSpec((_ROWS, _F), lambda i: (i, 0)),
            pl.BlockSpec((_ROWS, 1), lambda i: (i, 0)),
            pl.BlockSpec((_ROWS, 1), lambda i: (i, 0)),
            pl.BlockSpec((_F, _F), lambda i: (0, 0)),
        ],
        out_specs=pl.BlockSpec((_ROWS, _F), lambda i: (i, 0)),
        out_shape=jax.ShapeDtypeStruct((_NP, _F), jnp.float32),
    )(p, x0, ns, nd, w)


def _tc_final(p, x0, nd, w3, w_lin2, beta):
    def body(p_ref, x0_ref, nd_ref, w3_ref, w2_ref, o_ref):
        f = ((1.0 - _ALPHA) * (p_ref[0] + p_ref[1]) * nd_ref[...]
             + _ALPHA * x0_ref[...])
        rst = (1.0 - beta) * f + beta * jnp.dot(
            f, w3_ref[...], preferred_element_type=jnp.float32,
            precision=lax.Precision.HIGHEST)
        o_ref[...] = jnp.dot(rst, w2_ref[...], preferred_element_type=jnp.float32,
                             precision=lax.Precision.HIGHEST)

    return pl.pallas_call(
        body,
        grid=(_NP // _ROWS,),
        in_specs=[
            pl.BlockSpec((_NC, _ROWS, _F), lambda i: (0, i, 0)),
            pl.BlockSpec((_ROWS, _F), lambda i: (i, 0)),
            pl.BlockSpec((_ROWS, 1), lambda i: (i, 0)),
            pl.BlockSpec((_F, _F), lambda i: (0, 0)),
            pl.BlockSpec((_F, _F), lambda i: (0, 0)),
        ],
        out_specs=pl.BlockSpec((_ROWS, _F), lambda i: (i, 0)),
        out_shape=jax.ShapeDtypeStruct((_NP, _F), jnp.float32),
    )(p, x0, nd, w3, w_lin2)


def kernel(x, edge_index, W_lin1, Wc1, Wc2, Wc3, W_lin2):
    src3 = edge_index[0].reshape(_NW, _NCH, _CHUNK)
    dst3 = edge_index[1].reshape(_NW, _NCH, _CHUNK)
    xp = jnp.pad(x, ((0, _NP - _N), (0, 0)))
    ones_t = jnp.ones((_NP, _F), jnp.float32)
    cnt_src = _sc_edge_pass(ones_t, dst3, src3)
    cnt_dst = _sc_edge_pass(ones_t, src3, dst3)
    cnt = jnp.stack([cnt_src, cnt_dst], axis=1)
    x0, g1, ns, nd = _tc_prep(xp, W_lin1, cnt)
    p = _sc_edge_pass(g1, src3, dst3)
    g2 = _tc_layer(p, x0, ns, nd, Wc1, _BETAS[0])
    p = _sc_edge_pass(g2, src3, dst3)
    g3 = _tc_layer(p, x0, ns, nd, Wc2, _BETAS[1])
    p = _sc_edge_pass(g3, src3, dst3)
    return _tc_final(p, x0, nd, Wc3, W_lin2, _BETAS[2])[:_N]

# --- scband reference (transcript-rebuilt; emitter-appended) ---
"""Pipeline reference for scband-sage-23794118820012 (READ-ONLY COPY).

The authoritative reference and input builder live on the scoring server;
editing this copy changes nothing except your own understanding.
"""

import jax, jax.numpy as jnp
import numpy as np

N = 10000
E = 320000
IN_FEATS = 128
N_HIDDEN = 128
N_CLASSES = 128
ALPHA = 0.1
LAMBDA = 1.0


def setup_inputs(seed: int = 0) -> dict:
    key = jax.random.key(seed)
    ks = jax.random.split(key, 8)
    x = jax.random.normal(ks[0], (N, IN_FEATS), dtype=jnp.float32)
    edge_index = jax.random.randint(ks[1], (2, E), 0, N, dtype=jnp.int32)
    W_lin1 = jax.random.normal(ks[2], (IN_FEATS, N_HIDDEN), dtype=jnp.float32) * (1.0 / np.sqrt(IN_FEATS))
    Wc1 = jax.random.normal(ks[3], (N_HIDDEN, N_HIDDEN), dtype=jnp.float32) * (1.0 / np.sqrt(N_HIDDEN))
    Wc2 = jax.random.normal(ks[4], (N_HIDDEN, N_HIDDEN), dtype=jnp.float32) * (1.0 / np.sqrt(N_HIDDEN))
    Wc3 = jax.random.normal(ks[5], (N_HIDDEN, N_HIDDEN), dtype=jnp.float32) * (1.0 / np.sqrt(N_HIDDEN))
    W_lin2 = jax.random.normal(ks[6], (N_HIDDEN, N_CLASSES), dtype=jnp.float32) * (1.0 / np.sqrt(N_HIDDEN))
    return {"x": x, "edge_index": edge_index, "W_lin1": W_lin1, "Wc1": Wc1, "Wc2": Wc2, "Wc3": Wc3, "W_lin2": W_lin2}


def _gcn2conv(feat, feat0, W, layer_idx, src, dst, norm_src, norm_dst):
    # DGL GCN2Conv with default alpha=0.1, lambda_=1, project_initial_features=True
    beta = float(np.log(LAMBDA / layer_idx + 1.0))
    h = feat * norm_src
    agg = jnp.zeros_like(h).at[dst].add(h[src])
    agg = agg * norm_dst
    feat_new = (1.0 - ALPHA) * agg + ALPHA * feat0
    rst = (1.0 - beta) * feat_new + beta * (feat_new @ W)
    return rst


def reference(x, edge_index, W_lin1, Wc1, Wc2, Wc3, W_lin2):
    src = edge_index[0]
    dst = edge_index[1]
    out_deg = jnp.clip(jnp.bincount(src, length=N), 1)
    in_deg = jnp.clip(jnp.bincount(dst, length=N), 1)
    norm_src = (out_deg.astype(jnp.float32) ** -0.5)[:, None]
    norm_dst = (in_deg.astype(jnp.float32) ** -0.5)[:, None]
    x0 = x @ W_lin1  # linear1, no bias
    h = x0
    h = _gcn2conv(h, x0, Wc1, 1, src, dst, norm_src, norm_dst)
    h = _gcn2conv(h, x0, Wc2, 2, src, dst, norm_src, norm_dst)
    h = _gcn2conv(h, x0, Wc3, 3, src, dst, norm_src, norm_dst)
    h = h @ W_lin2  # linear2, no bias
    # self.layers is an empty ModuleList, so the trailing loop is a no-op
    return h

if __name__ == "__main__":
    import jax
    _d = setup_inputs()
    print(jax.jit(kernel)(*tuple(_d.values())))

</pallas_src>

<mosaic_0001>
#map = affine_map<(d0, d1) -> (0, 0)>
#map1 = affine_map<(d0, d1) -> (0, 0, 0)>
module attributes {stable_mosaic.version = 14 : i64} {
  func.func @_pass(%arg0: i32, %arg1: i32, %arg2: memref<10240x128xf32, #tpu.memory_space<hbm>>, %arg3: memref<32x125x80xi32, #tpu.memory_space<hbm>>, %arg4: memref<32x125x80xi32, #tpu.memory_space<hbm>>, %arg5: memref<2x10240x128xf32, #tpu.memory_space<hbm>>, %arg6: memref<80xi32, #tpu.memory_space<vmem>>, %arg7: memref<80xi32, #tpu.memory_space<vmem>>, %arg8: memref<80x128xf32, #tpu.memory_space<vmem>>, %arg9: memref<128x128xf32, #tpu.memory_space<vmem>>, %arg10: memref<10240x128xf32, #tpu.memory_space<vmem_shared>>, %arg11: memref<!tpu.dma_semaphore, #tpu.memory_space<semaphore_mem>>) attributes {dimension_semantics = [#tpu.dimension_semantics<core_parallel>, #tpu.dimension_semantics<subcore_parallel>], iteration_bounds = array<i64: 2, 16>, scalar_prefetch = 0 : i64, scratch_operands = 6 : i64, tpu.core_type = #tpu.core_type<sc_vector_subcore>, window_params = [{transform_indices = #map}, {transform_indices = #map1}, {transform_indices = #map1}, {transform_indices = #map1}]} {
    %mul3A = arith.constant 2 : i32
    %mul3A_0 = arith.muli %arg1, %mul3A : i32
    %add3A = arith.addi %mul3A_0, %arg0 : i32
    %mul3A_1 = arith.constant 640 : i32
    %mul3A_2 = arith.muli %arg1, %mul3A_1 : i32
    %scan3A = arith.constant 0 : i32
    %scan3A_3 = arith.constant 0 : i32
    %scan3A_4 = arith.constant 128 : i32
    %scan3A_5 = arith.addi %scan3A_3, %scan3A_4 : i32
    %scan3A_6 = arith.constant 1 : i32
    scf.for %scan3A_27 = %scan3A_3 to %scan3A_5 step %scan3A_6  : i32 {
      %broadcast_in_dim3A = arith.constant 0.000000e+00 : f32
      %broadcast_in_dim3A_28 = vector.broadcast %broadcast_in_dim3A : f32 to vector<16xf32>
      %swap3A = arith.index_cast %scan3A_27 : i32 to index
      %swap3A_29 = arith.constant 0 : index
      %swap3A_30 = tpu.vector_load %arg9[%swap3A, %swap3A_29] {strides = array<i32>} : memref<128x128xf32, #tpu.memory_space<vmem>>, vector<1x16xf32>,
      %swap3A_31 = vector.shape_cast %swap3A_30 : vector<1x16xf32> to vector<16xf32>
      %swap3A_32 = vector.shape_cast %broadcast_in_dim3A_28 : vector<16xf32> to vector<1x16xf32>
      tpu.vector_store %arg9[%swap3A, %swap3A_29], %swap3A_32 {strides = array<i32>} : memref<128x128xf32, #tpu.memory_space<vmem>>, vector<1x16xf32>,
      %broadcast_in_dim3A_33 = arith.constant 0.000000e+00 : f32
      %broadcast_in_dim3A_34 = vector.broadcast %broadcast_in_dim3A_33 : f32 to vector<16xf32>
      %swap3A_35 = arith.index_cast %scan3A_27 : i32 to index
      %swap3A_36 = arith.constant 16 : index
      %swap3A_37 = tpu.vector_load %arg9[%swap3A_35, %swap3A_36] {strides = array<i32>} : memref<128x128xf32, #tpu.memory_space<vmem>>, vector<1x16xf32>,
      %swap3A_38 = vector.shape_cast %swap3A_37 : vector<1x16xf32> to vector<16xf32>
      %swap3A_39 = vector.shape_cast %broadcast_in_dim3A_34 : vector<16xf32> to vector<1x16xf32>
      tpu.vector_store %arg9[%swap3A_35, %swap3A_36], %swap3A_39 {strides = array<i32>} : memref<128x128xf32, #tpu.memory_space<vmem>>, vector<1x16xf32>,
      %broadcast_in_dim3A_40 = arith.constant 0.000000e+00 : f32
      %broadcast_in_dim3A_41 = vector.broadcast %broadcast_in_dim3A_40 : f32 to vector<16xf32>
      %swap3A_42 = arith.index_cast %scan3A_27 : i32 to index
      %swap3A_43 = arith.constant 32 : index
      %swap3A_44 = tpu.vector_load %arg9[%swap3A_42, %swap3A_43] {strides = array<i32>} : memref<128x128xf32, #tpu.memory_space<vmem>>, vector<1x16xf32>,
      %swap3A_45 = vector.shape_cast %swap3A_44 : vector<1x16xf32> to vector<16xf32>
      %swap3A_46 = vector.shape_cast %broadcast_in_dim3A_41 : vector<16xf32> to vector<1x16xf32>
      tpu.vector_store %arg9[%swap3A_42, %swap3A_43], %swap3A_46 {strides = array<i32>} : memref<128x128xf32, #tpu.memory_space<vmem>>, vector<1x16xf32>,
      %broadcast_in_dim3A_47 = arith.constant 0.000000e+00 : f32
      %broadcast_in_dim3A_48 = vector.broadcast %broadcast_in_dim3A_47 : f32 to vector<16xf32>
      %swap3A_49 = arith.index_cast %scan3A_27 : i32 to index
      %swap3A_50 = arith.constant 48 : index
      %swap3A_51 = tpu.vector_load %arg9[%swap3A_49, %swap3A_50] {strides = array<i32>} : memref<128x128xf32, #tpu.memory_space<vmem>>, vector<1x16xf32>,
      %swap3A_52 = vector.shape_cast %swap3A_51 : vector<1x16xf32> to vector<16xf32>
      %swap3A_53 = vector.shape_cast %broadcast_in_dim3A_48 : vector<16xf32> to vector<1x16xf32>
      tpu.vector_store %arg9[%swap3A_49, %swap3A_50], %swap3A_53 {strides = array<i32>} : memref<128x128xf32, #tpu.memory_space<vmem>>, vector<1x16xf32>,
      %broadcast_in_dim3A_54 = arith.constant 0.000000e+00 : f32
      %broadcast_in_dim3A_55 = vector.broadcast %broadcast_in_dim3A_54 : f32 to vector<16xf32>
      %swap3A_56 = arith.index_cast %scan3A_27 : i32 to index
      %swap3A_57 = arith.constant 64 : index
      %swap3A_58 = tpu.vector_load %arg9[%swap3A_56, %swap3A_57] {strides = array<i32>} : memref<128x128xf32, #tpu.memory_space<vmem>>, vector<1x16xf32>,
      %swap3A_59 = vector.shape_cast %swap3A_58 : vector<1x16xf32> to vector<16xf32>
      %swap3A_60 = vector.shape_cast %broadcast_in_dim3A_55 : vector<16xf32> to vector<1x16xf32>
      tpu.vector_store %arg9[%swap3A_56, %swap3A_57], %swap3A_60 {strides = array<i32>} : memref<128x128xf32, #tpu.memory_space<vmem>>, vector<1x16xf32>,
      %broadcast_in_dim3A_61 = arith.constant 0.000000e+00 : f32
      %broadcast_in_dim3A_62 = vector.broadcast %broadcast_in_dim3A_61 : f32 to vector<16xf32>
      %swap3A_63 = arith.index_cast %scan3A_27 : i32 to index
      %swap3A_64 = arith.constant 80 : index
      %swap3A_65 = tpu.vector_load %arg9[%swap3A_63, %swap3A_64] {strides = array<i32>} : memref<128x128xf32, #tpu.memory_space<vmem>>, vector<1x16xf32>,
      %swap3A_66 = vector.shape_cast %swap3A_65 : vector<1x16xf32> to vector<16xf32>
      %swap3A_67 = vector.shape_cast %broadcast_in_dim3A_62 : vector<16xf32> to vector<1x16xf32>
      tpu.vector_store %arg9[%swap3A_63, %swap3A_64], %swap3A_67 {strides = array<i32>} : memref<128x128xf32, #tpu.memory_space<vmem>>, vector<1x16xf32>,
      %broadcast_in_dim3A_68 = arith.constant 0.000000e+00 : f32
      %broadcast_in_dim3A_69 = vector.broadcast %broadcast_in_dim3A_68 : f32 to vector<16xf32>
      %swap3A_70 = arith.index_cast %scan3A_27 : i32 to index
      %swap3A_71 = arith.constant 96 : index
      %swap3A_72 = tpu.vector_load %arg9[%swap3A_70, %swap3A_71] {strides = array<i32>} : memref<128x128xf32, #tpu.memory_space<vmem>>, vector<1x16xf32>,
      %swap3A_73 = vector.shape_cast %swap3A_72 : vector<1x16xf32> to vector<16xf32>
      %swap3A_74 = vector.shape_cast %broadcast_in_dim3A_69 : vector<16xf32> to vector<1x16xf32>
      tpu.vector_store %arg9[%swap3A_70, %swap3A_71], %swap3A_74 {strides = array<i32>} : memref<128x128xf32, #tpu.memory_space<vmem>>, vector<1x16xf32>,
      %broadcast_in_dim3A_75 = arith.constant 0.000000e+00 : f32
      %broadcast_in_dim3A_76 = vector.broadcast %broadcast_in_dim3A_75 : f32 to vector<16xf32>
      %swap3A_77 = arith.index_cast %scan3A_27 : i32 to index
      %swap3A_78 = arith.constant 112 : index
      %swap3A_79 = tpu.vector_load %arg9[%swap3A_77, %swap3A_78] {strides = array<i32>} : memref<128x128xf32, #tpu.memory_space<vmem>>, vector<1x16xf32>,
      %swap3A_80 = vector.shape_cast %swap3A_79 : vector<1x16xf32> to vector<16xf32>
      %swap3A_81 = vector.shape_cast %broadcast_in_dim3A_76 : vector<16xf32> to vector<1x16xf32>
      tpu.vector_store %arg9[%swap3A_77, %swap3A_78], %swap3A_81 {strides = array<i32>} : memref<128x128xf32, #tpu.memory_space<vmem>>, vector<1x16xf32>,
    }
    %scan3A_7 = arith.constant 128 : i32
    %scan3A_8 = arith.constant 0 : i32
    %scan3A_9 = arith.constant 0 : i32
    %scan3A_10 = arith.constant 5 : i32
    %scan3A_11 = arith.addi %scan3A_9, %scan3A_10 : i32
    %scan3A_12 = arith.constant 1 : i32
    scf.for %scan3A_27 = %scan3A_9 to %scan3A_11 step %scan3A_12  : i32 {
      %mul3A_28 = arith.constant 128 : i32
      %mul3A_29 = arith.muli %scan3A_27, %mul3A_28 : i32
      %add3A_30 = arith.addi %mul3A_2, %mul3A_29 : i32
      "tpu.region"() ({
        %run_scoped3A = tpu.sem_alloc : memref<!tpu.dma_semaphore, #tpu.memory_space<semaphore_mem>>
        %dma_start3A = arith.constant 0 : i32
        %dma_start3A_31 = tpu.memref_slice %arg10[%add3A_30, %dma_start3A] : memref<10240x128xf32, #tpu.memory_space<vmem_shared>> -> memref<128x128xf32, #tpu.memory_space<vmem_shared>>
        %dma_start3A_32 = arith.constant 0 : i32
        %dma_start3A_33 = tpu.memref_slice %arg10[%add3A_30, %dma_start3A_32] : memref<10240x128xf32, #tpu.memory_space<vmem_shared>> -> memref<128x128xf32, #tpu.memory_space<vmem_shared>>
        tpu.enqueue_dma source(%arg9 : memref<128x128xf32, #tpu.memory_space<vmem>>) target(%dma_start3A_33 : memref<128x128xf32, #tpu.memory_space<vmem_shared>>) target_semaphore(%run_scoped3A : memref<!tpu.dma_semaphore, #tpu.memory_space<semaphore_mem>>)
        %dma_wait3A = arith.constant 0 : i32
        %dma_wait3A_34 = tpu.memref_slice %arg10[%add3A_30, %dma_wait3A] : memref<10240x128xf32, #tpu.memory_space<vmem_shared>> -> memref<128x128xf32, #tpu.memory_space<vmem_shared>>
        %dma_wait3A_35 = arith.constant 0 : i32
        %dma_wait3A_36 = tpu.memref_slice %arg10[%add3A_30, %dma_wait3A_35] : memref<10240x128xf32, #tpu.memory_space<vmem_shared>> -> memref<128x128xf32, #tpu.memory_space<vmem_shared>>
        tpu.wait_dma2 semaphore(%run_scoped3A : memref<!tpu.dma_semaphore, #tpu.memory_space<semaphore_mem>>) src(%arg9 : memref<128x128xf32, #tpu.memory_space<vmem>>) dst(%dma_wait3A_36 : memref<128x128xf32, #tpu.memory_space<vmem_shared>>)
        tpu.yield
      }) : () -> ()
    }
    %scan3A_13 = arith.constant 5 : i32
    %barrier3A = arith.constant 0 : index
    tpu.barrier barrier_id(%barrier3A)
    %scan3A_14 = arith.constant 0 : i32
    %scan3A_15 = arith.constant 0 : i32
    %scan3A_16 = arith.constant 125 : i32
    %scan3A_17 = arith.addi %scan3A_15, %scan3A_16 : i32
    %scan3A_18 = arith.constant 1 : i32
    scf.for %scan3A_27 = %scan3A_15 to %scan3A_17 step %scan3A_18  : i32 {
      "tpu.region"() ({
        %run_scoped3A = tpu.sem_alloc : memref<!tpu.dma_semaphore, #tpu.memory_space<semaphore_mem>>
        %dma_start3A_32 = arith.constant 0 : i32
        %dma_start3A_33 = tpu.memref_slice %arg3[%add3A, %scan3A_27, %dma_start3A_32] : memref<32x125x80xi32, #tpu.memory_space<hbm>> -> memref<1x1x80xi32, #tpu.memory_space<hbm>>
        %dma_start3A_34 = tpu.memref_squeeze %dma_start3A_33 : memref<1x1x80xi32, #tpu.memory_space<hbm>> -> memref<80xi32, #tpu.memory_space<hbm>>
        %dma_start3A_35 = arith.constant 0 : i32
        %dma_start3A_36 = tpu.memref_slice %arg3[%add3A, %scan3A_27, %dma_start3A_35] : memref<32x125x80xi32, #tpu.memory_space<hbm>> -> memref<1x1x80xi32, #tpu.memory_space<hbm>>
        %dma_start3A_37 = tpu.memref_squeeze %dma_start3A_36 : memref<1x1x80xi32, #tpu.memory_space<hbm>> -> memref<80xi32, #tpu.memory_space<hbm>>
        tpu.enqueue_dma source(%dma_start3A_37 : memref<80xi32, #tpu.memory_space<hbm>>) target(%arg6 : memref<80xi32, #tpu.memory_space<vmem>>) target_semaphore(%run_scoped3A : memref<!tpu.dma_semaphore, #tpu.memory_space<semaphore_mem>>)
        %dma_wait3A_38 = arith.constant 0 : i32
        %dma_wait3A_39 = tpu.memref_slice %arg3[%add3A, %scan3A_27, %dma_wait3A_38] : memref<32x125x80xi32, #tpu.memory_space<hbm>> -> memref<1x1x80xi32, #tpu.memory_space<hbm>>
        %dma_wait3A_40 = tpu.memref_squeeze %dma_wait3A_39 : memref<1x1x80xi32, #tpu.memory_space<hbm>> -> memref<80xi32, #tpu.memory_space<hbm>>
        %dma_wait3A_41 = arith.constant 0 : i32
        %dma_wait3A_42 = tpu.memref_slice %arg3[%add3A, %scan3A_27, %dma_wait3A_41] : memref<32x125x80xi32, #tpu.memory_space<hbm>> -> memref<1x1x80xi32, #tpu.memory_space<hbm>>
        %dma_wait3A_43 = tpu.memref_squeeze %dma_wait3A_42 : memref<1x1x80xi32, #tpu.memory_space<hbm>> -> memref<80xi32, #tpu.memory_space<hbm>>
        tpu.wait_dma2 semaphore(%run_scoped3A : memref<!tpu.dma_semaphore, #tpu.memory_space<semaphore_mem>>) src(%dma_wait3A_43 : memref<80xi32, #tpu.memory_space<hbm>>) dst(%arg6 : memref<80xi32, #tpu.memory_space<vmem>>)
        tpu.yield
      }) : () -> ()
      "tpu.region"() ({
        %run_scoped3A = tpu.sem_alloc : memref<!tpu.dma_semaphore, #tpu.memory_space<semaphore_mem>>
        %dma_start3A_32 = arith.constant 0 : i32
        %dma_start3A_33 = tpu.memref_slice %arg4[%add3A, %scan3A_27, %dma_start3A_32] : memref<32x125x80xi32, #tpu.memory_space<hbm>> -> memref<1x1x80xi32, #tpu.memory_space<hbm>>
        %dma_start3A_34 = tpu.memref_squeeze %dma_start3A_33 : memref<1x1x80xi32, #tpu.memory_space<hbm>> -> memref<80xi32, #tpu.memory_space<hbm>>
        %dma_start3A_35 = arith.constant 0 : i32
        %dma_start3A_36 = tpu.memref_slice %arg4[%add3A, %scan3A_27, %dma_start3A_35] : memref<32x125x80xi32, #tpu.memory_space<hbm>> -> memref<1x1x80xi32, #tpu.memory_space<hbm>>
        %dma_start3A_37 = tpu.memref_squeeze %dma_start3A_36 : memref<1x1x80xi32, #tpu.memory_space<hbm>> -> memref<80xi32, #tpu.memory_space<hbm>>
        tpu.enqueue_dma source(%dma_start3A_37 : memref<80xi32, #tpu.memory_space<hbm>>) target(%arg7 : memref<80xi32, #tpu.memory_space<vmem>>) target_semaphore(%run_scoped3A : memref<!tpu.dma_semaphore, #tpu.memory_space<semaphore_mem>>)
        %dma_wait3A_38 = arith.constant 0 : i32
        %dma_wait3A_39 = tpu.memref_slice %arg4[%add3A, %scan3A_27, %dma_wait3A_38] : memref<32x125x80xi32, #tpu.memory_space<hbm>> -> memref<1x1x80xi32, #tpu.memory_space<hbm>>
        %dma_wait3A_40 = tpu.memref_squeeze %dma_wait3A_39 : memref<1x1x80xi32, #tpu.memory_space<hbm>> -> memref<80xi32, #tpu.memory_space<hbm>>
        %dma_wait3A_41 = arith.constant 0 : i32
        %dma_wait3A_42 = tpu.memref_slice %arg4[%add3A, %scan3A_27, %dma_wait3A_41] : memref<32x125x80xi32, #tpu.memory_space<hbm>> -> memref<1x1x80xi32, #tpu.memory_space<hbm>>
        %dma_wait3A_43 = tpu.memref_squeeze %dma_wait3A_42 : memref<1x1x80xi32, #tpu.memory_space<hbm>> -> memref<80xi32, #tpu.memory_space<hbm>>
        tpu.wait_dma2 semaphore(%run_scoped3A : memref<!tpu.dma_semaphore, #tpu.memory_space<semaphore_mem>>) src(%dma_wait3A_43 : memref<80xi32, #tpu.memory_space<hbm>>) dst(%arg7 : memref<80xi32, #tpu.memory_space<vmem>>)
        tpu.yield
      }) : () -> ()
      %dma_start3A = arith.constant 0 : i32
      %dma_start3A_28 = arith.constant 0 : i32
      %dma_start3A_29 = tpu.memref_slice %arg2[%dma_start3A, %dma_start3A_28] : memref<10240x128xf32, #tpu.memory_space<hbm>> -> memref<10240x128xf32, #tpu.memory_space<hbm>>
      tpu.enqueue_indirect_dma source(%dma_start3A_29 : memref<10240x128xf32, #tpu.memory_space<hbm>>) target(%arg8 : memref<80x128xf32, #tpu.memory_space<vmem>>) offsets(%arg6 : memref<80xi32, #tpu.memory_space<vmem>>) semaphore(%arg11 : memref<!tpu.dma_semaphore, #tpu.memory_space<semaphore_mem>>)
      %dma_wait3A = arith.constant 0 : i32
      %dma_wait3A_30 = arith.constant 0 : i32
      %dma_wait3A_31 = tpu.memref_slice %arg2[%dma_wait3A, %dma_wait3A_30] : memref<10240x128xf32, #tpu.memory_space<hbm>> -> memref<10240x128xf32, #tpu.memory_space<hbm>>
      tpu.wait_indirect_dma semaphore(%arg11 : memref<!tpu.dma_semaphore, #tpu.memory_space<semaphore_mem>>) src(%dma_wait3A_31 : memref<10240x128xf32, #tpu.memory_space<hbm>>) dst(%arg8 : memref<80x128xf32, #tpu.memory_space<vmem>>)
      "tpu.region"() ({
        %run_scoped3A = tpu.sem_alloc : memref<!tpu.dma_semaphore, #tpu.memory_space<semaphore_mem>>
        %dma_start3A_32 = arith.constant 0 : i32
        %dma_start3A_33 = arith.constant 0 : i32
        %dma_start3A_34 = tpu.memref_slice %arg10[%dma_start3A_32, %dma_start3A_33] : memref<10240x128xf32, #tpu.memory_space<vmem_shared>> -> memref<10240x128xf32, #tpu.memory_space<vmem_shared>>
        tpu.enqueue_indirect_dma source(%arg8 : memref<80x128xf32, #tpu.memory_space<vmem>>) target(%dma_start3A_34 : memref<10240x128xf32, #tpu.memory_space<vmem_shared>>) offsets(%arg7 : memref<80xi32, #tpu.memory_space<vmem>>) semaphore(%run_scoped3A : memref<!tpu.dma_semaphore, #tpu.memory_space<semaphore_mem>>) {add = true}
        %dma_wait3A_35 = arith.constant 0 : i32
        %dma_wait3A_36 = arith.constant 0 : i32
        %dma_wait3A_37 = tpu.memref_slice %arg10[%dma_wait3A_35, %dma_wait3A_36] : memref<10240x128xf32, #tpu.memory_space<vmem_shared>> -> memref<10240x128xf32, #tpu.memory_space<vmem_shared>>
        tpu.wait_indirect_dma semaphore(%run_scoped3A : memref<!tpu.dma_semaphore, #tpu.memory_space<semaphore_mem>>) src(%arg8 : memref<80x128xf32, #tpu.memory_space<vmem>>) dst(%dma_wait3A_37 : memref<10240x128xf32, #tpu.memory_space<vmem_shared>>)
        tpu.yield
      }) : () -> ()
    }
    %scan3A_19 = arith.constant 125 : i32
    %barrier3A_20 = arith.constant 0 : index
    tpu.barrier barrier_id(%barrier3A_20)
    %scan3A_21 = arith.constant 0 : i32
    %scan3A_22 = arith.constant 0 : i32
    %scan3A_23 = arith.constant 5 : i32
    %scan3A_24 = arith.addi %scan3A_22, %scan3A_23 : i32
    %scan3A_25 = arith.constant 1 : i32
    scf.for %scan3A_27 = %scan3A_22 to %scan3A_24 step %scan3A_25  : i32 {
      %mul3A_28 = arith.constant 128 : i32
      %mul3A_29 = arith.muli %scan3A_27, %mul3A_28 : i32
      %add3A_30 = arith.addi %mul3A_2, %mul3A_29 : i32
      "tpu.region"() ({
        %run_scoped3A = tpu.sem_alloc : memref<!tpu.dma_semaphore, #tpu.memory_space<semaphore_mem>>
        %dma_start3A = arith.constant 0 : i32
        %dma_start3A_31 = tpu.memref_slice %arg10[%add3A_30, %dma_start3A] : memref<10240x128xf32, #tpu.memory_space<vmem_shared>> -> memref<128x128xf32, #tpu.memory_space<vmem_shared>>
        %dma_start3A_32 = arith.constant 0 : i32
        %dma_start3A_33 = tpu.memref_slice %arg10[%add3A_30, %dma_start3A_32] : memref<10240x128xf32, #tpu.memory_space<vmem_shared>> -> memref<128x128xf32, #tpu.memory_space<vmem_shared>>
        tpu.enqueue_dma source(%dma_start3A_33 : memref<128x128xf32, #tpu.memory_space<vmem_shared>>) target(%arg9 : memref<128x128xf32, #tpu.memory_space<vmem>>) target_semaphore(%run_scoped3A : memref<!tpu.dma_semaphore, #tpu.memory_space<semaphore_mem>>)
        %dma_wait3A = arith.constant 0 : i32
        %dma_wait3A_34 = tpu.memref_slice %arg10[%add3A_30, %dma_wait3A] : memref<10240x128xf32, #tpu.memory_space<vmem_shared>> -> memref<128x128xf32, #tpu.memory_space<vmem_shared>>
        %dma_wait3A_35 = arith.constant 0 : i32
        %dma_wait3A_36 = tpu.memref_slice %arg10[%add3A_30, %dma_wait3A_35] : memref<10240x128xf32, #tpu.memory_space<vmem_shared>> -> memref<128x128xf32, #tpu.memory_space<vmem_shared>>
        tpu.wait_dma2 semaphore(%run_scoped3A : memref<!tpu.dma_semaphore, #tpu.memory_space<semaphore_mem>>) src(%dma_wait3A_36 : memref<128x128xf32, #tpu.memory_space<vmem_shared>>) dst(%arg9 : memref<128x128xf32, #tpu.memory_space<vmem>>)
        tpu.yield
      }) : () -> ()
      "tpu.region"() ({
        %run_scoped3A = tpu.sem_alloc : memref<!tpu.dma_semaphore, #tpu.memory_space<semaphore_mem>>
        %dma_start3A = arith.constant 0 : i32
        %dma_start3A_31 = tpu.memref_slice %arg5[%arg0, %add3A_30, %dma_start3A] : memref<2x10240x128xf32, #tpu.memory_space<hbm>> -> memref<1x128x128xf32, #tpu.memory_space<hbm>>
        %dma_start3A_32 = tpu.memref_squeeze %dma_start3A_31 : memref<1x128x128xf32, #tpu.memory_space<hbm>> -> memref<128x128xf32, #tpu.memory_space<hbm>>
        %dma_start3A_33 = arith.constant 0 : i32
        %dma_start3A_34 = tpu.memref_slice %arg5[%arg0, %add3A_30, %dma_start3A_33] : memref<2x10240x128xf32, #tpu.memory_space<hbm>> -> memref<1x128x128xf32, #tpu.memory_space<hbm>>
        %dma_start3A_35 = tpu.memref_squeeze %dma_start3A_34 : memref<1x128x128xf32, #tpu.memory_space<hbm>> -> memref<128x128xf32, #tpu.memory_space<hbm>>
        tpu.enqueue_dma source(%arg9 : memref<128x128xf32, #tpu.memory_space<vmem>>) target(%dma_start3A_35 : memref<128x128xf32, #tpu.memory_space<hbm>>) target_semaphore(%run_scoped3A : memref<!tpu.dma_semaphore, #tpu.memory_space<semaphore_mem>>)
        %dma_wait3A = arith.constant 0 : i32
        %dma_wait3A_36 = tpu.memref_slice %arg5[%arg0, %add3A_30, %dma_wait3A] : memref<2x10240x128xf32, #tpu.memory_space<hbm>> -> memref<1x128x128xf32, #tpu.memory_space<hbm>>
        %dma_wait3A_37 = tpu.memref_squeeze %dma_wait3A_36 : memref<1x128x128xf32, #tpu.memory_space<hbm>> -> memref<128x128xf32, #tpu.memory_space<hbm>>
        %dma_wait3A_38 = arith.constant 0 : i32
        %dma_wait3A_39 = tpu.memref_slice %arg5[%arg0, %add3A_30, %dma_wait3A_38] : memref<2x10240x128xf32, #tpu.memory_space<hbm>> -> memref<1x128x128xf32, #tpu.memory_space<hbm>>
        %dma_wait3A_40 = tpu.memref_squeeze %dma_wait3A_39 : memref<1x128x128xf32, #tpu.memory_space<hbm>> -> memref<128x128xf32, #tpu.memory_space<hbm>>
        tpu.wait_dma2 semaphore(%run_scoped3A : memref<!tpu.dma_semaphore, #tpu.memory_space<semaphore_mem>>) src(%arg9 : memref<128x128xf32, #tpu.memory_space<vmem>>) dst(%dma_wait3A_40 : memref<128x128xf32, #tpu.memory_space<hbm>>)
        tpu.yield
      }) : () -> ()
    }
    %scan3A_26 = arith.constant 5 : i32
    return
  }
}

#map = affine_map<(d0, d1) -> (0, 0)>
#map1 = affine_map<(d0, d1) -> (0, 0, 0)>
module attributes {stable_mosaic.version = 14 : i64} {
  func.func @_pass(%arg0: i32, %arg1: i32, %arg2: memref<10240x128xf32, #tpu.memory_space<hbm>>, %arg3: memref<32x125x80xi32, #tpu.memory_space<hbm>>, %arg4: memref<32x125x80xi32, #tpu.memory_space<hbm>>, %arg5: memref<2x10240x128xf32, #tpu.memory_space<hbm>>, %arg6: memref<80xi32, #tpu.memory_space<vmem>>, %arg7: memref<80xi32, #tpu.memory_space<vmem>>, %arg8: memref<80x128xf32, #tpu.memory_space<vmem>>, %arg9: memref<128x128xf32, #tpu.memory_space<vmem>>, %arg10: memref<10240x128xf32, #tpu.memory_space<vmem_shared>>, %arg11: memref<!tpu.dma_semaphore, #tpu.memory_space<semaphore_mem>>) attributes {dimension_semantics = [#tpu.dimension_semantics<core_parallel>, #tpu.dimension_semantics<subcore_parallel>], iteration_bounds = array<i64: 2, 16>, scalar_prefetch = 0 : i64, scratch_operands = 6 : i64, tpu.core_type = #tpu.core_type<sc_vector_subcore>, window_params = [{transform_indices = #map}, {transform_indices = #map1}, {transform_indices = #map1}, {transform_indices = #map1}]} {
    %mul3A = arith.constant 2 : i32
    %mul3A_0 = arith.muli %arg1, %mul3A : i32
    %add3A = arith.addi %mul3A_0, %arg0 : i32
    %mul3A_1 = arith.constant 640 : i32
    %mul3A_2 = arith.muli %arg1, %mul3A_1 : i32
    %scan3A = arith.constant 0 : i32
    %scan3A_3 = arith.constant 0 : i32
    %scan3A_4 = arith.constant 128 : i32
    %scan3A_5 = arith.addi %scan3A_3, %scan3A_4 : i32
    %scan3A_6 = arith.constant 1 : i32
    scf.for %scan3A_27 = %scan3A_3 to %scan3A_5 step %scan3A_6  : i32 {
      %broadcast_in_dim3A = arith.constant 0.000000e+00 : f32
      %broadcast_in_dim3A_28 = vector.broadcast %broadcast_in_dim3A : f32 to vector<16xf32>
      %swap3A = arith.index_cast %scan3A_27 : i32 to index
      %swap3A_29 = arith.constant 0 : index
      %swap3A_30 = tpu.vector_load %arg9[%swap3A, %swap3A_29] {strides = array<i32>} : memref<128x128xf32, #tpu.memory_space<vmem>>, vector<1x16xf32>,
      %swap3A_31 = vector.shape_cast %swap3A_30 : vector<1x16xf32> to vector<16xf32>
      %swap3A_32 = vector.shape_cast %broadcast_in_dim3A_28 : vector<16xf32> to vector<1x16xf32>
      tpu.vector_store %arg9[%swap3A, %swap3A_29], %swap3A_32 {strides = array<i32>} : memref<128x128xf32, #tpu.memory_space<vmem>>, vector<1x16xf32>,
      %broadcast_in_dim3A_33 = arith.constant 0.000000e+00 : f32
      %broadcast_in_dim3A_34 = vector.broadcast %broadcast_in_dim3A_33 : f32 to vector<16xf32>
      %swap3A_35 = arith.index_cast %scan3A_27 : i32 to index
      %swap3A_36 = arith.constant 16 : index
      %swap3A_37 = tpu.vector_load %arg9[%swap3A_35, %swap3A_36] {strides = array<i32>} : memref<128x128xf32, #tpu.memory_space<vmem>>, vector<1x16xf32>,
      %swap3A_38 = vector.shape_cast %swap3A_37 : vector<1x16xf32> to vector<16xf32>
      %swap3A_39 = vector.shape_cast %broadcast_in_dim3A_34 : vector<16xf32> to vector<1x16xf32>
      tpu.vector_store %arg9[%swap3A_35, %swap3A_36], %swap3A_39 {strides = array<i32>} : memref<128x128xf32, #tpu.memory_space<vmem>>, vector<1x16xf32>,
      %broadcast_in_dim3A_40 = arith.constant 0.000000e+00 : f32
      %broadcast_in_dim3A_41 = vector.broadcast %broadcast_in_dim3A_40 : f32 to vector<16xf32>
      %swap3A_42 = arith.index_cast %scan3A_27 : i32 to index
      %swap3A_43 = arith.constant 32 : index
      %swap3A_44 = tpu.vector_load %arg9[%swap3A_42, %swap3A_43] {strides = array<i32>} : memref<128x128xf32, #tpu.memory_space<vmem>>, vector<1x16xf32>,
      %swap3A_45 = vector.shape_cast %swap3A_44 : vector<1x16xf32> to vector<16xf32>
      %swap3A_46 = vector.shape_cast %broadcast_in_dim3A_41 : vector<16xf32> to vector<1x16xf32>
      tpu.vector_store %arg9[%swap3A_42, %swap3A_43], %swap3A_46 {strides = array<i32>} : memref<128x128xf32, #tpu.memory_space<vmem>>, vector<1x16xf32>,
      %broadcast_in_dim3A_47 = arith.constant 0.000000e+00 : f32
      %broadcast_in_dim3A_48 = vector.broadcast %broadcast_in_dim3A_47 : f32 to vector<16xf32>
      %swap3A_49 = arith.index_cast %scan3A_27 : i32 to index
      %swap3A_50 = arith.constant 48 : index
      %swap3A_51 = tpu.vector_load %arg9[%swap3A_49, %swap3A_50] {strides = array<i32>} : memref<128x128xf32, #tpu.memory_space<vmem>>, vector<1x16xf32>,
      %swap3A_52 = vector.shape_cast %swap3A_51 : vector<1x16xf32> to vector<16xf32>
      %swap3A_53 = vector.shape_cast %broadcast_in_dim3A_48 : vector<16xf32> to vector<1x16xf32>
      tpu.vector_store %arg9[%swap3A_49, %swap3A_50], %swap3A_53 {strides = array<i32>} : memref<128x128xf32, #tpu.memory_space<vmem>>, vector<1x16xf32>,
      %broadcast_in_dim3A_54 = arith.constant 0.000000e+00 : f32
      %broadcast_in_dim3A_55 = vector.broadcast %broadcast_in_dim3A_54 : f32 to vector<16xf32>
      %swap3A_56 = arith.index_cast %scan3A_27 : i32 to index
      %swap3A_57 = arith.constant 64 : index
      %swap3A_58 = tpu.vector_load %arg9[%swap3A_56, %swap3A_57] {strides = array<i32>} : memref<128x128xf32, #tpu.memory_space<vmem>>, vector<1x16xf32>,
      %swap3A_59 = vector.shape_cast %swap3A_58 : vector<1x16xf32> to vector<16xf32>
      %swap3A_60 = vector.shape_cast %broadcast_in_dim3A_55 : vector<16xf32> to vector<1x16xf32>
      tpu.vector_store %arg9[%swap3A_56, %swap3A_57], %swap3A_60 {strides = array<i32>} : memref<128x128xf32, #tpu.memory_space<vmem>>, vector<1x16xf32>,
      %broadcast_in_dim3A_61 = arith.constant 0.000000e+00 : f32
      %broadcast_in_dim3A_62 = vector.broadcast %broadcast_in_dim3A_61 : f32 to vector<16xf32>
      %swap3A_63 = arith.index_cast %scan3A_27 : i32 to index
      %swap3A_64 = arith.constant 80 : index
      %swap3A_65 = tpu.vector_load %arg9[%swap3A_63, %swap3A_64] {strides = array<i32>} : memref<128x128xf32, #tpu.memory_space<vmem>>, vector<1x16xf32>,
      %swap3A_66 = vector.shape_cast %swap3A_65 : vector<1x16xf32> to vector<16xf32>
      %swap3A_67 = vector.shape_cast %broadcast_in_dim3A_62 : vector<16xf32> to vector<1x16xf32>
      tpu.vector_store %arg9[%swap3A_63, %swap3A_64], %swap3A_67 {strides = array<i32>} : memref<128x128xf32, #tpu.memory_space<vmem>>, vector<1x16xf32>,
      %broadcast_in_dim3A_68 = arith.constant 0.000000e+00 : f32
      %broadcast_in_dim3A_69 = vector.broadcast %broadcast_in_dim3A_68 : f32 to vector<16xf32>
      %swap3A_70 = arith.index_cast %scan3A_27 : i32 to index
      %swap3A_71 = arith.constant 96 : index
      %swap3A_72 = tpu.vector_load %arg9[%swap3A_70, %swap3A_71] {strides = array<i32>} : memref<128x128xf32, #tpu.memory_space<vmem>>, vector<1x16xf32>,
      %swap3A_73 = vector.shape_cast %swap3A_72 : vector<1x16xf32> to vector<16xf32>
      %swap3A_74 = vector.shape_cast %broadcast_in_dim3A_69 : vector<16xf32> to vector<1x16xf32>
      tpu.vector_store %arg9[%swap3A_70, %swap3A_71], %swap3A_74 {strides = array<i32>} : memref<128x128xf32, #tpu.memory_space<vmem>>, vector<1x16xf32>,
      %broadcast_in_dim3A_75 = arith.constant 0.000000e+00 : f32
      %broadcast_in_dim3A_76 = vector.broadcast %broadcast_in_dim3A_75 : f32 to vector<16xf32>
      %swap3A_77 = arith.index_cast %scan3A_27 : i32 to index
      %swap3A_78 = arith.constant 112 : index
      %swap3A_79 = tpu.vector_load %arg9[%swap3A_77, %swap3A_78] {strides = array<i32>} : memref<128x128xf32, #tpu.memory_space<vmem>>, vector<1x16xf32>,
      %swap3A_80 = vector.shape_cast %swap3A_79 : vector<1x16xf32> to vector<16xf32>
      %swap3A_81 = vector.shape_cast %broadcast_in_dim3A_76 : vector<16xf32> to vector<1x16xf32>
      tpu.vector_store %arg9[%swap3A_77, %swap3A_78], %swap3A_81 {strides = array<i32>} : memref<128x128xf32, #tpu.memory_space<vmem>>, vector<1x16xf32>,
    }
    %scan3A_7 = arith.constant 128 : i32
    %scan3A_8 = arith.constant 0 : i32
    %scan3A_9 = arith.constant 0 : i32
    %scan3A_10 = arith.constant 5 : i32
    %scan3A_11 = arith.addi %scan3A_9, %scan3A_10 : i32
    %scan3A_12 = arith.constant 1 : i32
    scf.for %scan3A_27 = %scan3A_9 to %scan3A_11 step %scan3A_12  : i32 {
      %mul3A_28 = arith.constant 128 : i32
      %mul3A_29 = arith.muli %scan3A_27, %mul3A_28 : i32
      %add3A_30 = arith.addi %mul3A_2, %mul3A_29 : i32
      "tpu.region"() ({
        %run_scoped3A = tpu.sem_alloc : memref<!tpu.dma_semaphore, #tpu.memory_space<semaphore_mem>>
        %dma_start3A = arith.constant 0 : i32
        %dma_start3A_31 = tpu.memref_slice %arg10[%add3A_30, %dma_start3A] : memref<10240x128xf32, #tpu.memory_space<vmem_shared>> -> memref<128x128xf32, #tpu.memory_space<vmem_shared>>
        %dma_start3A_32 = arith.constant 0 : i32
        %dma_start3A_33 = tpu.memref_slice %arg10[%add3A_30, %dma_start3A_32] : memref<10240x128xf32, #tpu.memory_space<vmem_shared>> -> memref<128x128xf32, #tpu.memory_space<vmem_shared>>
        tpu.enqueue_dma source(%arg9 : memref<128x128xf32, #tpu.memory_space<vmem>>) target(%dma_start3A_33 : memref<128x128xf32, #tpu.memory_space<vmem_shared>>) target_semaphore(%run_scoped3A : memref<!tpu.dma_semaphore, #tpu.memory_space<semaphore_mem>>)
        %dma_wait3A = arith.constant 0 : i32
        %dma_wait3A_34 = tpu.memref_slice %arg10[%add3A_30, %dma_wait3A] : memref<10240x128xf32, #tpu.memory_space<vmem_shared>> -> memref<128x128xf32, #tpu.memory_space<vmem_shared>>
        %dma_wait3A_35 = arith.constant 0 : i32
        %dma_wait3A_36 = tpu.memref_slice %arg10[%add3A_30, %dma_wait3A_35] : memref<10240x128xf32, #tpu.memory_space<vmem_shared>> -> memref<128x128xf32, #tpu.memory_space<vmem_shared>>
        tpu.wait_dma2 semaphore(%run_scoped3A : memref<!tpu.dma_semaphore, #tpu.memory_space<semaphore_mem>>) src(%arg9 : memref<128x128xf32, #tpu.memory_space<vmem>>) dst(%dma_wait3A_36 : memref<128x128xf32, #tpu.memory_space<vmem_shared>>)
        tpu.yield
      }) : () -> ()
    }
    %scan3A_13 = arith.constant 5 : i32
    %barrier3A = arith.constant 0 : index
    tpu.barrier barrier_id(%barrier3A)
    %scan3A_14 = arith.constant 0 : i32
    %scan3A_15 = arith.constant 0 : i32
    %scan3A_16 = arith.constant 125 : i32
    %scan3A_17 = arith.addi %scan3A_15, %scan3A_16 : i32
    %scan3A_18 = arith.constant 1 : i32
    scf.for %scan3A_27 = %scan3A_15 to %scan3A_17 step %scan3A_18  : i32 {
      "tpu.region"() ({
        %run_scoped3A = tpu.sem_alloc : memref<!tpu.dma_semaphore, #tpu.memory_space<semaphore_mem>>
        %dma_start3A_32 = arith.constant 0 : i32
        %dma_start3A_33 = tpu.memref_slice %arg3[%add3A, %scan3A_27, %dma_start3A_32] : memref<32x125x80xi32, #tpu.memory_space<hbm>> -> memref<1x1x80xi32, #tpu.memory_space<hbm>>
        %dma_start3A_34 = tpu.memref_squeeze %dma_start3A_33 : memref<1x1x80xi32, #tpu.memory_space<hbm>> -> memref<80xi32, #tpu.memory_space<hbm>>
        %dma_start3A_35 = arith.constant 0 : i32
        %dma_start3A_36 = tpu.memref_slice %arg3[%add3A, %scan3A_27, %dma_start3A_35] : memref<32x125x80xi32, #tpu.memory_space<hbm>> -> memref<1x1x80xi32, #tpu.memory_space<hbm>>
        %dma_start3A_37 = tpu.memref_squeeze %dma_start3A_36 : memref<1x1x80xi32, #tpu.memory_space<hbm>> -> memref<80xi32, #tpu.memory_space<hbm>>
        tpu.enqueue_dma source(%dma_start3A_37 : memref<80xi32, #tpu.memory_space<hbm>>) target(%arg6 : memref<80xi32, #tpu.memory_space<vmem>>) target_semaphore(%run_scoped3A : memref<!tpu.dma_semaphore, #tpu.memory_space<semaphore_mem>>)
        %dma_wait3A_38 = arith.constant 0 : i32
        %dma_wait3A_39 = tpu.memref_slice %arg3[%add3A, %scan3A_27, %dma_wait3A_38] : memref<32x125x80xi32, #tpu.memory_space<hbm>> -> memref<1x1x80xi32, #tpu.memory_space<hbm>>
        %dma_wait3A_40 = tpu.memref_squeeze %dma_wait3A_39 : memref<1x1x80xi32, #tpu.memory_space<hbm>> -> memref<80xi32, #tpu.memory_space<hbm>>
        %dma_wait3A_41 = arith.constant 0 : i32
        %dma_wait3A_42 = tpu.memref_slice %arg3[%add3A, %scan3A_27, %dma_wait3A_41] : memref<32x125x80xi32, #tpu.memory_space<hbm>> -> memref<1x1x80xi32, #tpu.memory_space<hbm>>
        %dma_wait3A_43 = tpu.memref_squeeze %dma_wait3A_42 : memref<1x1x80xi32, #tpu.memory_space<hbm>> -> memref<80xi32, #tpu.memory_space<hbm>>
        tpu.wait_dma2 semaphore(%run_scoped3A : memref<!tpu.dma_semaphore, #tpu.memory_space<semaphore_mem>>) src(%dma_wait3A_43 : memref<80xi32, #tpu.memory_space<hbm>>) dst(%arg6 : memref<80xi32, #tpu.memory_space<vmem>>)
        tpu.yield
      }) : () -> ()
      "tpu.region"() ({
        %run_scoped3A = tpu.sem_alloc : memref<!tpu.dma_semaphore, #tpu.memory_space<semaphore_mem>>
        %dma_start3A_32 = arith.constant 0 : i32
        %dma_start3A_33 = tpu.memref_slice %arg4[%add3A, %scan3A_27, %dma_start3A_32] : memref<32x125x80xi32, #tpu.memory_space<hbm>> -> memref<1x1x80xi32, #tpu.memory_space<hbm>>
        %dma_start3A_34 = tpu.memref_squeeze %dma_start3A_33 : memref<1x1x80xi32, #tpu.memory_space<hbm>> -> memref<80xi32, #tpu.memory_space<hbm>>
        %dma_start3A_35 = arith.constant 0 : i32
        %dma_start3A_36 = tpu.memref_slice %arg4[%add3A, %scan3A_27, %dma_start3A_35] : memref<32x125x80xi32, #tpu.memory_space<hbm>> -> memref<1x1x80xi32, #tpu.memory_space<hbm>>
        %dma_start3A_37 = tpu.memref_squeeze %dma_start3A_36 : memref<1x1x80xi32, #tpu.memory_space<hbm>> -> memref<80xi32, #tpu.memory_space<hbm>>
        tpu.enqueue_dma source(%dma_start3A_37 : memref<80xi32, #tpu.memory_space<hbm>>) target(%arg7 : memref<80xi32, #tpu.memory_space<vmem>>) target_semaphore(%run_scoped3A : memref<!tpu.dma_semaphore, #tpu.memory_space<semaphore_mem>>)
        %dma_wait3A_38 = arith.constant 0 : i32
        %dma_wait3A_39 = tpu.memref_slice %arg4[%add3A, %scan3A_27, %dma_wait3A_38] : memref<32x125x80xi32, #tpu.memory_space<hbm>> -> memref<1x1x80xi32, #tpu.memory_space<hbm>>
        %dma_wait3A_40 = tpu.memref_squeeze %dma_wait3A_39 : memref<1x1x80xi32, #tpu.memory_space<hbm>> -> memref<80xi32, #tpu.memory_space<hbm>>
        %dma_wait3A_41 = arith.constant 0 : i32
        %dma_wait3A_42 = tpu.memref_slice %arg4[%add3A, %scan3A_27, %dma_wait3A_41] : memref<32x125x80xi32, #tpu.memory_space<hbm>> -> memref<1x1x80xi32, #tpu.memory_space<hbm>>
        %dma_wait3A_43 = tpu.memref_squeeze %dma_wait3A_42 : memref<1x1x80xi32, #tpu.memory_space<hbm>> -> memref<80xi32, #tpu.memory_space<hbm>>
        tpu.wait_dma2 semaphore(%run_scoped3A : memref<!tpu.dma_semaphore, #tpu.memory_space<semaphore_mem>>) src(%dma_wait3A_43 : memref<80xi32, #tpu.memory_space<hbm>>) dst(%arg7 : memref<80xi32, #tpu.memory_space<vmem>>)
        tpu.yield
      }) : () -> ()
      %dma_start3A = arith.constant 0 : i32
      %dma_start3A_28 = arith.constant 0 : i32
      %dma_start3A_29 = tpu.memref_slice %arg2[%dma_start3A, %dma_start3A_28] : memref<10240x128xf32, #tpu.memory_space<hbm>> -> memref<10240x128xf32, #tpu.memory_space<hbm>>
      tpu.enqueue_indirect_dma source(%dma_start3A_29 : memref<10240x128xf32, #tpu.memory_space<hbm>>) target(%arg8 : memref<80x128xf32, #tpu.memory_space<vmem>>) offsets(%arg6 : memref<80xi32, #tpu.memory_space<vmem>>) semaphore(%arg11 : memref<!tpu.dma_semaphore, #tpu.memory_space<semaphore_mem>>)
      %dma_wait3A = arith.constant 0 : i32
      %dma_wait3A_30 = arith.constant 0 : i32
      %dma_wait3A_31 = tpu.memref_slice %arg2[%dma_wait3A, %dma_wait3A_30] : memref<10240x128xf32, #tpu.memory_space<hbm>> -> memref<10240x128xf32, #tpu.memory_space<hbm>>
      tpu.wait_indirect_dma semaphore(%arg11 : memref<!tpu.dma_semaphore, #tpu.memory_space<semaphore_mem>>) src(%dma_wait3A_31 : memref<10240x128xf32, #tpu.memory_space<hbm>>) dst(%arg8 : memref<80x128xf32, #tpu.memory_space<vmem>>)
      "tpu.region"() ({
        %run_scoped3A = tpu.sem_alloc : memref<!tpu.dma_semaphore, #tpu.memory_space<semaphore_mem>>
        %dma_start3A_32 = arith.constant 0 : i32
        %dma_start3A_33 = arith.constant 0 : i32
        %dma_start3A_34 = tpu.memref_slice %arg10[%dma_start3A_32, %dma_start3A_33] : memref<10240x128xf32, #tpu.memory_space<vmem_shared>> -> memref<10240x128xf32, #tpu.memory_space<vmem_shared>>
        tpu.enqueue_indirect_dma source(%arg8 : memref<80x128xf32, #tpu.memory_space<vmem>>) target(%dma_start3A_34 : memref<10240x128xf32, #tpu.memory_space<vmem_shared>>) offsets(%arg7 : memref<80xi32, #tpu.memory_space<vmem>>) semaphore(%run_scoped3A : memref<!tpu.dma_semaphore, #tpu.memory_space<semaphore_mem>>) {add = true}
        %dma_wait3A_35 = arith.constant 0 : i32
        %dma_wait3A_36 = arith.constant 0 : i32
        %dma_wait3A_37 = tpu.memref_slice %arg10[%dma_wait3A_35, %dma_wait3A_36] : memref<10240x128xf32, #tpu.memory_space<vmem_shared>> -> memref<10240x128xf32, #tpu.memory_space<vmem_shared>>
        tpu.wait_indirect_dma semaphore(%run_scoped3A : memref<!tpu.dma_semaphore, #tpu.memory_space<semaphore_mem>>) src(%arg8 : memref<80x128xf32, #tpu.memory_space<vmem>>) dst(%dma_wait3A_37 : memref<10240x128xf32, #tpu.memory_space<vmem_shared>>)
        tpu.yield
      }) : () -> ()
    }
    %scan3A_19 = arith.constant 125 : i32
    %barrier3A_20 = arith.constant 0 : index
    tpu.barrier barrier_id(%barrier3A_20)
    %scan3A_21 = arith.constant 0 : i32
    %scan3A_22 = arith.constant 0 : i32
    %scan3A_23 = arith.constant 5 : i32
    %scan3A_24 = arith.addi %scan3A_22, %scan3A_23 : i32
    %scan3A_25 = arith.constant 1 : i32
    scf.for %scan3A_27 = %scan3A_22 to %scan3A_24 step %scan3A_25  : i32 {
      %mul3A_28 = arith.constant 128 : i32
      %mul3A_29 = arith.muli %scan3A_27, %mul3A_28 : i32
      %add3A_30 = arith.addi %mul3A_2, %mul3A_29 : i32
      "tpu.region"() ({
        %run_scoped3A = tpu.sem_alloc : memref<!tpu.dma_semaphore, #tpu.memory_space<semaphore_mem>>
        %dma_start3A = arith.constant 0 : i32
        %dma_start3A_31 = tpu.memref_slice %arg10[%add3A_30, %dma_start3A] : memref<10240x128xf32, #tpu.memory_space<vmem_shared>> -> memref<128x128xf32, #tpu.memory_space<vmem_shared>>
        %dma_start3A_32 = arith.constant 0 : i32
        %dma_start3A_33 = tpu.memref_slice %arg10[%add3A_30, %dma_start3A_32] : memref<10240x128xf32, #tpu.memory_space<vmem_shared>> -> memref<128x128xf32, #tpu.memory_space<vmem_shared>>
        tpu.enqueue_dma source(%dma_start3A_33 : memref<128x128xf32, #tpu.memory_space<vmem_shared>>) target(%arg9 : memref<128x128xf32, #tpu.memory_space<vmem>>) target_semaphore(%run_scoped3A : memref<!tpu.dma_semaphore, #tpu.memory_space<semaphore_mem>>)
        %dma_wait3A = arith.constant 0 : i32
        %dma_wait3A_34 = tpu.memref_slice %arg10[%add3A_30, %dma_wait3A] : memref<10240x128xf32, #tpu.memory_space<vmem_shared>> -> memref<128x128xf32, #tpu.memory_space<vmem_shared>>
        %dma_wait3A_35 = arith.constant 0 : i32
        %dma_wait3A_36 = tpu.memref_slice %arg10[%add3A_30, %dma_wait3A_35] : memref<10240x128xf32, #tpu.memory_space<vmem_shared>> -> memref<128x128xf32, #tpu.memory_space<vmem_shared>>
        tpu.wait_dma2 semaphore(%run_scoped3A : memref<!tpu.dma_semaphore, #tpu.memory_space<semaphore_mem>>) src(%dma_wait3A_36 : memref<128x128xf32, #tpu.memory_space<vmem_shared>>) dst(%arg9 : memref<128x128xf32, #tpu.memory_space<vmem>>)
        tpu.yield
      }) : () -> ()
      "tpu.region"() ({
        %run_scoped3A = tpu.sem_alloc : memref<!tpu.dma_semaphore, #tpu.memory_space<semaphore_mem>>
        %dma_start3A = arith.constant 0 : i32
        %dma_start3A_31 = tpu.memref_slice %arg5[%arg0, %add3A_30, %dma_start3A] : memref<2x10240x128xf32, #tpu.memory_space<hbm>> -> memref<1x128x128xf32, #tpu.memory_space<hbm>>
        %dma_start3A_32 = tpu.memref_squeeze %dma_start3A_31 : memref<1x128x128xf32, #tpu.memory_space<hbm>> -> memref<128x128xf32, #tpu.memory_space<hbm>>
        %dma_start3A_33 = arith.constant 0 : i32
        %dma_start3A_34 = tpu.memref_slice %arg5[%arg0, %add3A_30, %dma_start3A_33] : memref<2x10240x128xf32, #tpu.memory_space<hbm>> -> memref<1x128x128xf32, #tpu.memory_space<hbm>>
        %dma_start3A_35 = tpu.memref_squeeze %dma_start3A_34 : memref<1x128x128xf32, #tpu.memory_space<hbm>> -> memref<128x128xf32, #tpu.memory_space<hbm>>
        tpu.enqueue_dma source(%arg9 : memref<128x128xf32, #tpu.memory_space<vmem>>) target(%dma_start3A_35 : memref<128x128xf32, #tpu.memory_space<hbm>>) target_semaphore(%run_scoped3A : memref<!tpu.dma_semaphore, #tpu.memory_space<semaphore_mem>>)
        %dma_wait3A = arith.constant 0 : i32
        %dma_wait3A_36 = tpu.memref_slice %arg5[%arg0, %add3A_30, %dma_wait3A] : memref<2x10240x128xf32, #tpu.memory_space<hbm>> -> memref<1x128x128xf32, #tpu.memory_space<hbm>>
        %dma_wait3A_37 = tpu.memref_squeeze %dma_wait3A_36 : memref<1x128x128xf32, #tpu.memory_space<hbm>> -> memref<128x128xf32, #tpu.memory_space<hbm>>
        %dma_wait3A_38 = arith.constant 0 : i32
        %dma_wait3A_39 = tpu.memref_slice %arg5[%arg0, %add3A_30, %dma_wait3A_38] : memref<2x10240x128xf32, #tpu.memory_space<hbm>> -> memref<1x128x128xf32, #tpu.memory_space<hbm>>
        %dma_wait3A_40 = tpu.memref_squeeze %dma_wait3A_39 : memref<1x128x128xf32, #tpu.memory_space<hbm>> -> memref<128x128xf32, #tpu.memory_space<hbm>>
        tpu.wait_dma2 semaphore(%run_scoped3A : memref<!tpu.dma_semaphore, #tpu.memory_space<semaphore_mem>>) src(%arg9 : memref<128x128xf32, #tpu.memory_space<vmem>>) dst(%dma_wait3A_40 : memref<128x128xf32, #tpu.memory_space<hbm>>)
        tpu.yield
      }) : () -> ()
    }
    %scan3A_26 = arith.constant 5 : i32
    return
  }
}

#map = affine_map<(d0, d1) -> (0, 0)>
#map1 = affine_map<(d0, d1) -> (0, 0, 0)>
module attributes {stable_mosaic.version = 14 : i64} {
  func.func @_pass(%arg0: i32, %arg1: i32, %arg2: memref<10240x128xf32, #tpu.memory_space<hbm>>, %arg3: memref<32x125x80xi32, #tpu.memory_space<hbm>>, %arg4: memref<32x125x80xi32, #tpu.memory_space<hbm>>, %arg5: memref<2x10240x128xf32, #tpu.memory_space<hbm>>, %arg6: memref<80xi32, #tpu.memory_space<vmem>>, %arg7: memref<80xi32, #tpu.memory_space<vmem>>, %arg8: memref<80x128xf32, #tpu.memory_space<vmem>>, %arg9: memref<128x128xf32, #tpu.memory_space<vmem>>, %arg10: memref<10240x128xf32, #tpu.memory_space<vmem_shared>>, %arg11: memref<!tpu.dma_semaphore, #tpu.memory_space<semaphore_mem>>) attributes {dimension_semantics = [#tpu.dimension_semantics<core_parallel>, #tpu.dimension_semantics<subcore_parallel>], iteration_bounds = array<i64: 2, 16>, scalar_prefetch = 0 : i64, scratch_operands = 6 : i64, tpu.core_type = #tpu.core_type<sc_vector_subcore>, window_params = [{transform_indices = #map}, {transform_indices = #map1}, {transform_indices = #map1}, {transform_indices = #map1}]} {
    %mul3A = arith.constant 2 : i32
    %mul3A_0 = arith.muli %arg1, %mul3A : i32
    %add3A = arith.addi %mul3A_0, %arg0 : i32
    %mul3A_1 = arith.constant 640 : i32
    %mul3A_2 = arith.muli %arg1, %mul3A_1 : i32
    %scan3A = arith.constant 0 : i32
    %scan3A_3 = arith.constant 0 : i32
    %scan3A_4 = arith.constant 128 : i32
    %scan3A_5 = arith.addi %scan3A_3, %scan3A_4 : i32
    %scan3A_6 = arith.constant 1 : i32
    scf.for %scan3A_27 = %scan3A_3 to %scan3A_5 step %scan3A_6  : i32 {
      %broadcast_in_dim3A = arith.constant 0.000000e+00 : f32
      %broadcast_in_dim3A_28 = vector.broadcast %broadcast_in_dim3A : f32 to vector<16xf32>
      %swap3A = arith.index_cast %scan3A_27 : i32 to index
      %swap3A_29 = arith.constant 0 : index
      %swap3A_30 = tpu.vector_load %arg9[%swap3A, %swap3A_29] {strides = array<i32>} : memref<128x128xf32, #tpu.memory_space<vmem>>, vector<1x16xf32>,
      %swap3A_31 = vector.shape_cast %swap3A_30 : vector<1x16xf32> to vector<16xf32>
      %swap3A_32 = vector.shape_cast %broadcast_in_dim3A_28 : vector<16xf32> to vector<1x16xf32>
      tpu.vector_store %arg9[%swap3A, %swap3A_29], %swap3A_32 {strides = array<i32>} : memref<128x128xf32, #tpu.memory_space<vmem>>, vector<1x16xf32>,
      %broadcast_in_dim3A_33 = arith.constant 0.000000e+00 : f32
      %broadcast_in_dim3A_34 = vector.broadcast %broadcast_in_dim3A_33 : f32 to vector<16xf32>
      %swap3A_35 = arith.index_cast %scan3A_27 : i32 to index
      %swap3A_36 = arith.constant 16 : index
      %swap3A_37 = tpu.vector_load %arg9[%swap3A_35, %swap3A_36] {strides = array<i32>} : memref<128x128xf32, #tpu.memory_space<vmem>>, vector<1x16xf32>,
      %swap3A_38 = vector.shape_cast %swap3A_37 : vector<1x16xf32> to vector<16xf32>
      %swap3A_39 = vector.shape_cast %broadcast_in_dim3A_34 : vector<16xf32> to vector<1x16xf32>
      tpu.vector_store %arg9[%swap3A_35, %swap3A_36], %swap3A_39 {strides = array<i32>} : memref<128x128xf32, #tpu.memory_space<vmem>>, vector<1x16xf32>,
      %broadcast_in_dim3A_40 = arith.constant 0.000000e+00 : f32
      %broadcast_in_dim3A_41 = vector.broadcast %broadcast_in_dim3A_40 : f32 to vector<16xf32>
      %swap3A_42 = arith.index_cast %scan3A_27 : i32 to index
      %swap3A_43 = arith.constant 32 : index
      %swap3A_44 = tpu.vector_load %arg9[%swap3A_42, %swap3A_43] {strides = array<i32>} : memref<128x128xf32, #tpu.memory_space<vmem>>, vector<1x16xf32>,
      %swap3A_45 = vector.shape_cast %swap3A_44 : vector<1x16xf32> to vector<16xf32>
      %swap3A_46 = vector.shape_cast %broadcast_in_dim3A_41 : vector<16xf32> to vector<1x16xf32>
      tpu.vector_store %arg9[%swap3A_42, %swap3A_43], %swap3A_46 {strides = array<i32>} : memref<128x128xf32, #tpu.memory_space<vmem>>, vector<1x16xf32>,
      %broadcast_in_dim3A_47 = arith.constant 0.000000e+00 : f32
      %broadcast_in_dim3A_48 = vector.broadcast %broadcast_in_dim3A_47 : f32 to vector<16xf32>
      %swap3A_49 = arith.index_cast %scan3A_27 : i32 to index
      %swap3A_50 = arith.constant 48 : index
      %swap3A_51 = tpu.vector_load %arg9[%swap3A_49, %swap3A_50] {strides = array<i32>} : memref<128x128xf32, #tpu.memory_space<vmem>>, vector<1x16xf32>,
      %swap3A_52 = vector.shape_cast %swap3A_51 : vector<1x16xf32> to vector<16xf32>
      %swap3A_53 = vector.shape_cast %broadcast_in_dim3A_48 : vector<16xf32> to vector<1x16xf32>
      tpu.vector_store %arg9[%swap3A_49, %swap3A_50], %swap3A_53 {strides = array<i32>} : memref<128x128xf32, #tpu.memory_space<vmem>>, vector<1x16xf32>,
      %broadcast_in_dim3A_54 = arith.constant 0.000000e+00 : f32
      %broadcast_in_dim3A_55 = vector.broadcast %broadcast_in_dim3A_54 : f32 to vector<16xf32>
      %swap3A_56 = arith.index_cast %scan3A_27 : i32 to index
      %swap3A_57 = arith.constant 64 : index
      %swap3A_58 = tpu.vector_load %arg9[%swap3A_56, %swap3A_57] {strides = array<i32>} : memref<128x128xf32, #tpu.memory_space<vmem>>, vector<1x16xf32>,
      %swap3A_59 = vector.shape_cast %swap3A_58 : vector<1x16xf32> to vector<16xf32>
      %swap3A_60 = vector.shape_cast %broadcast_in_dim3A_55 : vector<16xf32> to vector<1x16xf32>
      tpu.vector_store %arg9[%swap3A_56, %swap3A_57], %swap3A_60 {strides = array<i32>} : memref<128x128xf32, #tpu.memory_space<vmem>>, vector<1x16xf32>,
      %broadcast_in_dim3A_61 = arith.constant 0.000000e+00 : f32
      %broadcast_in_dim3A_62 = vector.broadcast %broadcast_in_dim3A_61 : f32 to vector<16xf32>
      %swap3A_63 = arith.index_cast %scan3A_27 : i32 to index
      %swap3A_64 = arith.constant 80 : index
      %swap3A_65 = tpu.vector_load %arg9[%swap3A_63, %swap3A_64] {strides = array<i32>} : memref<128x128xf32, #tpu.memory_space<vmem>>, vector<1x16xf32>,
      %swap3A_66 = vector.shape_cast %swap3A_65 : vector<1x16xf32> to vector<16xf32>
      %swap3A_67 = vector.shape_cast %broadcast_in_dim3A_62 : vector<16xf32> to vector<1x16xf32>
      tpu.vector_store %arg9[%swap3A_63, %swap3A_64], %swap3A_67 {strides = array<i32>} : memref<128x128xf32, #tpu.memory_space<vmem>>, vector<1x16xf32>,
      %broadcast_in_dim3A_68 = arith.constant 0.000000e+00 : f32
      %broadcast_in_dim3A_69 = vector.broadcast %broadcast_in_dim3A_68 : f32 to vector<16xf32>
      %swap3A_70 = arith.index_cast %scan3A_27 : i32 to index
      %swap3A_71 = arith.constant 96 : index
      %swap3A_72 = tpu.vector_load %arg9[%swap3A_70, %swap3A_71] {strides = array<i32>} : memref<128x128xf32, #tpu.memory_space<vmem>>, vector<1x16xf32>,
      %swap3A_73 = vector.shape_cast %swap3A_72 : vector<1x16xf32> to vector<16xf32>
      %swap3A_74 = vector.shape_cast %broadcast_in_dim3A_69 : vector<16xf32> to vector<1x16xf32>
      tpu.vector_store %arg9[%swap3A_70, %swap3A_71], %swap3A_74 {strides = array<i32>} : memref<128x128xf32, #tpu.memory_space<vmem>>, vector<1x16xf32>,
      %broadcast_in_dim3A_75 = arith.constant 0.000000e+00 : f32
      %broadcast_in_dim3A_76 = vector.broadcast %broadcast_in_dim3A_75 : f32 to vector<16xf32>
      %swap3A_77 = arith.index_cast %scan3A_27 : i32 to index
      %swap3A_78 = arith.constant 112 : index
      %swap3A_79 = tpu.vector_load %arg9[%swap3A_77, %swap3A_78] {strides = array<i32>} : memref<128x128xf32, #tpu.memory_space<vmem>>, vector<1x16xf32>,
      %swap3A_80 = vector.shape_cast %swap3A_79 : vector<1x16xf32> to vector<16xf32>
      %swap3A_81 = vector.shape_cast %broadcast_in_dim3A_76 : vector<16xf32> to vector<1x16xf32>
      tpu.vector_store %arg9[%swap3A_77, %swap3A_78], %swap3A_81 {strides = array<i32>} : memref<128x128xf32, #tpu.memory_space<vmem>>, vector<1x16xf32>,
    }
    %scan3A_7 = arith.constant 128 : i32
    %scan3A_8 = arith.constant 0 : i32
    %scan3A_9 = arith.constant 0 : i32
    %scan3A_10 = arith.constant 5 : i32
    %scan3A_11 = arith.addi %scan3A_9, %scan3A_10 : i32
    %scan3A_12 = arith.constant 1 : i32
    scf.for %scan3A_27 = %scan3A_9 to %scan3A_11 step %scan3A_12  : i32 {
      %mul3A_28 = arith.constant 128 : i32
      %mul3A_29 = arith.muli %scan3A_27, %mul3A_28 : i32
      %add3A_30 = arith.addi %mul3A_2, %mul3A_29 : i32
      "tpu.region"() ({
        %run_scoped3A = tpu.sem_alloc : memref<!tpu.dma_semaphore, #tpu.memory_space<semaphore_mem>>
        %dma_start3A = arith.constant 0 : i32
        %dma_start3A_31 = tpu.memref_slice %arg10[%add3A_30, %dma_start3A] : memref<10240x128xf32, #tpu.memory_space<vmem_shared>> -> memref<128x128xf32, #tpu.memory_space<vmem_shared>>
        %dma_start3A_32 = arith.constant 0 : i32
        %dma_start3A_33 = tpu.memref_slice %arg10[%add3A_30, %dma_start3A_32] : memref<10240x128xf32, #tpu.memory_space<vmem_shared>> -> memref<128x128xf32, #tpu.memory_space<vmem_shared>>
        tpu.enqueue_dma source(%arg9 : memref<128x128xf32, #tpu.memory_space<vmem>>) target(%dma_start3A_33 : memref<128x128xf32, #tpu.memory_space<vmem_shared>>) target_semaphore(%run_scoped3A : memref<!tpu.dma_semaphore, #tpu.memory_space<semaphore_mem>>)
        %dma_wait3A = arith.constant 0 : i32
        %dma_wait3A_34 = tpu.memref_slice %arg10[%add3A_30, %dma_wait3A] : memref<10240x128xf32, #tpu.memory_space<vmem_shared>> -> memref<128x128xf32, #tpu.memory_space<vmem_shared>>
        %dma_wait3A_35 = arith.constant 0 : i32
        %dma_wait3A_36 = tpu.memref_slice %arg10[%add3A_30, %dma_wait3A_35] : memref<10240x128xf32, #tpu.memory_space<vmem_shared>> -> memref<128x128xf32, #tpu.memory_space<vmem_shared>>
        tpu.wait_dma2 semaphore(%run_scoped3A : memref<!tpu.dma_semaphore, #tpu.memory_space<semaphore_mem>>) src(%arg9 : memref<128x128xf32, #tpu.memory_space<vmem>>) dst(%dma_wait3A_36 : memref<128x128xf32, #tpu.memory_space<vmem_shared>>)
        tpu.yield
      }) : () -> ()
    }
    %scan3A_13 = arith.constant 5 : i32
    %barrier3A = arith.constant 0 : index
    tpu.barrier barrier_id(%barrier3A)
    %scan3A_14 = arith.constant 0 : i32
    %scan3A_15 = arith.constant 0 : i32
    %scan3A_16 = arith.constant 125 : i32
    %scan3A_17 = arith.addi %scan3A_15, %scan3A_16 : i32
    %scan3A_18 = arith.constant 1 : i32
    scf.for %scan3A_27 = %scan3A_15 to %scan3A_17 step %scan3A_18  : i32 {
      "tpu.region"() ({
        %run_scoped3A = tpu.sem_alloc : memref<!tpu.dma_semaphore, #tpu.memory_space<semaphore_mem>>
        %dma_start3A_32 = arith.constant 0 : i32
        %dma_start3A_33 = tpu.memref_slice %arg3[%add3A, %scan3A_27, %dma_start3A_32] : memref<32x125x80xi32, #tpu.memory_space<hbm>> -> memref<1x1x80xi32, #tpu.memory_space<hbm>>
        %dma_start3A_34 = tpu.memref_squeeze %dma_start3A_33 : memref<1x1x80xi32, #tpu.memory_space<hbm>> -> memref<80xi32, #tpu.memory_space<hbm>>
        %dma_start3A_35 = arith.constant 0 : i32
        %dma_start3A_36 = tpu.memref_slice %arg3[%add3A, %scan3A_27, %dma_start3A_35] : memref<32x125x80xi32, #tpu.memory_space<hbm>> -> memref<1x1x80xi32, #tpu.memory_space<hbm>>
        %dma_start3A_37 = tpu.memref_squeeze %dma_start3A_36 : memref<1x1x80xi32, #tpu.memory_space<hbm>> -> memref<80xi32, #tpu.memory_space<hbm>>
        tpu.enqueue_dma source(%dma_start3A_37 : memref<80xi32, #tpu.memory_space<hbm>>) target(%arg6 : memref<80xi32, #tpu.memory_space<vmem>>) target_semaphore(%run_scoped3A : memref<!tpu.dma_semaphore, #tpu.memory_space<semaphore_mem>>)
        %dma_wait3A_38 = arith.constant 0 : i32
        %dma_wait3A_39 = tpu.memref_slice %arg3[%add3A, %scan3A_27, %dma_wait3A_38] : memref<32x125x80xi32, #tpu.memory_space<hbm>> -> memref<1x1x80xi32, #tpu.memory_space<hbm>>
        %dma_wait3A_40 = tpu.memref_squeeze %dma_wait3A_39 : memref<1x1x80xi32, #tpu.memory_space<hbm>> -> memref<80xi32, #tpu.memory_space<hbm>>
        %dma_wait3A_41 = arith.constant 0 : i32
        %dma_wait3A_42 = tpu.memref_slice %arg3[%add3A, %scan3A_27, %dma_wait3A_41] : memref<32x125x80xi32, #tpu.memory_space<hbm>> -> memref<1x1x80xi32, #tpu.memory_space<hbm>>
        %dma_wait3A_43 = tpu.memref_squeeze %dma_wait3A_42 : memref<1x1x80xi32, #tpu.memory_space<hbm>> -> memref<80xi32, #tpu.memory_space<hbm>>
        tpu.wait_dma2 semaphore(%run_scoped3A : memref<!tpu.dma_semaphore, #tpu.memory_space<semaphore_mem>>) src(%dma_wait3A_43 : memref<80xi32, #tpu.memory_space<hbm>>) dst(%arg6 : memref<80xi32, #tpu.memory_space<vmem>>)
        tpu.yield
      }) : () -> ()
      "tpu.region"() ({
        %run_scoped3A = tpu.sem_alloc : memref<!tpu.dma_semaphore, #tpu.memory_space<semaphore_mem>>
        %dma_start3A_32 = arith.constant 0 : i32
        %dma_start3A_33 = tpu.memref_slice %arg4[%add3A, %scan3A_27, %dma_start3A_32] : memref<32x125x80xi32, #tpu.memory_space<hbm>> -> memref<1x1x80xi32, #tpu.memory_space<hbm>>
        %dma_start3A_34 = tpu.memref_squeeze %dma_start3A_33 : memref<1x1x80xi32, #tpu.memory_space<hbm>> -> memref<80xi32, #tpu.memory_space<hbm>>
        %dma_start3A_35 = arith.constant 0 : i32
        %dma_start3A_36 = tpu.memref_slice %arg4[%add3A, %scan3A_27, %dma_start3A_35] : memref<32x125x80xi32, #tpu.memory_space<hbm>> -> memref<1x1x80xi32, #tpu.memory_space<hbm>>
        %dma_start3A_37 = tpu.memref_squeeze %dma_start3A_36 : memref<1x1x80xi32, #tpu.memory_space<hbm>> -> memref<80xi32, #tpu.memory_space<hbm>>
        tpu.enqueue_dma source(%dma_start3A_37 : memref<80xi32, #tpu.memory_space<hbm>>) target(%arg7 : memref<80xi32, #tpu.memory_space<vmem>>) target_semaphore(%run_scoped3A : memref<!tpu.dma_semaphore, #tpu.memory_space<semaphore_mem>>)
        %dma_wait3A_38 = arith.constant 0 : i32
        %dma_wait3A_39 = tpu.memref_slice %arg4[%add3A, %scan3A_27, %dma_wait3A_38] : memref<32x125x80xi32, #tpu.memory_space<hbm>> -> memref<1x1x80xi32, #tpu.memory_space<hbm>>
        %dma_wait3A_40 = tpu.memref_squeeze %dma_wait3A_39 : memref<1x1x80xi32, #tpu.memory_space<hbm>> -> memref<80xi32, #tpu.memory_space<hbm>>
        %dma_wait3A_41 = arith.constant 0 : i32
        %dma_wait3A_42 = tpu.memref_slice %arg4[%add3A, %scan3A_27, %dma_wait3A_41] : memref<32x125x80xi32, #tpu.memory_space<hbm>> -> memref<1x1x80xi32, #tpu.memory_space<hbm>>
        %dma_wait3A_43 = tpu.memref_squeeze %dma_wait3A_42 : memref<1x1x80xi32, #tpu.memory_space<hbm>> -> memref<80xi32, #tpu.memory_space<hbm>>
        tpu.wait_dma2 semaphore(%run_scoped3A : memref<!tpu.dma_semaphore, #tpu.memory_space<semaphore_mem>>) src(%dma_wait3A_43 : memref<80xi32, #tpu.memory_space<hbm>>) dst(%arg7 : memref<80xi32, #tpu.memory_space<vmem>>)
        tpu.yield
      }) : () -> ()
      %dma_start3A = arith.constant 0 : i32
      %dma_start3A_28 = arith.constant 0 : i32
      %dma_start3A_29 = tpu.memref_slice %arg2[%dma_start3A, %dma_start3A_28] : memref<10240x128xf32, #tpu.memory_space<hbm>> -> memref<10240x128xf32, #tpu.memory_space<hbm>>
      tpu.enqueue_indirect_dma source(%dma_start3A_29 : memref<10240x128xf32, #tpu.memory_space<hbm>>) target(%arg8 : memref<80x128xf32, #tpu.memory_space<vmem>>) offsets(%arg6 : memref<80xi32, #tpu.memory_space<vmem>>) semaphore(%arg11 : memref<!tpu.dma_semaphore, #tpu.memory_space<semaphore_mem>>)
      %dma_wait3A = arith.constant 0 : i32
      %dma_wait3A_30 = arith.constant 0 : i32
      %dma_wait3A_31 = tpu.memref_slice %arg2[%dma_wait3A, %dma_wait3A_30] : memref<10240x128xf32, #tpu.memory_space<hbm>> -> memref<10240x128xf32, #tpu.memory_space<hbm>>
      tpu.wait_indirect_dma semaphore(%arg11 : memref<!tpu.dma_semaphore, #tpu.memory_space<semaphore_mem>>) src(%dma_wait3A_31 : memref<10240x128xf32, #tpu.memory_space<hbm>>) dst(%arg8 : memref<80x128xf32, #tpu.memory_space<vmem>>)
      "tpu.region"() ({
        %run_scoped3A = tpu.sem_alloc : memref<!tpu.dma_semaphore, #tpu.memory_space<semaphore_mem>>
        %dma_start3A_32 = arith.constant 0 : i32
        %dma_start3A_33 = arith.constant 0 : i32
        %dma_start3A_34 = tpu.memref_slice %arg10[%dma_start3A_32, %dma_start3A_33] : memref<10240x128xf32, #tpu.memory_space<vmem_shared>> -> memref<10240x128xf32, #tpu.memory_space<vmem_shared>>
        tpu.enqueue_indirect_dma source(%arg8 : memref<80x128xf32, #tpu.memory_space<vmem>>) target(%dma_start3A_34 : memref<10240x128xf32, #tpu.memory_space<vmem_shared>>) offsets(%arg7 : memref<80xi32, #tpu.memory_space<vmem>>) semaphore(%run_scoped3A : memref<!tpu.dma_semaphore, #tpu.memory_space<semaphore_mem>>) {add = true}
        %dma_wait3A_35 = arith.constant 0 : i32
        %dma_wait3A_36 = arith.constant 0 : i32
        %dma_wait3A_37 = tpu.memref_slice %arg10[%dma_wait3A_35, %dma_wait3A_36] : memref<10240x128xf32, #tpu.memory_space<vmem_shared>> -> memref<10240x128xf32, #tpu.memory_space<vmem_shared>>
        tpu.wait_indirect_dma semaphore(%run_scoped3A : memref<!tpu.dma_semaphore, #tpu.memory_space<semaphore_mem>>) src(%arg8 : memref<80x128xf32, #tpu.memory_space<vmem>>) dst(%dma_wait3A_37 : memref<10240x128xf32, #tpu.memory_space<vmem_shared>>)
        tpu.yield
      }) : () -> ()
    }
    %scan3A_19 = arith.constant 125 : i32
    %barrier3A_20 = arith.constant 0 : index
    tpu.barrier barrier_id(%barrier3A_20)
    %scan3A_21 = arith.constant 0 : i32
    %scan3A_22 = arith.constant 0 : i32
    %scan3A_23 = arith.constant 5 : i32
    %scan3A_24 = arith.addi %scan3A_22, %scan3A_23 : i32
    %scan3A_25 = arith.constant 1 : i32
    scf.for %scan3A_27 = %scan3A_22 to %scan3A_24 step %scan3A_25  : i32 {
      %mul3A_28 = arith.constant 128 : i32
      %mul3A_29 = arith.muli %scan3A_27, %mul3A_28 : i32
      %add3A_30 = arith.addi %mul3A_2, %mul3A_29 : i32
      "tpu.region"() ({
        %run_scoped3A = tpu.sem_alloc : memref<!tpu.dma_semaphore, #tpu.memory_space<semaphore_mem>>
        %dma_start3A = arith.constant 0 : i32
        %dma_start3A_31 = tpu.memref_slice %arg10[%add3A_30, %dma_start3A] : memref<10240x128xf32, #tpu.memory_space<vmem_shared>> -> memref<128x128xf32, #tpu.memory_space<vmem_shared>>
        %dma_start3A_32 = arith.constant 0 : i32
        %dma_start3A_33 = tpu.memref_slice %arg10[%add3A_30, %dma_start3A_32] : memref<10240x128xf32, #tpu.memory_space<vmem_shared>> -> memref<128x128xf32, #tpu.memory_space<vmem_shared>>
        tpu.enqueue_dma source(%dma_start3A_33 : memref<128x128xf32, #tpu.memory_space<vmem_shared>>) target(%arg9 : memref<128x128xf32, #tpu.memory_space<vmem>>) target_semaphore(%run_scoped3A : memref<!tpu.dma_semaphore, #tpu.memory_space<semaphore_mem>>)
        %dma_wait3A = arith.constant 0 : i32
        %dma_wait3A_34 = tpu.memref_slice %arg10[%add3A_30, %dma_wait3A] : memref<10240x128xf32, #tpu.memory_space<vmem_shared>> -> memref<128x128xf32, #tpu.memory_space<vmem_shared>>
        %dma_wait3A_35 = arith.constant 0 : i32
        %dma_wait3A_36 = tpu.memref_slice %arg10[%add3A_30, %dma_wait3A_35] : memref<10240x128xf32, #tpu.memory_space<vmem_shared>> -> memref<128x128xf32, #tpu.memory_space<vmem_shared>>
        tpu.wait_dma2 semaphore(%run_scoped3A : memref<!tpu.dma_semaphore, #tpu.memory_space<semaphore_mem>>) src(%dma_wait3A_36 : memref<128x128xf32, #tpu.memory_space<vmem_shared>>) dst(%arg9 : memref<128x128xf32, #tpu.memory_space<vmem>>)
        tpu.yield
      }) : () -> ()
      "tpu.region"() ({
        %run_scoped3A = tpu.sem_alloc : memref<!tpu.dma_semaphore, #tpu.memory_space<semaphore_mem>>
        %dma_start3A = arith.constant 0 : i32
        %dma_start3A_31 = tpu.memref_slice %arg5[%arg0, %add3A_30, %dma_start3A] : memref<2x10240x128xf32, #tpu.memory_space<hbm>> -> memref<1x128x128xf32, #tpu.memory_space<hbm>>
        %dma_start3A_32 = tpu.memref_squeeze %dma_start3A_31 : memref<1x128x128xf32, #tpu.memory_space<hbm>> -> memref<128x128xf32, #tpu.memory_space<hbm>>
        %dma_start3A_33 = arith.constant 0 : i32
        %dma_start3A_34 = tpu.memref_slice %arg5[%arg0, %add3A_30, %dma_start3A_33] : memref<2x10240x128xf32, #tpu.memory_space<hbm>> -> memref<1x128x128xf32, #tpu.memory_space<hbm>>
        %dma_start3A_35 = tpu.memref_squeeze %dma_start3A_34 : memref<1x128x128xf32, #tpu.memory_space<hbm>> -> memref<128x128xf32, #tpu.memory_space<hbm>>
        tpu.enqueue_dma source(%arg9 : memref<128x128xf32, #tpu.memory_space<vmem>>) target(%dma_start3A_35 : memref<128x128xf32, #tpu.memory_space<hbm>>) target_semaphore(%run_scoped3A : memref<!tpu.dma_semaphore, #tpu.memory_space<semaphore_mem>>)
        %dma_wait3A = arith.constant 0 : i32
        %dma_wait3A_36 = tpu.memref_slice %arg5[%arg0, %add3A_30, %dma_wait3A] : memref<2x10240x128xf32, #tpu.memory_space<hbm>> -> memref<1x128x128xf32, #tpu.memory_space<hbm>>
        %dma_wait3A_37 = tpu.memref_squeeze %dma_wait3A_36 : memref<1x128x128xf32, #tpu.memory_space<hbm>> -> memref<128x128xf32, #tpu.memory_space<hbm>>
        %dma_wait3A_38 = arith.constant 0 : i32
        %dma_wait3A_39 = tpu.memref_slice %arg5[%arg0, %add3A_30, %dma_wait3A_38] : memref<2x10240x128xf32, #tpu.memory_space<hbm>> -> memref<1x128x128xf32, #tpu.memory_space<hbm>>
        %dma_wait3A_40 = tpu.memref_squeeze %dma_wait3A_39 : memref<1x128x128xf32, #tpu.memory_space<hbm>> -> memref<128x128xf32, #tpu.memory_space<hbm>>
        tpu.wait_dma2 semaphore(%run_scoped3A : memref<!tpu.dma_semaphore, #tpu.memory_space<semaphore_mem>>) src(%arg9 : memref<128x128xf32, #tpu.memory_space<vmem>>) dst(%dma_wait3A_40 : memref<128x128xf32, #tpu.memory_space<hbm>>)
        tpu.yield
      }) : () -> ()
    }
    %scan3A_26 = arith.constant 5 : i32
    return
  }
}

#map = affine_map<(d0, d1) -> (0, 0)>
#map1 = affine_map<(d0, d1) -> (0, 0, 0)>
module attributes {stable_mosaic.version = 14 : i64} {
  func.func @_pass(%arg0: i32, %arg1: i32, %arg2: memref<10240x128xf32, #tpu.memory_space<hbm>>, %arg3: memref<32x125x80xi32, #tpu.memory_space<hbm>>, %arg4: memref<32x125x80xi32, #tpu.memory_space<hbm>>, %arg5: memref<2x10240x128xf32, #tpu.memory_space<hbm>>, %arg6: memref<80xi32, #tpu.memory_space<vmem>>, %arg7: memref<80xi32, #tpu.memory_space<vmem>>, %arg8: memref<80x128xf32, #tpu.memory_space<vmem>>, %arg9: memref<128x128xf32, #tpu.memory_space<vmem>>, %arg10: memref<10240x128xf32, #tpu.memory_space<vmem_shared>>, %arg11: memref<!tpu.dma_semaphore, #tpu.memory_space<semaphore_mem>>) attributes {dimension_semantics = [#tpu.dimension_semantics<core_parallel>, #tpu.dimension_semantics<subcore_parallel>], iteration_bounds = array<i64: 2, 16>, scalar_prefetch = 0 : i64, scratch_operands = 6 : i64, tpu.core_type = #tpu.core_type<sc_vector_subcore>, window_params = [{transform_indices = #map}, {transform_indices = #map1}, {transform_indices = #map1}, {transform_indices = #map1}]} {
    %mul3A = arith.constant 2 : i32
    %mul3A_0 = arith.muli %arg1, %mul3A : i32
    %add3A = arith.addi %mul3A_0, %arg0 : i32
    %mul3A_1 = arith.constant 640 : i32
    %mul3A_2 = arith.muli %arg1, %mul3A_1 : i32
    %scan3A = arith.constant 0 : i32
    %scan3A_3 = arith.constant 0 : i32
    %scan3A_4 = arith.constant 128 : i32
    %scan3A_5 = arith.addi %scan3A_3, %scan3A_4 : i32
    %scan3A_6 = arith.constant 1 : i32
    scf.for %scan3A_27 = %scan3A_3 to %scan3A_5 step %scan3A_6  : i32 {
      %broadcast_in_dim3A = arith.constant 0.000000e+00 : f32
      %broadcast_in_dim3A_28 = vector.broadcast %broadcast_in_dim3A : f32 to vector<16xf32>
      %swap3A = arith.index_cast %scan3A_27 : i32 to index
      %swap3A_29 = arith.constant 0 : index
      %swap3A_30 = tpu.vector_load %arg9[%swap3A, %swap3A_29] {strides = array<i32>} : memref<128x128xf32, #tpu.memory_space<vmem>>, vector<1x16xf32>,
      %swap3A_31 = vector.shape_cast %swap3A_30 : vector<1x16xf32> to vector<16xf32>
      %swap3A_32 = vector.shape_cast %broadcast_in_dim3A_28 : vector<16xf32> to vector<1x16xf32>
      tpu.vector_store %arg9[%swap3A, %swap3A_29], %swap3A_32 {strides = array<i32>} : memref<128x128xf32, #tpu.memory_space<vmem>>, vector<1x16xf32>,
      %broadcast_in_dim3A_33 = arith.constant 0.000000e+00 : f32
      %broadcast_in_dim3A_34 = vector.broadcast %broadcast_in_dim3A_33 : f32 to vector<16xf32>
      %swap3A_35 = arith.index_cast %scan3A_27 : i32 to index
      %swap3A_36 = arith.constant 16 : index
      %swap3A_37 = tpu.vector_load %arg9[%swap3A_35, %swap3A_36] {strides = array<i32>} : memref<128x128xf32, #tpu.memory_space<vmem>>, vector<1x16xf32>,
      %swap3A_38 = vector.shape_cast %swap3A_37 : vector<1x16xf32> to vector<16xf32>
      %swap3A_39 = vector.shape_cast %broadcast_in_dim3A_34 : vector<16xf32> to vector<1x16xf32>
      tpu.vector_store %arg9[%swap3A_35, %swap3A_36], %swap3A_39 {strides = array<i32>} : memref<128x128xf32, #tpu.memory_space<vmem>>, vector<1x16xf32>,
      %broadcast_in_dim3A_40 = arith.constant 0.000000e+00 : f32
      %broadcast_in_dim3A_41 = vector.broadcast %broadcast_in_dim3A_40 : f32 to vector<16xf32>
      %swap3A_42 = arith.index_cast %scan3A_27 : i32 to index
      %swap3A_43 = arith.constant 32 : index
      %swap3A_44 = tpu.vector_load %arg9[%swap3A_42, %swap3A_43] {strides = array<i32>} : memref<128x128xf32, #tpu.memory_space<vmem>>, vector<1x16xf32>,
      %swap3A_45 = vector.shape_cast %swap3A_44 : vector<1x16xf32> to vector<16xf32>
      %swap3A_46 = vector.shape_cast %broadcast_in_dim3A_41 : vector<16xf32> to vector<1x16xf32>
      tpu.vector_store %arg9[%swap3A_42, %swap3A_43], %swap3A_46 {strides = array<i32>} : memref<128x128xf32, #tpu.memory_space<vmem>>, vector<1x16xf32>,
      %broadcast_in_dim3A_47 = arith.constant 0.000000e+00 : f32
      %broadcast_in_dim3A_48 = vector.broadcast %broadcast_in_dim3A_47 : f32 to vector<16xf32>
      %swap3A_49 = arith.index_cast %scan3A_27 : i32 to index
      %swap3A_50 = arith.constant 48 : index
      %swap3A_51 = tpu.vector_load %arg9[%swap3A_49, %swap3A_50] {strides = array<i32>} : memref<128x128xf32, #tpu.memory_space<vmem>>, vector<1x16xf32>,
      %swap3A_52 = vector.shape_cast %swap3A_51 : vector<1x16xf32> to vector<16xf32>
      %swap3A_53 = vector.shape_cast %broadcast_in_dim3A_48 : vector<16xf32> to vector<1x16xf32>
      tpu.vector_store %arg9[%swap3A_49, %swap3A_50], %swap3A_53 {strides = array<i32>} : memref<128x128xf32, #tpu.memory_space<vmem>>, vector<1x16xf32>,
      %broadcast_in_dim3A_54 = arith.constant 0.000000e+00 : f32
      %broadcast_in_dim3A_55 = vector.broadcast %broadcast_in_dim3A_54 : f32 to vector<16xf32>
      %swap3A_56 = arith.index_cast %scan3A_27 : i32 to index
      %swap3A_57 = arith.constant 64 : index
      %swap3A_58 = tpu.vector_load %arg9[%swap3A_56, %swap3A_57] {strides = array<i32>} : memref<128x128xf32, #tpu.memory_space<vmem>>, vector<1x16xf32>,
      %swap3A_59 = vector.shape_cast %swap3A_58 : vector<1x16xf32> to vector<16xf32>
      %swap3A_60 = vector.shape_cast %broadcast_in_dim3A_55 : vector<16xf32> to vector<1x16xf32>
      tpu.vector_store %arg9[%swap3A_56, %swap3A_57], %swap3A_60 {strides = array<i32>} : memref<128x128xf32, #tpu.memory_space<vmem>>, vector<1x16xf32>,
      %broadcast_in_dim3A_61 = arith.constant 0.000000e+00 : f32
      %broadcast_in_dim3A_62 = vector.broadcast %broadcast_in_dim3A_61 : f32 to vector<16xf32>
      %swap3A_63 = arith.index_cast %scan3A_27 : i32 to index
      %swap3A_64 = arith.constant 80 : index
      %swap3A_65 = tpu.vector_load %arg9[%swap3A_63, %swap3A_64] {strides = array<i32>} : memref<128x128xf32, #tpu.memory_space<vmem>>, vector<1x16xf32>,
      %swap3A_66 = vector.shape_cast %swap3A_65 : vector<1x16xf32> to vector<16xf32>
      %swap3A_67 = vector.shape_cast %broadcast_in_dim3A_62 : vector<16xf32> to vector<1x16xf32>
      tpu.vector_store %arg9[%swap3A_63, %swap3A_64], %swap3A_67 {strides = array<i32>} : memref<128x128xf32, #tpu.memory_space<vmem>>, vector<1x16xf32>,
      %broadcast_in_dim3A_68 = arith.constant 0.000000e+00 : f32
      %broadcast_in_dim3A_69 = vector.broadcast %broadcast_in_dim3A_68 : f32 to vector<16xf32>
      %swap3A_70 = arith.index_cast %scan3A_27 : i32 to index
      %swap3A_71 = arith.constant 96 : index
      %swap3A_72 = tpu.vector_load %arg9[%swap3A_70, %swap3A_71] {strides = array<i32>} : memref<128x128xf32, #tpu.memory_space<vmem>>, vector<1x16xf32>,
      %swap3A_73 = vector.shape_cast %swap3A_72 : vector<1x16xf32> to vector<16xf32>
      %swap3A_74 = vector.shape_cast %broadcast_in_dim3A_69 : vector<16xf32> to vector<1x16xf32>
      tpu.vector_store %arg9[%swap3A_70, %swap3A_71], %swap3A_74 {strides = array<i32>} : memref<128x128xf32, #tpu.memory_space<vmem>>, vector<1x16xf32>,
      %broadcast_in_dim3A_75 = arith.constant 0.000000e+00 : f32
      %broadcast_in_dim3A_76 = vector.broadcast %broadcast_in_dim3A_75 : f32 to vector<16xf32>
      %swap3A_77 = arith.index_cast %scan3A_27 : i32 to index
      %swap3A_78 = arith.constant 112 : index
      %swap3A_79 = tpu.vector_load %arg9[%swap3A_77, %swap3A_78] {strides = array<i32>} : memref<128x128xf32, #tpu.memory_space<vmem>>, vector<1x16xf32>,
      %swap3A_80 = vector.shape_cast %swap3A_79 : vector<1x16xf32> to vector<16xf32>
      %swap3A_81 = vector.shape_cast %broadcast_in_dim3A_76 : vector<16xf32> to vector<1x16xf32>
      tpu.vector_store %arg9[%swap3A_77, %swap3A_78], %swap3A_81 {strides = array<i32>} : memref<128x128xf32, #tpu.memory_space<vmem>>, vector<1x16xf32>,
    }
    %scan3A_7 = arith.constant 128 : i32
    %scan3A_8 = arith.constant 0 : i32
    %scan3A_9 = arith.constant 0 : i32
    %scan3A_10 = arith.constant 5 : i32
    %scan3A_11 = arith.addi %scan3A_9, %scan3A_10 : i32
    %scan3A_12 = arith.constant 1 : i32
    scf.for %scan3A_27 = %scan3A_9 to %scan3A_11 step %scan3A_12  : i32 {
      %mul3A_28 = arith.constant 128 : i32
      %mul3A_29 = arith.muli %scan3A_27, %mul3A_28 : i32
      %add3A_30 = arith.addi %mul3A_2, %mul3A_29 : i32
      "tpu.region"() ({
        %run_scoped3A = tpu.sem_alloc : memref<!tpu.dma_semaphore, #tpu.memory_space<semaphore_mem>>
        %dma_start3A = arith.constant 0 : i32
        %dma_start3A_31 = tpu.memref_slice %arg10[%add3A_30, %dma_start3A] : memref<10240x128xf32, #tpu.memory_space<vmem_shared>> -> memref<128x128xf32, #tpu.memory_space<vmem_shared>>
        %dma_start3A_32 = arith.constant 0 : i32
        %dma_start3A_33 = tpu.memref_slice %arg10[%add3A_30, %dma_start3A_32] : memref<10240x128xf32, #tpu.memory_space<vmem_shared>> -> memref<128x128xf32, #tpu.memory_space<vmem_shared>>
        tpu.enqueue_dma source(%arg9 : memref<128x128xf32, #tpu.memory_space<vmem>>) target(%dma_start3A_33 : memref<128x128xf32, #tpu.memory_space<vmem_shared>>) target_semaphore(%run_scoped3A : memref<!tpu.dma_semaphore, #tpu.memory_space<semaphore_mem>>)
        %dma_wait3A = arith.constant 0 : i32
        %dma_wait3A_34 = tpu.memref_slice %arg10[%add3A_30, %dma_wait3A] : memref<10240x128xf32, #tpu.memory_space<vmem_shared>> -> memref<128x128xf32, #tpu.memory_space<vmem_shared>>
        %dma_wait3A_35 = arith.constant 0 : i32
        %dma_wait3A_36 = tpu.memref_slice %arg10[%add3A_30, %dma_wait3A_35] : memref<10240x128xf32, #tpu.memory_space<vmem_shared>> -> memref<128x128xf32, #tpu.memory_space<vmem_shared>>
        tpu.wait_dma2 semaphore(%run_scoped3A : memref<!tpu.dma_semaphore, #tpu.memory_space<semaphore_mem>>) src(%arg9 : memref<128x128xf32, #tpu.memory_space<vmem>>) dst(%dma_wait3A_36 : memref<128x128xf32, #tpu.memory_space<vmem_shared>>)
        tpu.yield
      }) : () -> ()
    }
    %scan3A_13 = arith.constant 5 : i32
    %barrier3A = arith.constant 0 : index
    tpu.barrier barrier_id(%barrier3A)
    %scan3A_14 = arith.constant 0 : i32
    %scan3A_15 = arith.constant 0 : i32
    %scan3A_16 = arith.constant 125 : i32
    %scan3A_17 = arith.addi %scan3A_15, %scan3A_16 : i32
    %scan3A_18 = arith.constant 1 : i32
    scf.for %scan3A_27 = %scan3A_15 to %scan3A_17 step %scan3A_18  : i32 {
      "tpu.region"() ({
        %run_scoped3A = tpu.sem_alloc : memref<!tpu.dma_semaphore, #tpu.memory_space<semaphore_mem>>
        %dma_start3A_32 = arith.constant 0 : i32
        %dma_start3A_33 = tpu.memref_slice %arg3[%add3A, %scan3A_27, %dma_start3A_32] : memref<32x125x80xi32, #tpu.memory_space<hbm>> -> memref<1x1x80xi32, #tpu.memory_space<hbm>>
        %dma_start3A_34 = tpu.memref_squeeze %dma_start3A_33 : memref<1x1x80xi32, #tpu.memory_space<hbm>> -> memref<80xi32, #tpu.memory_space<hbm>>
        %dma_start3A_35 = arith.constant 0 : i32
        %dma_start3A_36 = tpu.memref_slice %arg3[%add3A, %scan3A_27, %dma_start3A_35] : memref<32x125x80xi32, #tpu.memory_space<hbm>> -> memref<1x1x80xi32, #tpu.memory_space<hbm>>
        %dma_start3A_37 = tpu.memref_squeeze %dma_start3A_36 : memref<1x1x80xi32, #tpu.memory_space<hbm>> -> memref<80xi32, #tpu.memory_space<hbm>>
        tpu.enqueue_dma source(%dma_start3A_37 : memref<80xi32, #tpu.memory_space<hbm>>) target(%arg6 : memref<80xi32, #tpu.memory_space<vmem>>) target_semaphore(%run_scoped3A : memref<!tpu.dma_semaphore, #tpu.memory_space<semaphore_mem>>)
        %dma_wait3A_38 = arith.constant 0 : i32
        %dma_wait3A_39 = tpu.memref_slice %arg3[%add3A, %scan3A_27, %dma_wait3A_38] : memref<32x125x80xi32, #tpu.memory_space<hbm>> -> memref<1x1x80xi32, #tpu.memory_space<hbm>>
        %dma_wait3A_40 = tpu.memref_squeeze %dma_wait3A_39 : memref<1x1x80xi32, #tpu.memory_space<hbm>> -> memref<80xi32, #tpu.memory_space<hbm>>
        %dma_wait3A_41 = arith.constant 0 : i32
        %dma_wait3A_42 = tpu.memref_slice %arg3[%add3A, %scan3A_27, %dma_wait3A_41] : memref<32x125x80xi32, #tpu.memory_space<hbm>> -> memref<1x1x80xi32, #tpu.memory_space<hbm>>
        %dma_wait3A_43 = tpu.memref_squeeze %dma_wait3A_42 : memref<1x1x80xi32, #tpu.memory_space<hbm>> -> memref<80xi32, #tpu.memory_space<hbm>>
        tpu.wait_dma2 semaphore(%run_scoped3A : memref<!tpu.dma_semaphore, #tpu.memory_space<semaphore_mem>>) src(%dma_wait3A_43 : memref<80xi32, #tpu.memory_space<hbm>>) dst(%arg6 : memref<80xi32, #tpu.memory_space<vmem>>)
        tpu.yield
      }) : () -> ()
      "tpu.region"() ({
        %run_scoped3A = tpu.sem_alloc : memref<!tpu.dma_semaphore, #tpu.memory_space<semaphore_mem>>
        %dma_start3A_32 = arith.constant 0 : i32
        %dma_start3A_33 = tpu.memref_slice %arg4[%add3A, %scan3A_27, %dma_start3A_32] : memref<32x125x80xi32, #tpu.memory_space<hbm>> -> memref<1x1x80xi32, #tpu.memory_space<hbm>>
        %dma_start3A_34 = tpu.memref_squeeze %dma_start3A_33 : memref<1x1x80xi32, #tpu.memory_space<hbm>> -> memref<80xi32, #tpu.memory_space<hbm>>
        %dma_start3A_35 = arith.constant 0 : i32
        %dma_start3A_36 = tpu.memref_slice %arg4[%add3A, %scan3A_27, %dma_start3A_35] : memref<32x125x80xi32, #tpu.memory_space<hbm>> -> memref<1x1x80xi32, #tpu.memory_space<hbm>>
        %dma_start3A_37 = tpu.memref_squeeze %dma_start3A_36 : memref<1x1x80xi32, #tpu.memory_space<hbm>> -> memref<80xi32, #tpu.memory_space<hbm>>
        tpu.enqueue_dma source(%dma_start3A_37 : memref<80xi32, #tpu.memory_space<hbm>>) target(%arg7 : memref<80xi32, #tpu.memory_space<vmem>>) target_semaphore(%run_scoped3A : memref<!tpu.dma_semaphore, #tpu.memory_space<semaphore_mem>>)
        %dma_wait3A_38 = arith.constant 0 : i32
        %dma_wait3A_39 = tpu.memref_slice %arg4[%add3A, %scan3A_27, %dma_wait3A_38] : memref<32x125x80xi32, #tpu.memory_space<hbm>> -> memref<1x1x80xi32, #tpu.memory_space<hbm>>
        %dma_wait3A_40 = tpu.memref_squeeze %dma_wait3A_39 : memref<1x1x80xi32, #tpu.memory_space<hbm>> -> memref<80xi32, #tpu.memory_space<hbm>>
        %dma_wait3A_41 = arith.constant 0 : i32
        %dma_wait3A_42 = tpu.memref_slice %arg4[%add3A, %scan3A_27, %dma_wait3A_41] : memref<32x125x80xi32, #tpu.memory_space<hbm>> -> memref<1x1x80xi32, #tpu.memory_space<hbm>>
        %dma_wait3A_43 = tpu.memref_squeeze %dma_wait3A_42 : memref<1x1x80xi32, #tpu.memory_space<hbm>> -> memref<80xi32, #tpu.memory_space<hbm>>
        tpu.wait_dma2 semaphore(%run_scoped3A : memref<!tpu.dma_semaphore, #tpu.memory_space<semaphore_mem>>) src(%dma_wait3A_43 : memref<80xi32, #tpu.memory_space<hbm>>) dst(%arg7 : memref<80xi32, #tpu.memory_space<vmem>>)
        tpu.yield
      }) : () -> ()
      %dma_start3A = arith.constant 0 : i32
      %dma_start3A_28 = arith.constant 0 : i32
      %dma_start3A_29 = tpu.memref_slice %arg2[%dma_start3A, %dma_start3A_28] : memref<10240x128xf32, #tpu.memory_space<hbm>> -> memref<10240x128xf32, #tpu.memory_space<hbm>>
      tpu.enqueue_indirect_dma source(%dma_start3A_29 : memref<10240x128xf32, #tpu.memory_space<hbm>>) target(%arg8 : memref<80x128xf32, #tpu.memory_space<vmem>>) offsets(%arg6 : memref<80xi32, #tpu.memory_space<vmem>>) semaphore(%arg11 : memref<!tpu.dma_semaphore, #tpu.memory_space<semaphore_mem>>)
      %dma_wait3A = arith.constant 0 : i32
      %dma_wait3A_30 = arith.constant 0 : i32
      %dma_wait3A_31 = tpu.memref_slice %arg2[%dma_wait3A, %dma_wait3A_30] : memref<10240x128xf32, #tpu.memory_space<hbm>> -> memref<10240x128xf32, #tpu.memory_space<hbm>>
      tpu.wait_indirect_dma semaphore(%arg11 : memref<!tpu.dma_semaphore, #tpu.memory_space<semaphore_mem>>) src(%dma_wait3A_31 : memref<10240x128xf32, #tpu.memory_space<hbm>>) dst(%arg8 : memref<80x128xf32, #tpu.memory_space<vmem>>)
      "tpu.region"() ({
        %run_scoped3A = tpu.sem_alloc : memref<!tpu.dma_semaphore, #tpu.memory_space<semaphore_mem>>
        %dma_start3A_32 = arith.constant 0 : i32
        %dma_start3A_33 = arith.constant 0 : i32
        %dma_start3A_34 = tpu.memref_slice %arg10[%dma_start3A_32, %dma_start3A_33] : memref<10240x128xf32, #tpu.memory_space<vmem_shared>> -> memref<10240x128xf32, #tpu.memory_space<vmem_shared>>
        tpu.enqueue_indirect_dma source(%arg8 : memref<80x128xf32, #tpu.memory_space<vmem>>) target(%dma_start3A_34 : memref<10240x128xf32, #tpu.memory_space<vmem_shared>>) offsets(%arg7 : memref<80xi32, #tpu.memory_space<vmem>>) semaphore(%run_scoped3A : memref<!tpu.dma_semaphore, #tpu.memory_space<semaphore_mem>>) {add = true}
        %dma_wait3A_35 = arith.constant 0 : i32
        %dma_wait3A_36 = arith.constant 0 : i32
        %dma_wait3A_37 = tpu.memref_slice %arg10[%dma_wait3A_35, %dma_wait3A_36] : memref<10240x128xf32, #tpu.memory_space<vmem_shared>> -> memref<10240x128xf32, #tpu.memory_space<vmem_shared>>
        tpu.wait_indirect_dma semaphore(%run_scoped3A : memref<!tpu.dma_semaphore, #tpu.memory_space<semaphore_mem>>) src(%arg8 : memref<80x128xf32, #tpu.memory_space<vmem>>) dst(%dma_wait3A_37 : memref<10240x128xf32, #tpu.memory_space<vmem_shared>>)
        tpu.yield
      }) : () -> ()
    }
    %scan3A_19 = arith.constant 125 : i32
    %barrier3A_20 = arith.constant 0 : index
    tpu.barrier barrier_id(%barrier3A_20)
    %scan3A_21 = arith.constant 0 : i32
    %scan3A_22 = arith.constant 0 : i32
    %scan3A_23 = arith.constant 5 : i32
    %scan3A_24 = arith.addi %scan3A_22, %scan3A_23 : i32
    %scan3A_25 = arith.constant 1 : i32
    scf.for %scan3A_27 = %scan3A_22 to %scan3A_24 step %scan3A_25  : i32 {
      %mul3A_28 = arith.constant 128 : i32
      %mul3A_29 = arith.muli %scan3A_27, %mul3A_28 : i32
      %add3A_30 = arith.addi %mul3A_2, %mul3A_29 : i32
      "tpu.region"() ({
        %run_scoped3A = tpu.sem_alloc : memref<!tpu.dma_semaphore, #tpu.memory_space<semaphore_mem>>
        %dma_start3A = arith.constant 0 : i32
        %dma_start3A_31 = tpu.memref_slice %arg10[%add3A_30, %dma_start3A] : memref<10240x128xf32, #tpu.memory_space<vmem_shared>> -> memref<128x128xf32, #tpu.memory_space<vmem_shared>>
        %dma_start3A_32 = arith.constant 0 : i32
        %dma_start3A_33 = tpu.memref_slice %arg10[%add3A_30, %dma_start3A_32] : memref<10240x128xf32, #tpu.memory_space<vmem_shared>> -> memref<128x128xf32, #tpu.memory_space<vmem_shared>>
        tpu.enqueue_dma source(%dma_start3A_33 : memref<128x128xf32, #tpu.memory_space<vmem_shared>>) target(%arg9 : memref<128x128xf32, #tpu.memory_space<vmem>>) target_semaphore(%run_scoped3A : memref<!tpu.dma_semaphore, #tpu.memory_space<semaphore_mem>>)
        %dma_wait3A = arith.constant 0 : i32
        %dma_wait3A_34 = tpu.memref_slice %arg10[%add3A_30, %dma_wait3A] : memref<10240x128xf32, #tpu.memory_space<vmem_shared>> -> memref<128x128xf32, #tpu.memory_space<vmem_shared>>
        %dma_wait3A_35 = arith.constant 0 : i32
        %dma_wait3A_36 = tpu.memref_slice %arg10[%add3A_30, %dma_wait3A_35] : memref<10240x128xf32, #tpu.memory_space<vmem_shared>> -> memref<128x128xf32, #tpu.memory_space<vmem_shared>>
        tpu.wait_dma2 semaphore(%run_scoped3A : memref<!tpu.dma_semaphore, #tpu.memory_space<semaphore_mem>>) src(%dma_wait3A_36 : memref<128x128xf32, #tpu.memory_space<vmem_shared>>) dst(%arg9 : memref<128x128xf32, #tpu.memory_space<vmem>>)
        tpu.yield
      }) : () -> ()
      "tpu.region"() ({
        %run_scoped3A = tpu.sem_alloc : memref<!tpu.dma_semaphore, #tpu.memory_space<semaphore_mem>>
        %dma_start3A = arith.constant 0 : i32
        %dma_start3A_31 = tpu.memref_slice %arg5[%arg0, %add3A_30, %dma_start3A] : memref<2x10240x128xf32, #tpu.memory_space<hbm>> -> memref<1x128x128xf32, #tpu.memory_space<hbm>>
        %dma_start3A_32 = tpu.memref_squeeze %dma_start3A_31 : memref<1x128x128xf32, #tpu.memory_space<hbm>> -> memref<128x128xf32, #tpu.memory_space<hbm>>
        %dma_start3A_33 = arith.constant 0 : i32
        %dma_start3A_34 = tpu.memref_slice %arg5[%arg0, %add3A_30, %dma_start3A_33] : memref<2x10240x128xf32, #tpu.memory_space<hbm>> -> memref<1x128x128xf32, #tpu.memory_space<hbm>>
        %dma_start3A_35 = tpu.memref_squeeze %dma_start3A_34 : memref<1x128x128xf32, #tpu.memory_space<hbm>> -> memref<128x128xf32, #tpu.memory_space<hbm>>
        tpu.enqueue_dma source(%arg9 : memref<128x128xf32, #tpu.memory_space<vmem>>) target(%dma_start3A_35 : memref<128x128xf32, #tpu.memory_space<hbm>>) target_semaphore(%run_scoped3A : memref<!tpu.dma_semaphore, #tpu.memory_space<semaphore_mem>>)
        %dma_wait3A = arith.constant 0 : i32
        %dma_wait3A_36 = tpu.memref_slice %arg5[%arg0, %add3A_30, %dma_wait3A] : memref<2x10240x128xf32, #tpu.memory_space<hbm>> -> memref<1x128x128xf32, #tpu.memory_space<hbm>>
        %dma_wait3A_37 = tpu.memref_squeeze %dma_wait3A_36 : memref<1x128x128xf32, #tpu.memory_space<hbm>> -> memref<128x128xf32, #tpu.memory_space<hbm>>
        %dma_wait3A_38 = arith.constant 0 : i32
        %dma_wait3A_39 = tpu.memref_slice %arg5[%arg0, %add3A_30, %dma_wait3A_38] : memref<2x10240x128xf32, #tpu.memory_space<hbm>> -> memref<1x128x128xf32, #tpu.memory_space<hbm>>
        %dma_wait3A_40 = tpu.memref_squeeze %dma_wait3A_39 : memref<1x128x128xf32, #tpu.memory_space<hbm>> -> memref<128x128xf32, #tpu.memory_space<hbm>>
        tpu.wait_dma2 semaphore(%run_scoped3A : memref<!tpu.dma_semaphore, #tpu.memory_space<semaphore_mem>>) src(%arg9 : memref<128x128xf32, #tpu.memory_space<vmem>>) dst(%dma_wait3A_40 : memref<128x128xf32, #tpu.memory_space<hbm>>)
        tpu.yield
      }) : () -> ()
    }
    %scan3A_26 = arith.constant 5 : i32
    return
  }
}

#map = affine_map<(d0, d1) -> (0, 0)>
#map1 = affine_map<(d0, d1) -> (0, 0, 0)>
module attributes {stable_mosaic.version = 14 : i64} {
  func.func @_pass(%arg0: i32, %arg1: i32, %arg2: memref<10240x128xf32, #tpu.memory_space<hbm>>, %arg3: memref<32x125x80xi32, #tpu.memory_space<hbm>>, %arg4: memref<32x125x80xi32, #tpu.memory_space<hbm>>, %arg5: memref<2x10240x128xf32, #tpu.memory_space<hbm>>, %arg6: memref<80xi32, #tpu.memory_space<vmem>>, %arg7: memref<80xi32, #tpu.memory_space<vmem>>, %arg8: memref<80x128xf32, #tpu.memory_space<vmem>>, %arg9: memref<128x128xf32, #tpu.memory_space<vmem>>, %arg10: memref<10240x128xf32, #tpu.memory_space<vmem_shared>>, %arg11: memref<!tpu.dma_semaphore, #tpu.memory_space<semaphore_mem>>) attributes {dimension_semantics = [#tpu.dimension_semantics<core_parallel>, #tpu.dimension_semantics<subcore_parallel>], iteration_bounds = array<i64: 2, 16>, scalar_prefetch = 0 : i64, scratch_operands = 6 : i64, tpu.core_type = #tpu.core_type<sc_vector_subcore>, window_params = [{transform_indices = #map}, {transform_indices = #map1}, {transform_indices = #map1}, {transform_indices = #map1}]} {
    %mul3A = arith.constant 2 : i32
    %mul3A_0 = arith.muli %arg1, %mul3A : i32
    %add3A = arith.addi %mul3A_0, %arg0 : i32
    %mul3A_1 = arith.constant 640 : i32
    %mul3A_2 = arith.muli %arg1, %mul3A_1 : i32
    %scan3A = arith.constant 0 : i32
    %scan3A_3 = arith.constant 0 : i32
    %scan3A_4 = arith.constant 128 : i32
    %scan3A_5 = arith.addi %scan3A_3, %scan3A_4 : i32
    %scan3A_6 = arith.constant 1 : i32
    scf.for %scan3A_27 = %scan3A_3 to %scan3A_5 step %scan3A_6  : i32 {
      %broadcast_in_dim3A = arith.constant 0.000000e+00 : f32
      %broadcast_in_dim3A_28 = vector.broadcast %broadcast_in_dim3A : f32 to vector<16xf32>
      %swap3A = arith.index_cast %scan3A_27 : i32 to index
      %swap3A_29 = arith.constant 0 : index
      %swap3A_30 = tpu.vector_load %arg9[%swap3A, %swap3A_29] {strides = array<i32>} : memref<128x128xf32, #tpu.memory_space<vmem>>, vector<1x16xf32>,
      %swap3A_31 = vector.shape_cast %swap3A_30 : vector<1x16xf32> to vector<16xf32>
      %swap3A_32 = vector.shape_cast %broadcast_in_dim3A_28 : vector<16xf32> to vector<1x16xf32>
      tpu.vector_store %arg9[%swap3A, %swap3A_29], %swap3A_32 {strides = array<i32>} : memref<128x128xf32, #tpu.memory_space<vmem>>, vector<1x16xf32>,
      %broadcast_in_dim3A_33 = arith.constant 0.000000e+00 : f32
      %broadcast_in_dim3A_34 = vector.broadcast %broadcast_in_dim3A_33 : f32 to vector<16xf32>
      %swap3A_35 = arith.index_cast %scan3A_27 : i32 to index
      %swap3A_36 = arith.constant 16 : index
      %swap3A_37 = tpu.vector_load %arg9[%swap3A_35, %swap3A_36] {strides = array<i32>} : memref<128x128xf32, #tpu.memory_space<vmem>>, vector<1x16xf32>,
      %swap3A_38 = vector.shape_cast %swap3A_37 : vector<1x16xf32> to vector<16xf32>
      %swap3A_39 = vector.shape_cast %broadcast_in_dim3A_34 : vector<16xf32> to vector<1x16xf32>
      tpu.vector_store %arg9[%swap3A_35, %swap3A_36], %swap3A_39 {strides = array<i32>} : memref<128x128xf32, #tpu.memory_space<vmem>>, vector<1x16xf32>,
      %broadcast_in_dim3A_40 = arith.constant 0.000000e+00 : f32
      %broadcast_in_dim3A_41 = vector.broadcast %broadcast_in_dim3A_40 : f32 to vector<16xf32>
      %swap3A_42 = arith.index_cast %scan3A_27 : i32 to index
      %swap3A_43 = arith.constant 32 : index
      %swap3A_44 = tpu.vector_load %arg9[%swap3A_42, %swap3A_43] {strides = array<i32>} : memref<128x128xf32, #tpu.memory_space<vmem>>, vector<1x16xf32>,
      %swap3A_45 = vector.shape_cast %swap3A_44 : vector<1x16xf32> to vector<16xf32>
      %swap3A_46 = vector.shape_cast %broadcast_in_dim3A_41 : vector<16xf32> to vector<1x16xf32>
      tpu.vector_store %arg9[%swap3A_42, %swap3A_43], %swap3A_46 {strides = array<i32>} : memref<128x128xf32, #tpu.memory_space<vmem>>, vector<1x16xf32>,
      %broadcast_in_dim3A_47 = arith.constant 0.000000e+00 : f32
      %broadcast_in_dim3A_48 = vector.broadcast %broadcast_in_dim3A_47 : f32 to vector<16xf32>
      %swap3A_49 = arith.index_cast %scan3A_27 : i32 to index
      %swap3A_50 = arith.constant 48 : index
      %swap3A_51 = tpu.vector_load %arg9[%swap3A_49, %swap3A_50] {strides = array<i32>} : memref<128x128xf32, #tpu.memory_space<vmem>>, vector<1x16xf32>,
      %swap3A_52 = vector.shape_cast %swap3A_51 : vector<1x16xf32> to vector<16xf32>
      %swap3A_53 = vector.shape_cast %broadcast_in_dim3A_48 : vector<16xf32> to vector<1x16xf32>
      tpu.vector_store %arg9[%swap3A_49, %swap3A_50], %swap3A_53 {strides = array<i32>} : memref<128x128xf32, #tpu.memory_space<vmem>>, vector<1x16xf32>,
      %broadcast_in_dim3A_54 = arith.constant 0.000000e+00 : f32
      %broadcast_in_dim3A_55 = vector.broadcast %broadcast_in_dim3A_54 : f32 to vector<16xf32>
      %swap3A_56 = arith.index_cast %scan3A_27 : i32 to index
      %swap3A_57 = arith.constant 64 : index
      %swap3A_58 = tpu.vector_load %arg9[%swap3A_56, %swap3A_57] {strides = array<i32>} : memref<128x128xf32, #tpu.memory_space<vmem>>, vector<1x16xf32>,
      %swap3A_59 = vector.shape_cast %swap3A_58 : vector<1x16xf32> to vector<16xf32>
      %swap3A_60 = vector.shape_cast %broadcast_in_dim3A_55 : vector<16xf32> to vector<1x16xf32>
      tpu.vector_store %arg9[%swap3A_56, %swap3A_57], %swap3A_60 {strides = array<i32>} : memref<128x128xf32, #tpu.memory_space<vmem>>, vector<1x16xf32>,
      %broadcast_in_dim3A_61 = arith.constant 0.000000e+00 : f32
      %broadcast_in_dim3A_62 = vector.broadcast %broadcast_in_dim3A_61 : f32 to vector<16xf32>
      %swap3A_63 = arith.index_cast %scan3A_27 : i32 to index
      %swap3A_64 = arith.constant 80 : index
      %swap3A_65 = tpu.vector_load %arg9[%swap3A_63, %swap3A_64] {strides = array<i32>} : memref<128x128xf32, #tpu.memory_space<vmem>>, vector<1x16xf32>,
      %swap3A_66 = vector.shape_cast %swap3A_65 : vector<1x16xf32> to vector<16xf32>
      %swap3A_67 = vector.shape_cast %broadcast_in_dim3A_62 : vector<16xf32> to vector<1x16xf32>
      tpu.vector_store %arg9[%swap3A_63, %swap3A_64], %swap3A_67 {strides = array<i32>} : memref<128x128xf32, #tpu.memory_space<vmem>>, vector<1x16xf32>,
      %broadcast_in_dim3A_68 = arith.constant 0.000000e+00 : f32
      %broadcast_in_dim3A_69 = vector.broadcast %broadcast_in_dim3A_68 : f32 to vector<16xf32>
      %swap3A_70 = arith.index_cast %scan3A_27 : i32 to index
      %swap3A_71 = arith.constant 96 : index
      %swap3A_72 = tpu.vector_load %arg9[%swap3A_70, %swap3A_71] {strides = array<i32>} : memref<128x128xf32, #tpu.memory_space<vmem>>, vector<1x16xf32>,
      %swap3A_73 = vector.shape_cast %swap3A_72 : vector<1x16xf32> to vector<16xf32>
      %swap3A_74 = vector.shape_cast %broadcast_in_dim3A_69 : vector<16xf32> to vector<1x16xf32>
      tpu.vector_store %arg9[%swap3A_70, %swap3A_71], %swap3A_74 {strides = array<i32>} : memref<128x128xf32, #tpu.memory_space<vmem>>, vector<1x16xf32>,
      %broadcast_in_dim3A_75 = arith.constant 0.000000e+00 : f32
      %broadcast_in_dim3A_76 = vector.broadcast %broadcast_in_dim3A_75 : f32 to vector<16xf32>
      %swap3A_77 = arith.index_cast %scan3A_27 : i32 to index
      %swap3A_78 = arith.constant 112 : index
      %swap3A_79 = tpu.vector_load %arg9[%swap3A_77, %swap3A_78] {strides = array<i32>} : memref<128x128xf32, #tpu.memory_space<vmem>>, vector<1x16xf32>,
      %swap3A_80 = vector.shape_cast %swap3A_79 : vector<1x16xf32> to vector<16xf32>
      %swap3A_81 = vector.shape_cast %broadcast_in_dim3A_76 : vector<16xf32> to vector<1x16xf32>
      tpu.vector_store %arg9[%swap3A_77, %swap3A_78], %swap3A_81 {strides = array<i32>} : memref<128x128xf32, #tpu.memory_space<vmem>>, vector<1x16xf32>,
    }
    %scan3A_7 = arith.constant 128 : i32
    %scan3A_8 = arith.constant 0 : i32
    %scan3A_9 = arith.constant 0 : i32
    %scan3A_10 = arith.constant 5 : i32
    %scan3A_11 = arith.addi %scan3A_9, %scan3A_10 : i32
    %scan3A_12 = arith.constant 1 : i32
    scf.for %scan3A_27 = %scan3A_9 to %scan3A_11 step %scan3A_12  : i32 {
      %mul3A_28 = arith.constant 128 : i32
      %mul3A_29 = arith.muli %scan3A_27, %mul3A_28 : i32
      %add3A_30 = arith.addi %mul3A_2, %mul3A_29 : i32
      "tpu.region"() ({
        %run_scoped3A = tpu.sem_alloc : memref<!tpu.dma_semaphore, #tpu.memory_space<semaphore_mem>>
        %dma_start3A = arith.constant 0 : i32
        %dma_start3A_31 = tpu.memref_slice %arg10[%add3A_30, %dma_start3A] : memref<10240x128xf32, #tpu.memory_space<vmem_shared>> -> memref<128x128xf32, #tpu.memory_space<vmem_shared>>
        %dma_start3A_32 = arith.constant 0 : i32
        %dma_start3A_33 = tpu.memref_slice %arg10[%add3A_30, %dma_start3A_32] : memref<10240x128xf32, #tpu.memory_space<vmem_shared>> -> memref<128x128xf32, #tpu.memory_space<vmem_shared>>
        tpu.enqueue_dma source(%arg9 : memref<128x128xf32, #tpu.memory_space<vmem>>) target(%dma_start3A_33 : memref<128x128xf32, #tpu.memory_space<vmem_shared>>) target_semaphore(%run_scoped3A : memref<!tpu.dma_semaphore, #tpu.memory_space<semaphore_mem>>)
        %dma_wait3A = arith.constant 0 : i32
        %dma_wait3A_34 = tpu.memref_slice %arg10[%add3A_30, %dma_wait3A] : memref<10240x128xf32, #tpu.memory_space<vmem_shared>> -> memref<128x128xf32, #tpu.memory_space<vmem_shared>>
        %dma_wait3A_35 = arith.constant 0 : i32
        %dma_wait3A_36 = tpu.memref_slice %arg10[%add3A_30, %dma_wait3A_35] : memref<10240x128xf32, #tpu.memory_space<vmem_shared>> -> memref<128x128xf32, #tpu.memory_space<vmem_shared>>
        tpu.wait_dma2 semaphore(%run_scoped3A : memref<!tpu.dma_semaphore, #tpu.memory_space<semaphore_mem>>) src(%arg9 : memref<128x128xf32, #tpu.memory_space<vmem>>) dst(%dma_wait3A_36 : memref<128x128xf32, #tpu.memory_space<vmem_shared>>)
        tpu.yield
      }) : () -> ()
    }
    %scan3A_13 = arith.constant 5 : i32
    %barrier3A = arith.constant 0 : index
    tpu.barrier barrier_id(%barrier3A)
    %scan3A_14 = arith.constant 0 : i32
    %scan3A_15 = arith.constant 0 : i32
    %scan3A_16 = arith.constant 125 : i32
    %scan3A_17 = arith.addi %scan3A_15, %scan3A_16 : i32
    %scan3A_18 = arith.constant 1 : i32
    scf.for %scan3A_27 = %scan3A_15 to %scan3A_17 step %scan3A_18  : i32 {
      "tpu.region"() ({
        %run_scoped3A = tpu.sem_alloc : memref<!tpu.dma_semaphore, #tpu.memory_space<semaphore_mem>>
        %dma_start3A_32 = arith.constant 0 : i32
        %dma_start3A_33 = tpu.memref_slice %arg3[%add3A, %scan3A_27, %dma_start3A_32] : memref<32x125x80xi32, #tpu.memory_space<hbm>> -> memref<1x1x80xi32, #tpu.memory_space<hbm>>
        %dma_start3A_34 = tpu.memref_squeeze %dma_start3A_33 : memref<1x1x80xi32, #tpu.memory_space<hbm>> -> memref<80xi32, #tpu.memory_space<hbm>>
        %dma_start3A_35 = arith.constant 0 : i32
        %dma_start3A_36 = tpu.memref_slice %arg3[%add3A, %scan3A_27, %dma_start3A_35] : memref<32x125x80xi32, #tpu.memory_space<hbm>> -> memref<1x1x80xi32, #tpu.memory_space<hbm>>
        %dma_start3A_37 = tpu.memref_squeeze %dma_start3A_36 : memref<1x1x80xi32, #tpu.memory_space<hbm>> -> memref<80xi32, #tpu.memory_space<hbm>>
        tpu.enqueue_dma source(%dma_start3A_37 : memref<80xi32, #tpu.memory_space<hbm>>) target(%arg6 : memref<80xi32, #tpu.memory_space<vmem>>) target_semaphore(%run_scoped3A : memref<!tpu.dma_semaphore, #tpu.memory_space<semaphore_mem>>)
        %dma_wait3A_38 = arith.constant 0 : i32
        %dma_wait3A_39 = tpu.memref_slice %arg3[%add3A, %scan3A_27, %dma_wait3A_38] : memref<32x125x80xi32, #tpu.memory_space<hbm>> -> memref<1x1x80xi32, #tpu.memory_space<hbm>>
        %dma_wait3A_40 = tpu.memref_squeeze %dma_wait3A_39 : memref<1x1x80xi32, #tpu.memory_space<hbm>> -> memref<80xi32, #tpu.memory_space<hbm>>
        %dma_wait3A_41 = arith.constant 0 : i32
        %dma_wait3A_42 = tpu.memref_slice %arg3[%add3A, %scan3A_27, %dma_wait3A_41] : memref<32x125x80xi32, #tpu.memory_space<hbm>> -> memref<1x1x80xi32, #tpu.memory_space<hbm>>
        %dma_wait3A_43 = tpu.memref_squeeze %dma_wait3A_42 : memref<1x1x80xi32, #tpu.memory_space<hbm>> -> memref<80xi32, #tpu.memory_space<hbm>>
        tpu.wait_dma2 semaphore(%run_scoped3A : memref<!tpu.dma_semaphore, #tpu.memory_space<semaphore_mem>>) src(%dma_wait3A_43 : memref<80xi32, #tpu.memory_space<hbm>>) dst(%arg6 : memref<80xi32, #tpu.memory_space<vmem>>)
        tpu.yield
      }) : () -> ()
      "tpu.region"() ({
        %run_scoped3A = tpu.sem_alloc : memref<!tpu.dma_semaphore, #tpu.memory_space<semaphore_mem>>
        %dma_start3A_32 = arith.constant 0 : i32
        %dma_start3A_33 = tpu.memref_slice %arg4[%add3A, %scan3A_27, %dma_start3A_32] : memref<32x125x80xi32, #tpu.memory_space<hbm>> -> memref<1x1x80xi32, #tpu.memory_space<hbm>>
        %dma_start3A_34 = tpu.memref_squeeze %dma_start3A_33 : memref<1x1x80xi32, #tpu.memory_space<hbm>> -> memref<80xi32, #tpu.memory_space<hbm>>
        %dma_start3A_35 = arith.constant 0 : i32
        %dma_start3A_36 = tpu.memref_slice %arg4[%add3A, %scan3A_27, %dma_start3A_35] : memref<32x125x80xi32, #tpu.memory_space<hbm>> -> memref<1x1x80xi32, #tpu.memory_space<hbm>>
        %dma_start3A_37 = tpu.memref_squeeze %dma_start3A_36 : memref<1x1x80xi32, #tpu.memory_space<hbm>> -> memref<80xi32, #tpu.memory_space<hbm>>
        tpu.enqueue_dma source(%dma_start3A_37 : memref<80xi32, #tpu.memory_space<hbm>>) target(%arg7 : memref<80xi32, #tpu.memory_space<vmem>>) target_semaphore(%run_scoped3A : memref<!tpu.dma_semaphore, #tpu.memory_space<semaphore_mem>>)
        %dma_wait3A_38 = arith.constant 0 : i32
        %dma_wait3A_39 = tpu.memref_slice %arg4[%add3A, %scan3A_27, %dma_wait3A_38] : memref<32x125x80xi32, #tpu.memory_space<hbm>> -> memref<1x1x80xi32, #tpu.memory_space<hbm>>
        %dma_wait3A_40 = tpu.memref_squeeze %dma_wait3A_39 : memref<1x1x80xi32, #tpu.memory_space<hbm>> -> memref<80xi32, #tpu.memory_space<hbm>>
        %dma_wait3A_41 = arith.constant 0 : i32
        %dma_wait3A_42 = tpu.memref_slice %arg4[%add3A, %scan3A_27, %dma_wait3A_41] : memref<32x125x80xi32, #tpu.memory_space<hbm>> -> memref<1x1x80xi32, #tpu.memory_space<hbm>>
        %dma_wait3A_43 = tpu.memref_squeeze %dma_wait3A_42 : memref<1x1x80xi32, #tpu.memory_space<hbm>> -> memref<80xi32, #tpu.memory_space<hbm>>
        tpu.wait_dma2 semaphore(%run_scoped3A : memref<!tpu.dma_semaphore, #tpu.memory_space<semaphore_mem>>) src(%dma_wait3A_43 : memref<80xi32, #tpu.memory_space<hbm>>) dst(%arg7 : memref<80xi32, #tpu.memory_space<vmem>>)
        tpu.yield
      }) : () -> ()
      %dma_start3A = arith.constant 0 : i32
      %dma_start3A_28 = arith.constant 0 : i32
      %dma_start3A_29 = tpu.memref_slice %arg2[%dma_start3A, %dma_start3A_28] : memref<10240x128xf32, #tpu.memory_space<hbm>> -> memref<10240x128xf32, #tpu.memory_space<hbm>>
      tpu.enqueue_indirect_dma source(%dma_start3A_29 : memref<10240x128xf32, #tpu.memory_space<hbm>>) target(%arg8 : memref<80x128xf32, #tpu.memory_space<vmem>>) offsets(%arg6 : memref<80xi32, #tpu.memory_space<vmem>>) semaphore(%arg11 : memref<!tpu.dma_semaphore, #tpu.memory_space<semaphore_mem>>)
      %dma_wait3A = arith.constant 0 : i32
      %dma_wait3A_30 = arith.constant 0 : i32
      %dma_wait3A_31 = tpu.memref_slice %arg2[%dma_wait3A, %dma_wait3A_30] : memref<10240x128xf32, #tpu.memory_space<hbm>> -> memref<10240x128xf32, #tpu.memory_space<hbm>>
      tpu.wait_indirect_dma semaphore(%arg11 : memref<!tpu.dma_semaphore, #tpu.memory_space<semaphore_mem>>) src(%dma_wait3A_31 : memref<10240x128xf32, #tpu.memory_space<hbm>>) dst(%arg8 : memref<80x128xf32, #tpu.memory_space<vmem>>)
      "tpu.region"() ({
        %run_scoped3A = tpu.sem_alloc : memref<!tpu.dma_semaphore, #tpu.memory_space<semaphore_mem>>
        %dma_start3A_32 = arith.constant 0 : i32
        %dma_start3A_33 = arith.constant 0 : i32
        %dma_start3A_34 = tpu.memref_slice %arg10[%dma_start3A_32, %dma_start3A_33] : memref<10240x128xf32, #tpu.memory_space<vmem_shared>> -> memref<10240x128xf32, #tpu.memory_space<vmem_shared>>
        tpu.enqueue_indirect_dma source(%arg8 : memref<80x128xf32, #tpu.memory_space<vmem>>) target(%dma_start3A_34 : memref<10240x128xf32, #tpu.memory_space<vmem_shared>>) offsets(%arg7 : memref<80xi32, #tpu.memory_space<vmem>>) semaphore(%run_scoped3A : memref<!tpu.dma_semaphore, #tpu.memory_space<semaphore_mem>>) {add = true}
        %dma_wait3A_35 = arith.constant 0 : i32
        %dma_wait3A_36 = arith.constant 0 : i32
        %dma_wait3A_37 = tpu.memref_slice %arg10[%dma_wait3A_35, %dma_wait3A_36] : memref<10240x128xf32, #tpu.memory_space<vmem_shared>> -> memref<10240x128xf32, #tpu.memory_space<vmem_shared>>
        tpu.wait_indirect_dma semaphore(%run_scoped3A : memref<!tpu.dma_semaphore, #tpu.memory_space<semaphore_mem>>) src(%arg8 : memref<80x128xf32, #tpu.memory_space<vmem>>) dst(%dma_wait3A_37 : memref<10240x128xf32, #tpu.memory_space<vmem_shared>>)
        tpu.yield
      }) : () -> ()
    }
    %scan3A_19 = arith.constant 125 : i32
    %barrier3A_20 = arith.constant 0 : index
    tpu.barrier barrier_id(%barrier3A_20)
    %scan3A_21 = arith.constant 0 : i32
    %scan3A_22 = arith.constant 0 : i32
    %scan3A_23 = arith.constant 5 : i32
    %scan3A_24 = arith.addi %scan3A_22, %scan3A_23 : i32
    %scan3A_25 = arith.constant 1 : i32
    scf.for %scan3A_27 = %scan3A_22 to %scan3A_24 step %scan3A_25  : i32 {
      %mul3A_28 = arith.constant 128 : i32
      %mul3A_29 = arith.muli %scan3A_27, %mul3A_28 : i32
      %add3A_30 = arith.addi %mul3A_2, %mul3A_29 : i32
      "tpu.region"() ({
        %run_scoped3A = tpu.sem_alloc : memref<!tpu.dma_semaphore, #tpu.memory_space<semaphore_mem>>
        %dma_start3A = arith.constant 0 : i32
        %dma_start3A_31 = tpu.memref_slice %arg10[%add3A_30, %dma_start3A] : memref<10240x128xf32, #tpu.memory_space<vmem_shared>> -> memref<128x128xf32, #tpu.memory_space<vmem_shared>>
        %dma_start3A_32 = arith.constant 0 : i32
        %dma_start3A_33 = tpu.memref_slice %arg10[%add3A_30, %dma_start3A_32] : memref<10240x128xf32, #tpu.memory_space<vmem_shared>> -> memref<128x128xf32, #tpu.memory_space<vmem_shared>>
        tpu.enqueue_dma source(%dma_start3A_33 : memref<128x128xf32, #tpu.memory_space<vmem_shared>>) target(%arg9 : memref<128x128xf32, #tpu.memory_space<vmem>>) target_semaphore(%run_scoped3A : memref<!tpu.dma_semaphore, #tpu.memory_space<semaphore_mem>>)
        %dma_wait3A = arith.constant 0 : i32
        %dma_wait3A_34 = tpu.memref_slice %arg10[%add3A_30, %dma_wait3A] : memref<10240x128xf32, #tpu.memory_space<vmem_shared>> -> memref<128x128xf32, #tpu.memory_space<vmem_shared>>
        %dma_wait3A_35 = arith.constant 0 : i32
        %dma_wait3A_36 = tpu.memref_slice %arg10[%add3A_30, %dma_wait3A_35] : memref<10240x128xf32, #tpu.memory_space<vmem_shared>> -> memref<128x128xf32, #tpu.memory_space<vmem_shared>>
        tpu.wait_dma2 semaphore(%run_scoped3A : memref<!tpu.dma_semaphore, #tpu.memory_space<semaphore_mem>>) src(%dma_wait3A_36 : memref<128x128xf32, #tpu.memory_space<vmem_shared>>) dst(%arg9 : memref<128x128xf32, #tpu.memory_space<vmem>>)
        tpu.yield
      }) : () -> ()
      "tpu.region"() ({
        %run_scoped3A = tpu.sem_alloc : memref<!tpu.dma_semaphore, #tpu.memory_space<semaphore_mem>>
        %dma_start3A = arith.constant 0 : i32
        %dma_start3A_31 = tpu.memref_slice %arg5[%arg0, %add3A_30, %dma_start3A] : memref<2x10240x128xf32, #tpu.memory_space<hbm>> -> memref<1x128x128xf32, #tpu.memory_space<hbm>>
        %dma_start3A_32 = tpu.memref_squeeze %dma_start3A_31 : memref<1x128x128xf32, #tpu.memory_space<hbm>> -> memref<128x128xf32, #tpu.memory_space<hbm>>
        %dma_start3A_33 = arith.constant 0 : i32
        %dma_start3A_34 = tpu.memref_slice %arg5[%arg0, %add3A_30, %dma_start3A_33] : memref<2x10240x128xf32, #tpu.memory_space<hbm>> -> memref<1x128x128xf32, #tpu.memory_space<hbm>>
        %dma_start3A_35 = tpu.memref_squeeze %dma_start3A_34 : memref<1x128x128xf32, #tpu.memory_space<hbm>> -> memref<128x128xf32, #tpu.memory_space<hbm>>
        tpu.enqueue_dma source(%arg9 : memref<128x128xf32, #tpu.memory_space<vmem>>) target(%dma_start3A_35 : memref<128x128xf32, #tpu.memory_space<hbm>>) target_semaphore(%run_scoped3A : memref<!tpu.dma_semaphore, #tpu.memory_space<semaphore_mem>>)
        %dma_wait3A = arith.constant 0 : i32
        %dma_wait3A_36 = tpu.memref_slice %arg5[%arg0, %add3A_30, %dma_wait3A] : memref<2x10240x128xf32, #tpu.memory_space<hbm>> -> memref<1x128x128xf32, #tpu.memory_space<hbm>>
        %dma_wait3A_37 = tpu.memref_squeeze %dma_wait3A_36 : memref<1x128x128xf32, #tpu.memory_space<hbm>> -> memref<128x128xf32, #tpu.memory_space<hbm>>
        %dma_wait3A_38 = arith.constant 0 : i32
        %dma_wait3A_39 = tpu.memref_slice %arg5[%arg0, %add3A_30, %dma_wait3A_38] : memref<2x10240x128xf32, #tpu.memory_space<hbm>> -> memref<1x128x128xf32, #tpu.memory_space<hbm>>
        %dma_wait3A_40 = tpu.memref_squeeze %dma_wait3A_39 : memref<1x128x128xf32, #tpu.memory_space<hbm>> -> memref<128x128xf32, #tpu.memory_space<hbm>>
        tpu.wait_dma2 semaphore(%run_scoped3A : memref<!tpu.dma_semaphore, #tpu.memory_space<semaphore_mem>>) src(%arg9 : memref<128x128xf32, #tpu.memory_space<vmem>>) dst(%dma_wait3A_40 : memref<128x128xf32, #tpu.memory_space<hbm>>)
        tpu.yield
      }) : () -> ()
    }
    %scan3A_26 = arith.constant 5 : i32
    return
  }
}

module attributes {stable_mosaic.version = 14 : i64} {
  func.func @body(%arg0: i32, %arg1: memref<1024x128xf32, #tpu.memory_space<vmem>>, %arg2: memref<128x128xf32, #tpu.memory_space<vmem>>, %arg3: memref<2x2x1024x128xf32, #tpu.memory_space<vmem>>, %arg4: memref<1024x128xf32, #tpu.memory_space<vmem>>, %arg5: memref<1024x128xf32, #tpu.memory_space<vmem>>, %arg6: memref<1024x1xf32, #tpu.memory_space<vmem>>, %arg7: memref<1024x1xf32, #tpu.memory_space<vmem>>) attributes {dimension_semantics = [#tpu.dimension_semantics<arbitrary>], iteration_bounds = array<i64: 10>, scalar_prefetch = 0 : i64, scratch_operands = 0 : i64, tpu.core_type = #tpu.core_type<tc>, window_params = [{transform_indices = @transform_0, window_bounds = array<i64: 1024, 128>}, {pipeline_mode = #tpu.pipeline_mode<synchronous>, transform_indices = @transform_1, window_bounds = array<i64: 128, 128>}, {transform_indices = @transform_2, window_bounds = array<i64: 2, 2, 1024, 128>}, {transform_indices = @transform_3, window_bounds = array<i64: 1024, 128>}, {transform_indices = @transform_4, window_bounds = array<i64: 1024, 128>}, {transform_indices = @transform_5, window_bounds = array<i64: 1024, 1>}, {transform_indices = @transform_6, window_bounds = array<i64: 1024, 1>}]} {
    %get3A = arith.constant 0 : index
    %get3A_0 = arith.constant 0 : index
    %get3A_1 = arith.constant 0 : index
    %get3A_2 = arith.constant 0 : index
    %get3A_3 = vector.load %arg3[%get3A, %get3A_0, %get3A_1, %get3A_2] : memref<2x2x1024x128xf32, #tpu.memory_space<vmem>>, vector<1x1x1024x1xf32>
    %get3A_4 = vector.shape_cast %get3A_3 : vector<1x1x1024x1xf32> to vector<1024x1xf32>
    %get3A_5 = arith.constant 1 : index
    %get3A_6 = arith.constant 0 : index
    %get3A_7 = arith.constant 0 : index
    %get3A_8 = arith.constant 0 : index
    %get3A_9 = vector.load %arg3[%get3A_5, %get3A_6, %get3A_7, %get3A_8] : memref<2x2x1024x128xf32, #tpu.memory_space<vmem>>, vector<1x1x1024x1xf32>
    %get3A_10 = vector.shape_cast %get3A_9 : vector<1x1x1024x1xf32> to vector<1024x1xf32>
    %add3A = arith.addf %get3A_4, %get3A_10 : vector<1024x1xf32>
    %get3A_11 = arith.constant 0 : index
    %get3A_12 = arith.constant 1 : index
    %get3A_13 = arith.constant 0 : index
    %get3A_14 = arith.constant 0 : index
    %get3A_15 = vector.load %arg3[%get3A_11, %get3A_12, %get3A_13, %get3A_14] : memref<2x2x1024x128xf32, #tpu.memory_space<vmem>>, vector<1x1x1024x1xf32>
    %get3A_16 = vector.shape_cast %get3A_15 : vector<1x1x1024x1xf32> to vector<1024x1xf32>
    %get3A_17 = arith.constant 1 : index
    %get3A_18 = arith.constant 1 : index
    %get3A_19 = arith.constant 0 : index
    %get3A_20 = arith.constant 0 : index
    %get3A_21 = vector.load %arg3[%get3A_17, %get3A_18, %get3A_19, %get3A_20] : memref<2x2x1024x128xf32, #tpu.memory_space<vmem>>, vector<1x1x1024x1xf32>
    %get3A_22 = vector.shape_cast %get3A_21 : vector<1x1x1024x1xf32> to vector<1024x1xf32>
    %add3A_23 = arith.addf %get3A_16, %get3A_22 : vector<1024x1xf32>
    %max3A = arith.constant 1.000000e+00 : f32
    %max3A_24 = vector.broadcast %max3A : f32 to vector<1024x1xf32>
    %max3A_25 = arith.maximumf %add3A, %max3A_24 : vector<1024x1xf32>
    %rsqrt3A = math.rsqrt %max3A_25 : vector<1024x1xf32>
    %max3A_26 = arith.constant 1.000000e+00 : f32
    %max3A_27 = vector.broadcast %max3A_26 : f32 to vector<1024x1xf32>
    %max3A_28 = arith.maximumf %add3A_23, %max3A_27 : vector<1024x1xf32>
    %rsqrt3A_29 = math.rsqrt %max3A_28 : vector<1024x1xf32>
    %get3A_30 = arith.constant 0 : index
    %get3A_31 = arith.constant 0 : index
    %get3A_32 = vector.load %arg1[%get3A_30, %get3A_31] : memref<1024x128xf32, #tpu.memory_space<vmem>>, vector<1024x128xf32>
    %get3A_33 = arith.constant 0 : index
    %get3A_34 = arith.constant 0 : index
    %get3A_35 = vector.load %arg2[%get3A_33, %get3A_34] : memref<128x128xf32, #tpu.memory_space<vmem>>, vector<128x128xf32>
    %dot_general3A = arith.constant dense<0.000000e+00> : vector<1024x128xf32>
    %dot_general3A_36 = tpu.matmul %get3A_32, %get3A_35, %dot_general3A {dimension_numbers = #tpu.dot_dimension_numbers<[1], [0], [0], [1], [0, 0, 1, 1], [], []>, precision = #tpu.contract_precision<fp32>, transpose_lhs_hint = false} : vector<1024x128xf32>, vector<128x128xf32>, vector<1024x128xf32> -> vector<1024x128xf32>
    %swap3A = arith.constant 0 : index
    %swap3A_37 = arith.constant 0 : index
    %swap3A_38 = vector.load %arg4[%swap3A, %swap3A_37] : memref<1024x128xf32, #tpu.memory_space<vmem>>, vector<1024x128xf32>
    tpu.vector_store %arg4[%swap3A, %swap3A_37], %dot_general3A_36 {strides = array<i32>} : memref<1024x128xf32, #tpu.memory_space<vmem>>, vector<1024x128xf32>,
    %mul3A = vector.broadcast %rsqrt3A : vector<1024x1xf32> to vector<1024x128xf32>
    %mul3A_39 = arith.mulf %dot_general3A_36, %mul3A : vector<1024x128xf32>
    %swap3A_40 = arith.constant 0 : index
    %swap3A_41 = arith.constant 0 : index
    %swap3A_42 = vector.load %arg5[%swap3A_40, %swap3A_41] : memref<1024x128xf32, #tpu.memory_space<vmem>>, vector<1024x128xf32>
    tpu.vector_store %arg5[%swap3A_40, %swap3A_41], %mul3A_39 {strides = array<i32>} : memref<1024x128xf32, #tpu.memory_space<vmem>>, vector<1024x128xf32>,
    %swap3A_43 = arith.constant 0 : index
    %swap3A_44 = arith.constant 0 : index
    %swap3A_45 = vector.load %arg6[%swap3A_43, %swap3A_44] : memref<1024x1xf32, #tpu.memory_space<vmem>>, vector<1024x1xf32>
    tpu.vector_store %arg6[%swap3A_43, %swap3A_44], %rsqrt3A {strides = array<i32>} : memref<1024x1xf32, #tpu.memory_space<vmem>>, vector<1024x1xf32>,
    %swap3A_46 = arith.constant 0 : index
    %swap3A_47 = arith.constant 0 : index
    %swap3A_48 = vector.load %arg7[%swap3A_46, %swap3A_47] : memref<1024x1xf32, #tpu.memory_space<vmem>>, vector<1024x1xf32>
    tpu.vector_store %arg7[%swap3A_46, %swap3A_47], %rsqrt3A_29 {strides = array<i32>} : memref<1024x1xf32, #tpu.memory_space<vmem>>, vector<1024x1xf32>,
    return
  }
  func.func @transform_0(%arg0: i32) -> (i32, i32) {
    %c0_i32 = arith.constant 0 : i32
    %c0_i32_0 = arith.constant 0 : i32
    return %arg0, %c0_i32 : i32, i32
  }
  func.func @transform_1(%arg0: i32) -> (i32, i32) {
    %c0_i32 = arith.constant 0 : i32
    %c0_i32_0 = arith.constant 0 : i32
    %c0_i32_1 = arith.constant 0 : i32
    return %c0_i32, %c0_i32_0 : i32, i32
  }
  func.func @transform_2(%arg0: i32) -> (i32, i32, i32, i32) {
    %c0_i32 = arith.constant 0 : i32
    %c0_i32_0 = arith.constant 0 : i32
    %c0_i32_1 = arith.constant 0 : i32
    %c0_i32_2 = arith.constant 0 : i32
    return %c0_i32, %c0_i32_0, %arg0, %c0_i32_1 : i32, i32, i32, i32
  }
  func.func @transform_3(%arg0: i32) -> (i32, i32) {
    %c0_i32 = arith.constant 0 : i32
    %c0_i32_0 = arith.constant 0 : i32
    return %arg0, %c0_i32 : i32, i32
  }
  func.func @transform_4(%arg0: i32) -> (i32, i32) {
    %c0_i32 = arith.constant 0 : i32
    %c0_i32_0 = arith.constant 0 : i32
    return %arg0, %c0_i32 : i32, i32
  }
  func.func @transform_5(%arg0: i32) -> (i32, i32) {
    %c0_i32 = arith.constant 0 : i32
    %c0_i32_0 = arith.constant 0 : i32
    return %arg0, %c0_i32 : i32, i32
  }
  func.func @transform_6(%arg0: i32) -> (i32, i32) {
    %c0_i32 = arith.constant 0 : i32
    %c0_i32_0 = arith.constant 0 : i32
    return %arg0, %c0_i32 : i32, i32
  }
}

module attributes {stable_mosaic.version = 14 : i64} {
  func.func @body(%arg0: i32, %arg1: memref<2x1024x128xf32, #tpu.memory_space<vmem>>, %arg2: memref<1024x128xf32, #tpu.memory_space<vmem>>, %arg3: memref<1024x1xf32, #tpu.memory_space<vmem>>, %arg4: memref<1024x1xf32, #tpu.memory_space<vmem>>, %arg5: memref<128x128xf32, #tpu.memory_space<vmem>>, %arg6: memref<1024x128xf32, #tpu.memory_space<vmem>>) attributes {dimension_semantics = [#tpu.dimension_semantics<arbitrary>], iteration_bounds = array<i64: 10>, scalar_prefetch = 0 : i64, scratch_operands = 0 : i64, tpu.core_type = #tpu.core_type<tc>, window_params = [{transform_indices = @transform_0, window_bounds = array<i64: 2, 1024, 128>}, {transform_indices = @transform_1, window_bounds = array<i64: 1024, 128>}, {transform_indices = @transform_2, window_bounds = array<i64: 1024, 1>}, {transform_indices = @transform_3, window_bounds = array<i64: 1024, 1>}, {pipeline_mode = #tpu.pipeline_mode<synchronous>, transform_indices = @transform_4, window_bounds = array<i64: 128, 128>}, {transform_indices = @transform_5, window_bounds = array<i64: 1024, 128>}]} {
    %get3A = arith.constant 0 : index
    %get3A_0 = arith.constant 0 : index
    %get3A_1 = arith.constant 0 : index
    %get3A_2 = vector.load %arg1[%get3A, %get3A_0, %get3A_1] : memref<2x1024x128xf32, #tpu.memory_space<vmem>>, vector<1x1024x128xf32>
    %get3A_3 = vector.shape_cast %get3A_2 : vector<1x1024x128xf32> to vector<1024x128xf32>
    %get3A_4 = arith.constant 1 : index
    %get3A_5 = arith.constant 0 : index
    %get3A_6 = arith.constant 0 : index
    %get3A_7 = vector.load %arg1[%get3A_4, %get3A_5, %get3A_6] : memref<2x1024x128xf32, #tpu.memory_space<vmem>>, vector<1x1024x128xf32>
    %get3A_8 = vector.shape_cast %get3A_7 : vector<1x1024x128xf32> to vector<1024x128xf32>
    %add3A = arith.addf %get3A_3, %get3A_8 : vector<1024x128xf32>
    %mul3A = arith.constant 0.899999976 : f32
    %mul3A_9 = vector.broadcast %mul3A : f32 to vector<1024x128xf32>
    %mul3A_10 = arith.mulf %mul3A_9, %add3A : vector<1024x128xf32>
    %get3A_11 = arith.constant 0 : index
    %get3A_12 = arith.constant 0 : index
    %get3A_13 = vector.load %arg4[%get3A_11, %get3A_12] : memref<1024x1xf32, #tpu.memory_space<vmem>>, vector<1024x1xf32>
    %mul3A_14 = vector.broadcast %get3A_13 : vector<1024x1xf32> to vector<1024x128xf32>
    %mul3A_15 = arith.mulf %mul3A_10, %mul3A_14 : vector<1024x128xf32>
    %get3A_16 = arith.constant 0 : index
    %get3A_17 = arith.constant 0 : index
    %get3A_18 = vector.load %arg2[%get3A_16, %get3A_17] : memref<1024x128xf32, #tpu.memory_space<vmem>>, vector<1024x128xf32>
    %mul3A_19 = arith.constant 1.000000e-01 : f32
    %mul3A_20 = vector.broadcast %mul3A_19 : f32 to vector<1024x128xf32>
    %mul3A_21 = arith.mulf %mul3A_20, %get3A_18 : vector<1024x128xf32>
    %add3A_22 = arith.addf %mul3A_15, %mul3A_21 : vector<1024x128xf32>
    %mul3A_23 = arith.constant 0.306852818 : f32
    %mul3A_24 = vector.broadcast %mul3A_23 : f32 to vector<1024x128xf32>
    %mul3A_25 = arith.mulf %mul3A_24, %add3A_22 : vector<1024x128xf32>
    %get3A_26 = arith.constant 0 : index
    %get3A_27 = arith.constant 0 : index
    %get3A_28 = vector.load %arg5[%get3A_26, %get3A_27] : memref<128x128xf32, #tpu.memory_space<vmem>>, vector<128x128xf32>
    %dot_general3A = arith.constant dense<0.000000e+00> : vector<1024x128xf32>
    %dot_general3A_29 = tpu.matmul %add3A_22, %get3A_28, %dot_general3A {dimension_numbers = #tpu.dot_dimension_numbers<[1], [0], [0], [1], [0, 0, 1, 1], [], []>, precision = #tpu.contract_precision<fp32>, transpose_lhs_hint = false} : vector<1024x128xf32>, vector<128x128xf32>, vector<1024x128xf32> -> vector<1024x128xf32>
    %mul3A_30 = arith.constant 0.693147182 : f32
    %mul3A_31 = vector.broadcast %mul3A_30 : f32 to vector<1024x128xf32>
    %mul3A_32 = arith.mulf %mul3A_31, %dot_general3A_29 : vector<1024x128xf32>
    %add3A_33 = arith.addf %mul3A_25, %mul3A_32 : vector<1024x128xf32>
    %get3A_34 = arith.constant 0 : index
    %get3A_35 = arith.constant 0 : index
    %get3A_36 = vector.load %arg3[%get3A_34, %get3A_35] : memref<1024x1xf32, #tpu.memory_space<vmem>>, vector<1024x1xf32>
    %mul3A_37 = vector.broadcast %get3A_36 : vector<1024x1xf32> to vector<1024x128xf32>
    %mul3A_38 = arith.mulf %add3A_33, %mul3A_37 : vector<1024x128xf32>
    %swap3A = arith.constant 0 : index
    %swap3A_39 = arith.constant 0 : index
    %swap3A_40 = vector.load %arg6[%swap3A, %swap3A_39] : memref<1024x128xf32, #tpu.memory_space<vmem>>, vector<1024x128xf32>
    tpu.vector_store %arg6[%swap3A, %swap3A_39], %mul3A_38 {strides = array<i32>} : memref<1024x128xf32, #tpu.memory_space<vmem>>, vector<1024x128xf32>,
    return
  }
  func.func @transform_0(%arg0: i32) -> (i32, i32, i32) {
    %c0_i32 = arith.constant 0 : i32
    %c0_i32_0 = arith.constant 0 : i32
    %c0_i32_1 = arith.constant 0 : i32
    return %c0_i32, %arg0, %c0_i32_0 : i32, i32, i32
  }
  func.func @transform_1(%arg0: i32) -> (i32, i32) {
    %c0_i32 = arith.constant 0 : i32
    %c0_i32_0 = arith.constant 0 : i32
    return %arg0, %c0_i32 : i32, i32
  }
  func.func @transform_2(%arg0: i32) -> (i32, i32) {
    %c0_i32 = arith.constant 0 : i32
    %c0_i32_0 = arith.constant 0 : i32
    return %arg0, %c0_i32 : i32, i32
  }
  func.func @transform_3(%arg0: i32) -> (i32, i32) {
    %c0_i32 = arith.constant 0 : i32
    %c0_i32_0 = arith.constant 0 : i32
    return %arg0, %c0_i32 : i32, i32
  }
  func.func @transform_4(%arg0: i32) -> (i32, i32) {
    %c0_i32 = arith.constant 0 : i32
    %c0_i32_0 = arith.constant 0 : i32
    %c0_i32_1 = arith.constant 0 : i32
    return %c0_i32, %c0_i32_0 : i32, i32
  }
  func.func @transform_5(%arg0: i32) -> (i32, i32) {
    %c0_i32 = arith.constant 0 : i32
    %c0_i32_0 = arith.constant 0 : i32
    return %arg0, %c0_i32 : i32, i32
  }
}

module attributes {stable_mosaic.version = 14 : i64} {
  func.func @body(%arg0: i32, %arg1: memref<2x1024x128xf32, #tpu.memory_space<vmem>>, %arg2: memref<1024x128xf32, #tpu.memory_space<vmem>>, %arg3: memref<1024x1xf32, #tpu.memory_space<vmem>>, %arg4: memref<1024x1xf32, #tpu.memory_space<vmem>>, %arg5: memref<128x128xf32, #tpu.memory_space<vmem>>, %arg6: memref<1024x128xf32, #tpu.memory_space<vmem>>) attributes {dimension_semantics = [#tpu.dimension_semantics<arbitrary>], iteration_bounds = array<i64: 10>, scalar_prefetch = 0 : i64, scratch_operands = 0 : i64, tpu.core_type = #tpu.core_type<tc>, window_params = [{transform_indices = @transform_0, window_bounds = array<i64: 2, 1024, 128>}, {transform_indices = @transform_1, window_bounds = array<i64: 1024, 128>}, {transform_indices = @transform_2, window_bounds = array<i64: 1024, 1>}, {transform_indices = @transform_3, window_bounds = array<i64: 1024, 1>}, {pipeline_mode = #tpu.pipeline_mode<synchronous>, transform_indices = @transform_4, window_bounds = array<i64: 128, 128>}, {transform_indices = @transform_5, window_bounds = array<i64: 1024, 128>}]} {
    %get3A = arith.constant 0 : index
    %get3A_0 = arith.constant 0 : index
    %get3A_1 = arith.constant 0 : index
    %get3A_2 = vector.load %arg1[%get3A, %get3A_0, %get3A_1] : memref<2x1024x128xf32, #tpu.memory_space<vmem>>, vector<1x1024x128xf32>
    %get3A_3 = vector.shape_cast %get3A_2 : vector<1x1024x128xf32> to vector<1024x128xf32>
    %get3A_4 = arith.constant 1 : index
    %get3A_5 = arith.constant 0 : index
    %get3A_6 = arith.constant 0 : index
    %get3A_7 = vector.load %arg1[%get3A_4, %get3A_5, %get3A_6] : memref<2x1024x128xf32, #tpu.memory_space<vmem>>, vector<1x1024x128xf32>
    %get3A_8 = vector.shape_cast %get3A_7 : vector<1x1024x128xf32> to vector<1024x128xf32>
    %add3A = arith.addf %get3A_3, %get3A_8 : vector<1024x128xf32>
    %mul3A = arith.constant 0.899999976 : f32
    %mul3A_9 = vector.broadcast %mul3A : f32 to vector<1024x128xf32>
    %mul3A_10 = arith.mulf %mul3A_9, %add3A : vector<1024x128xf32>
    %get3A_11 = arith.constant 0 : index
    %get3A_12 = arith.constant 0 : index
    %get3A_13 = vector.load %arg4[%get3A_11, %get3A_12] : memref<1024x1xf32, #tpu.memory_space<vmem>>, vector<1024x1xf32>
    %mul3A_14 = vector.broadcast %get3A_13 : vector<1024x1xf32> to vector<1024x128xf32>
    %mul3A_15 = arith.mulf %mul3A_10, %mul3A_14 : vector<1024x128xf32>
    %get3A_16 = arith.constant 0 : index
    %get3A_17 = arith.constant 0 : index
    %get3A_18 = vector.load %arg2[%get3A_16, %get3A_17] : memref<1024x128xf32, #tpu.memory_space<vmem>>, vector<1024x128xf32>
    %mul3A_19 = arith.constant 1.000000e-01 : f32
    %mul3A_20 = vector.broadcast %mul3A_19 : f32 to vector<1024x128xf32>
    %mul3A_21 = arith.mulf %mul3A_20, %get3A_18 : vector<1024x128xf32>
    %add3A_22 = arith.addf %mul3A_15, %mul3A_21 : vector<1024x128xf32>
    %mul3A_23 = arith.constant 0.594534874 : f32
    %mul3A_24 = vector.broadcast %mul3A_23 : f32 to vector<1024x128xf32>
    %mul3A_25 = arith.mulf %mul3A_24, %add3A_22 : vector<1024x128xf32>
    %get3A_26 = arith.constant 0 : index
    %get3A_27 = arith.constant 0 : index
    %get3A_28 = vector.load %arg5[%get3A_26, %get3A_27] : memref<128x128xf32, #tpu.memory_space<vmem>>, vector<128x128xf32>
    %dot_general3A = arith.constant dense<0.000000e+00> : vector<1024x128xf32>
    %dot_general3A_29 = tpu.matmul %add3A_22, %get3A_28, %dot_general3A {dimension_numbers = #tpu.dot_dimension_numbers<[1], [0], [0], [1], [0, 0, 1, 1], [], []>, precision = #tpu.contract_precision<fp32>, transpose_lhs_hint = false} : vector<1024x128xf32>, vector<128x128xf32>, vector<1024x128xf32> -> vector<1024x128xf32>
    %mul3A_30 = arith.constant 0.405465096 : f32
    %mul3A_31 = vector.broadcast %mul3A_30 : f32 to vector<1024x128xf32>
    %mul3A_32 = arith.mulf %mul3A_31, %dot_general3A_29 : vector<1024x128xf32>
    %add3A_33 = arith.addf %mul3A_25, %mul3A_32 : vector<1024x128xf32>
    %get3A_34 = arith.constant 0 : index
    %get3A_35 = arith.constant 0 : index
    %get3A_36 = vector.load %arg3[%get3A_34, %get3A_35] : memref<1024x1xf32, #tpu.memory_space<vmem>>, vector<1024x1xf32>
    %mul3A_37 = vector.broadcast %get3A_36 : vector<1024x1xf32> to vector<1024x128xf32>
    %mul3A_38 = arith.mulf %add3A_33, %mul3A_37 : vector<1024x128xf32>
    %swap3A = arith.constant 0 : index
    %swap3A_39 = arith.constant 0 : index
    %swap3A_40 = vector.load %arg6[%swap3A, %swap3A_39] : memref<1024x128xf32, #tpu.memory_space<vmem>>, vector<1024x128xf32>
    tpu.vector_store %arg6[%swap3A, %swap3A_39], %mul3A_38 {strides = array<i32>} : memref<1024x128xf32, #tpu.memory_space<vmem>>, vector<1024x128xf32>,
    return
  }
  func.func @transform_0(%arg0: i32) -> (i32, i32, i32) {
    %c0_i32 = arith.constant 0 : i32
    %c0_i32_0 = arith.constant 0 : i32
    %c0_i32_1 = arith.constant 0 : i32
    return %c0_i32, %arg0, %c0_i32_0 : i32, i32, i32
  }
  func.func @transform_1(%arg0: i32) -> (i32, i32) {
    %c0_i32 = arith.constant 0 : i32
    %c0_i32_0 = arith.constant 0 : i32
    return %arg0, %c0_i32 : i32, i32
  }
  func.func @transform_2(%arg0: i32) -> (i32, i32) {
    %c0_i32 = arith.constant 0 : i32
    %c0_i32_0 = arith.constant 0 : i32
    return %arg0, %c0_i32 : i32, i32
  }
  func.func @transform_3(%arg0: i32) -> (i32, i32) {
    %c0_i32 = arith.constant 0 : i32
    %c0_i32_0 = arith.constant 0 : i32
    return %arg0, %c0_i32 : i32, i32
  }
  func.func @transform_4(%arg0: i32) -> (i32, i32) {
    %c0_i32 = arith.constant 0 : i32
    %c0_i32_0 = arith.constant 0 : i32
    %c0_i32_1 = arith.constant 0 : i32
    return %c0_i32, %c0_i32_0 : i32, i32
  }
  func.func @transform_5(%arg0: i32) -> (i32, i32) {
    %c0_i32 = arith.constant 0 : i32
    %c0_i32_0 = arith.constant 0 : i32
    return %arg0, %c0_i32 : i32, i32
  }
}

module attributes {stable_mosaic.version = 14 : i64} {
  func.func @body(%arg0: i32, %arg1: memref<2x1024x128xf32, #tpu.memory_space<vmem>>, %arg2: memref<1024x128xf32, #tpu.memory_space<vmem>>, %arg3: memref<1024x1xf32, #tpu.memory_space<vmem>>, %arg4: memref<128x128xf32, #tpu.memory_space<vmem>>, %arg5: memref<128x128xf32, #tpu.memory_space<vmem>>, %arg6: memref<1024x128xf32, #tpu.memory_space<vmem>>) attributes {dimension_semantics = [#tpu.dimension_semantics<arbitrary>], iteration_bounds = array<i64: 10>, scalar_prefetch = 0 : i64, scratch_operands = 0 : i64, tpu.core_type = #tpu.core_type<tc>, window_params = [{transform_indices = @transform_0, window_bounds = array<i64: 2, 1024, 128>}, {transform_indices = @transform_1, window_bounds = array<i64: 1024, 128>}, {transform_indices = @transform_2, window_bounds = array<i64: 1024, 1>}, {pipeline_mode = #tpu.pipeline_mode<synchronous>, transform_indices = @transform_3, window_bounds = array<i64: 128, 128>}, {pipeline_mode = #tpu.pipeline_mode<synchronous>, transform_indices = @transform_4, window_bounds = array<i64: 128, 128>}, {transform_indices = @transform_5, window_bounds = array<i64: 1024, 128>}]} {
    %get3A = arith.constant 0 : index
    %get3A_0 = arith.constant 0 : index
    %get3A_1 = arith.constant 0 : index
    %get3A_2 = vector.load %arg1[%get3A, %get3A_0, %get3A_1] : memref<2x1024x128xf32, #tpu.memory_space<vmem>>, vector<1x1024x128xf32>
    %get3A_3 = vector.shape_cast %get3A_2 : vector<1x1024x128xf32> to vector<1024x128xf32>
    %get3A_4 = arith.constant 1 : index
    %get3A_5 = arith.constant 0 : index
    %get3A_6 = arith.constant 0 : index
    %get3A_7 = vector.load %arg1[%get3A_4, %get3A_5, %get3A_6] : memref<2x1024x128xf32, #tpu.memory_space<vmem>>, vector<1x1024x128xf32>
    %get3A_8 = vector.shape_cast %get3A_7 : vector<1x1024x128xf32> to vector<1024x128xf32>
    %add3A = arith.addf %get3A_3, %get3A_8 : vector<1024x128xf32>
    %mul3A = arith.constant 0.899999976 : f32
    %mul3A_9 = vector.broadcast %mul3A : f32 to vector<1024x128xf32>
    %mul3A_10 = arith.mulf %mul3A_9, %add3A : vector<1024x128xf32>
    %get3A_11 = arith.constant 0 : index
    %get3A_12 = arith.constant 0 : index
    %get3A_13 = vector.load %arg3[%get3A_11, %get3A_12] : memref<1024x1xf32, #tpu.memory_space<vmem>>, vector<1024x1xf32>
    %mul3A_14 = vector.broadcast %get3A_13 : vector<1024x1xf32> to vector<1024x128xf32>
    %mul3A_15 = arith.mulf %mul3A_10, %mul3A_14 : vector<1024x128xf32>
    %get3A_16 = arith.constant 0 : index
    %get3A_17 = arith.constant 0 : index
    %get3A_18 = vector.load %arg2[%get3A_16, %get3A_17] : memref<1024x128xf32, #tpu.memory_space<vmem>>, vector<1024x128xf32>
    %mul3A_19 = arith.constant 1.000000e-01 : f32
    %mul3A_20 = vector.broadcast %mul3A_19 : f32 to vector<1024x128xf32>
    %mul3A_21 = arith.mulf %mul3A_20, %get3A_18 : vector<1024x128xf32>
    %add3A_22 = arith.addf %mul3A_15, %mul3A_21 : vector<1024x128xf32>
    %mul3A_23 = arith.constant 0.712317943 : f32
    %mul3A_24 = vector.broadcast %mul3A_23 : f32 to vector<1024x128xf32>
    %mul3A_25 = arith.mulf %mul3A_24, %add3A_22 : vector<1024x128xf32>
    %get3A_26 = arith.constant 0 : index
    %get3A_27 = arith.constant 0 : index
    %get3A_28 = vector.load %arg4[%get3A_26, %get3A_27] : memref<128x128xf32, #tpu.memory_space<vmem>>, vector<128x128xf32>
    %dot_general3A = arith.constant dense<0.000000e+00> : vector<1024x128xf32>
    %dot_general3A_29 = tpu.matmul %add3A_22, %get3A_28, %dot_general3A {dimension_numbers = #tpu.dot_dimension_numbers<[1], [0], [0], [1], [0, 0, 1, 1], [], []>, precision = #tpu.contract_precision<fp32>, transpose_lhs_hint = false} : vector<1024x128xf32>, vector<128x128xf32>, vector<1024x128xf32> -> vector<1024x128xf32>
    %mul3A_30 = arith.constant 0.287682086 : f32
    %mul3A_31 = vector.broadcast %mul3A_30 : f32 to vector<1024x128xf32>
    %mul3A_32 = arith.mulf %mul3A_31, %dot_general3A_29 : vector<1024x128xf32>
    %add3A_33 = arith.addf %mul3A_25, %mul3A_32 : vector<1024x128xf32>
    %get3A_34 = arith.constant 0 : index
    %get3A_35 = arith.constant 0 : index
    %get3A_36 = vector.load %arg5[%get3A_34, %get3A_35] : memref<128x128xf32, #tpu.memory_space<vmem>>, vector<128x128xf32>
    %dot_general3A_37 = arith.constant dense<0.000000e+00> : vector<1024x128xf32>
    %dot_general3A_38 = tpu.matmul %add3A_33, %get3A_36, %dot_general3A_37 {dimension_numbers = #tpu.dot_dimension_numbers<[1], [0], [0], [1], [0, 0, 1, 1], [], []>, precision = #tpu.contract_precision<fp32>, transpose_lhs_hint = false} : vector<1024x128xf32>, vector<128x128xf32>, vector<1024x128xf32> -> vector<1024x128xf32>
    %swap3A = arith.constant 0 : index
    %swap3A_39 = arith.constant 0 : index
    %swap3A_40 = vector.load %arg6[%swap3A, %swap3A_39] : memref<1024x128xf32, #tpu.memory_space<vmem>>, vector<1024x128xf32>
    tpu.vector_store %arg6[%swap3A, %swap3A_39], %dot_general3A_38 {strides = array<i32>} : memref<1024x128xf32, #tpu.memory_space<vmem>>, vector<1024x128xf32>,
    return
  }
  func.func @transform_0(%arg0: i32) -> (i32, i32, i32) {
    %c0_i32 = arith.constant 0 : i32
    %c0_i32_0 = arith.constant 0 : i32
    %c0_i32_1 = arith.constant 0 : i32
    return %c0_i32, %arg0, %c0_i32_0 : i32, i32, i32
  }
  func.func @transform_1(%arg0: i32) -> (i32, i32) {
    %c0_i32 = arith.constant 0 : i32
    %c0_i32_0 = arith.constant 0 : i32
    return %arg0, %c0_i32 : i32, i32
  }
  func.func @transform_2(%arg0: i32) -> (i32, i32) {
    %c0_i32 = arith.constant 0 : i32
    %c0_i32_0 = arith.constant 0 : i32
    return %arg0, %c0_i32 : i32, i32
  }
  func.func @transform_3(%arg0: i32) -> (i32, i32) {
    %c0_i32 = arith.constant 0 : i32
    %c0_i32_0 = arith.constant 0 : i32
    %c0_i32_1 = arith.constant 0 : i32
    return %c0_i32, %c0_i32_0 : i32, i32
  }
  func.func @transform_4(%arg0: i32) -> (i32, i32) {
    %c0_i32 = arith.constant 0 : i32
    %c0_i32_0 = arith.constant 0 : i32
    %c0_i32_1 = arith.constant 0 : i32
    return %c0_i32, %c0_i32_0 : i32, i32
  }
  func.func @transform_5(%arg0: i32) -> (i32, i32) {
    %c0_i32 = arith.constant 0 : i32
    %c0_i32_0 = arith.constant 0 : i32
    return %arg0, %c0_i32 : i32, i32
  }
}

</mosaic_0001>

<sc_bundles>
// kernel: kernel.11.cloned.1.call-start
scs
__scs_entry_jumppad:
0x0: {  	(pc) =	sbr.rel $0x88, $3  }
0x1: {  	(tag) =	ssettag $0x0;
	lr =	simm.s32 $0x1  }
0x2: {  	[smem:$0x3F9A] =	sst lr;
	_ =	strace $0xD0000000  }
0x3: {  	_ = 	snop  }
0x4: {  	_ = 	snop  }
0x5: {  	_ = 	snop  }
0x6: {  	_ = 	snop  }
0x7: {  	_ = 	snop  }
__scs_overlays_trampoline_lowered:
0x8: {  	[smem:$0x3FA9] =	sst s0  }
0x9: {  	[smem:$0x3FAA] =	sst s1  }
0xa: {  	[smem:$0x3FAB] =	sst s2  }
0xb: {  	[smem:$0x3FAC] =	sst s3  }
0xc: {  	[smem:$0x3FAD] =	sst s4  }
0xd: {  	[smem:$0x3FAE] =	sst s5  }
0xe: {  	[smem:$0x3FAF] =	sst s6  }
0xf: {  	[smem:$0x3FB0] =	sst s7  }
0x10: {  	[smem:$0x3FB1] =	sst s8  }
0x11: {  	[smem:$0x3FB2] =	sst s9;
	s0 =	simm.s32 @!p0 $0x0  }
0x12: {  	s1 =	sld [smem:$0x3F98];
	s0 =	simm.s32 @p0 $0x1  }
0x13: {  	[smem:$0x3FB3] =	sst s0;
	s0 =	simm.s32 @!p1 $0x0  }
0x14: {  	s2 =	sld [smem:$0x3F97];
	s0 =	simm.s32 @p1 $0x1  }
0x15: {  	[smem:$0x3FB4] =	sst s0;
	s0 =	simm.s32 @!p2 $0x0  }
0x16: {  	s3 =	sld [smem:$0x3FDB];
	s0 =	simm.s32 @p2 $0x1  }
0x17: {  	s4 =	simm.s32 $0x1BF5;
	[smem:$0x3FB6] =	sst s0  }
0x18: {  	s0 =	sld [smem:$0x3F99];
	_ =	swait.ge [sflag:s4], $0x0  }
0x19: {  	s7 =	sld [smem:$0x3F9A]  }
0x1a: {  	s8 =	sadd.s32 $0xFFFFE003, lr  }
0x1b: {  	s9 =	sadd.s32 $0xFFFFFEF7, lr;
	s5 =	simm.s32 $0xFFFFFFFF;
	p2 =	slt.u32 s8, $0xFFFFF086  }
0x1c: {  	p1 =	slt.u32 s9, $0xF7A;
	s5 =	simm.s32 @!p2 $0x0  }
0x1d: {  	s5 =	simm.s32 @p1 $0x1;
	p0 =	seq.s32 s7, s2  }
0x1e: {  	s7 =	smul.u32 @!p0 $0xF7A, s2;
	p2 =	seq.s32 @!p0 s5, $0x0  }
0x1f: {  	s9 =	smul.u32 $0xF7A, s1;
	s8 =	simm.s32 @!p0 $0x1BF5;
	p2 =	por !p2, p0  }
0x20: {  	[sflag:s8] =	ssyncset.s32 @!p0 $0xFFFFF086;
	s6 =	sadd.s32 @!p0 s3, s7;
	s7 =	simm.s32 @!p0 $0x108  }
0x21: {  	s3 =	sadd.s32 s3, s9;
	s6 =	sadd.s32 @!p0 $0x88, s6;
	s7 =	simm.s32 @p2 $0x1082  }
0x22: {  	[simem:s7], [sflag:s8] =	dma.local @!p0 [hbm:s6], $0xF7A  }
0x23: {  	s9 =	sor.u32 $0xD0000000, s2;
	s6 =	simm.s32 $0x108;
	_ =	swait.ge @!p0 [sflag:s8], $0x0  }
0x24: {  	s3 =	sadd.s32 $0x88, s3;
	s6 =	simm.s32 @!p1 $0x1082;
	[sflag:s4] =	ssyncset.s32 $0xFFFFF086  }
0x25: {  	[simem:s6], [sflag:s4] =	dma.local [hbm:s3], $0xF7A  }
0x26: {  	[smem:$0x3F9A] =	sst s1;
	(tag) =	ssettag s2;
	_ =	strace s9  }
0x27: {  	s1 =	sld [smem:$0x3FAA]  }
0x28: {  	s2 =	sld [smem:$0x3FAB]  }
0x29: {  	s4 =	sld [smem:$0x3FAD]  }
0x2a: {  	p0 =	seq.s32 s5, $0x0;
	s5 =	sld [smem:$0x3FAE]  }
0x2b: {  	s6 =	sld [smem:$0x3FAF]  }
0x2c: {  	s7 =	sld [smem:$0x3FB0]  }
0x2d: {  	s3 =	simm.s32 $0x108;
	s8 =	sld [smem:$0x3FB1]  }
0x2e: {  	s3 =	simm.s32 @!p0 $0x1082;
	s9 =	sld [smem:$0x3FB2]  }
0x2f: {  	lr =	sadd.s32 s0, s3;
	s0 =	sld [smem:$0x3FA9]  }
0x30: {  	s3 =	sld [smem:$0x3FAC]  }
0x31: {  	[smem:$0x3FB5] =	sst s10  }
0x32: {  	s10 =	sld [smem:$0x3FB3];
	_ =	sdelay $0x3  }
0x33: {  	p0 =	seq.s32 s10, $0x1;
	s10 =	sld [smem:$0x3FB5];
	_ =	sdelay $0x3  }
0x34: {  	[smem:$0x3FB5] =	sst s10  }
0x35: {  	s10 =	sld [smem:$0x3FB4];
	_ =	sdelay $0x3  }
0x36: {  	p1 =	seq.s32 s10, $0x1;
	s10 =	sld [smem:$0x3FB5];
	_ =	sdelay $0x3  }
0x37: {  	[smem:$0x3FB5] =	sst s10  }
0x38: {  	s10 =	sld [smem:$0x3FB6]  }
0x39: {  	_ = 	snop;
	(pc) =	sbr.ind lr, $3  }
0x3a: {  	_ = 	snop  }
0x3b: {  	_ = 	snop  }
0x3c: {  	p2 =	seq.s32 s10, $0x1;
	s10 =	sld [smem:$0x3FB5]  }
0x3d: {  	_ =	shalt  }
0x3e: {  	_ =	shalt  }
0x3f: {  	_ =	shalt  }
0x40: {  	_ =	shalt  }
0x41: {  	_ =	shalt  }
0x42: {  	_ =	shalt  }
0x43: {  	_ =	shalt  }
0x44: {  	_ =	shalt  }
0x45: {  	_ =	shalt  }
0x46: {  	_ =	shalt  }
0x47: {  	_ =	shalt  }
0x48: {  	_ =	shalt  }
0x49: {  	_ =	shalt  }
0x4a: {  	_ =	shalt  }
0x4b: {  	_ =	shalt  }
0x4c: {  	_ =	shalt  }
0x4d: {  	_ =	shalt  }
0x4e: {  	_ =	shalt  }
0x4f: {  	_ =	shalt  }
0x50: {  	_ =	shalt  }
0x51: {  	_ =	shalt  }
0x52: {  	_ =	shalt  }
0x53: {  	_ =	shalt  }
0x54: {  	_ =	shalt  }
0x55: {  	_ =	shalt  }
0x56: {  	_ =	shalt  }
0x57: {  	_ =	shalt  }
0x58: {  	_ =	shalt  }
0x59: {  	_ =	shalt  }
0x5a: {  	_ =	shalt  }
0x5b: {  	_ =	shalt  }
0x5c: {  	_ =	shalt  }
0x5d: {  	_ =	shalt  }
0x5e: {  	_ =	shalt  }
0x5f: {  	_ =	shalt  }
0x60: {  	_ =	shalt  }
0x61: {  	_ =	shalt  }
0x62: {  	_ =	shalt  }
0x63: {  	_ =	shalt  }
0x64: {  	_ =	shalt  }
0x65: {  	_ =	shalt  }
0x66: {  	_ =	shalt  }
0x67: {  	_ =	shalt  }
0x68: {  	_ =	shalt  }
0x69: {  	_ =	shalt  }
0x6a: {  	_ =	shalt  }
0x6b: {  	_ =	shalt  }
0x6c: {  	_ =	shalt  }
0x6d: {  	_ =	shalt  }
0x6e: {  	_ =	shalt  }
0x6f: {  	_ =	shalt  }
0x70: {  	_ =	shalt  }
0x71: {  	_ =	shalt  }
0x72: {  	_ =	shalt  }
0x73: {  	_ =	shalt  }
0x74: {  	_ =	shalt  }
0x75: {  	_ =	shalt  }
0x76: {  	_ =	shalt  }
0x77: {  	_ =	shalt  }
0x78: {  	_ =	shalt  }
0x79: {  	_ =	shalt  }
0x7a: {  	_ =	shalt  }
0x7b: {  	_ =	shalt  }
0x7c: {  	_ =	shalt  }
0x7d: {  	_ =	shalt  }
0x7e: {  	_ =	shalt  }
0x7f: {  	_ =	shalt  }
0x80: {  	_ =	shalt  }
0x81: {  	_ =	shalt  }
0x82: {  	_ =	shalt  }
0x83: {  	_ =	shalt  }
0x84: {  	_ =	shalt  }
0x85: {  	_ =	shalt  }
0x86: {  	_ =	shalt  }
0x87: {  	_ =	shalt  }
.Lfunc_end0:
.L_simem_size_0:
called_computation_lowered:
.L_overlay_start_0:
0x88: {  	s2 =	sld [smem:$0x3FD9]  }
0x89: {  	s3 =	sld [smem:$0x3FFE];
	_ =	sdelay $0x1  }
0x8a: {  	s1 =	srdreg.scid  }
0x8b: {  	s0 =	sand.u32 $0x1, s1  }
0x8c: {  	s17 =	sshll.u32 s0, $0xA;
	s2 =	sadd.s32 s3, s2  }
0x8d: {  	s2 =	sadd.s32 s2, s17  }
0x8e: {  	[smem:$0x3FC1] =	sst s2  }
0x8f: {  	_ = 	snop  }
0x90: {  	s18 =	sld [smem:$0x3FD0];
	(tm) =	ssettm $0x1  }
0x91: {  	s19 =	sld [smem:$0x3FFB];
	_ =	sdelay $0x3  }
0x92: {  	_ =	strace s19  }
0x93: {  	s2 =	sld [smem:$0x3FFC];
	_ =	sdelay $0x3  }
0x94: {  	_ =	strace s2  }
0x95: {  	s2 =	sld [smem:$0x3FFD];
	_ =	sdelay $0x3  }
0x96: {  	_ =	strace s2  }
0x97: {  	_ =	strace $0x8FFFFFFF  }
0x98: {  	s20 =	sld [smem:$0x3FDB];
	_ =	sdelay $0x1  }
0x99: {  	s4 =	simm.s32 $_scs_section_size  }
0x9a: {  	s5 =	simm.s32 $_size__tile_overlayer_lowered;
	s6 =	simm.s32 $_tile_overlayer_lowered  }
0x9b: {  	s7 =	simm.s32 $0x1BFF;
	s21 =	sshll.u32 s6, $0x1;
	s4 =	sadd.s32 s4, s20  }
0x9c: {  	s22 =	simm.s32 $0x0;
	s5 =	sshll.u32 s5, $0x1;
	s6 =	sadd.s32 s21, s4  }
0x9d: {  	[timem:s22], [sflag:s7] =	dma.local [hbm:s6], s5  }
0x9e: {  	_ =	swait.ge [sflag:s7], s5  }
0x9f: {  	s5 =	ssub.s32 $0x0, s5;
	[sflag:s7] =	ssyncset.done $0x0  }
0xa0: {  	[sflag:s7] =	ssyncadd.s32 s5;
	_ =	sdelay $0x1  }
0xa1: {  	s23 =	simm.s32 $0x1B8B  }
0xa2: {  	_ =	swait.ge [sflag:s23], $0x1  }
0xa3: {  	[sflag:s23] =	ssyncset.done $0x0  }
0xa4: {  	[sflag:s23] =	ssyncadd.s32 $0xFFFFFFFF  }
0xa5: {  	s5 =	sld [smem:$0x0]  }
0xa6: {  	s6 =	sand.u32 $0xFFFFFFFE, s1  }
0xa7: {  	p0 =	sne.s32 s1, s6  }
0xa8: {  	s6 =	sshll.u32 @p0 s6, $0xE  }
0xa9: {  	s6 =	sadd.s32 @p0 $0x11B8D, s6;
	s7 =	sshll.u32 @p0 s5, $0x11  }
0xaa: {  	s6 =	sor.u32 @p0 s7, s6  }
0xab: {  	[sflag:s6] =	ssyncadd.remote.s32 @p0 $0x1;
	_ =	sdelay $0x1  }
0xac: {  	s6 =	simm.s32 @p0 $0x1B8D  }
0xad: {  	_ =	swait.eq @p0 [sflag:s6], $0x1  }
0xae: {  	[sflag:s6] =	ssyncadd.s32 @p0 $0xFFFFFFFF  }
0xaf: {  	s7 =	sshll.u32 @!p0 s1, $0xE  }
0xb0: {  	s7 =	sor.u32 @!p0 $0x4000, s7;
	s6 =	simm.s32 @!p0 $0x1B8D  }
0xb1: {  	s5 =	sshll.u32 @!p0 s5, $0x11;
	s7 =	sadd.s32 @!p0 $0x11B8D, s7;
	_ =	swait.eq @!p0 [sflag:s6], $0x1  }
0xb2: {  	s5 =	sor.u32 @!p0 s5, s7;
	[sflag:s6] =	ssyncadd.s32 @!p0 $0xFFFFFFFF  }
0xb3: {  	s25 =	simm.s32 $0x1B8E;
	s24 =	sld [smem:$0x3FFE];
	[sflag:s5] =	ssyncadd.remote.s32 @!p0 $0x1  }
0xb4: {  	s26 =	simm.s32 $execute0_lowered;
	[smem:$0x3FD2] =	sst s25  }
0xb5: {  	s6 =	sshll.u32 s26, $0x1;
	_ =	strace $0x80000049;
	[dreg:$0x1] =	wrdreg $0xFFFFFFFF  }
0xb6: {  	s28 =	simm.s32 $_size_execute0_lowered;
	s4 =	sadd.s32 s4, s6;
	[dreg:$0x0] =	wrdreg $0x0  }
0xb7: {  	s6 =	sshll.u32 s28, $0x1;
	[dreg:$0x2] =	wrdreg s4  }
0xb8: {  	[dreg:$0x3] =	wrdreg s6  }
0xb9: {  	[dreg:$0x4] =	wrdreg $0xC0  }
0xba: {  	_ =	task [dreg:s22], $0x5FFFF  }
0xbb: {  	[dreg:$0x1] =	wrdreg $0xFFFFFFFF  }
0xbc: {  	[dreg:$0x0] =	wrdreg $0x60  }
0xbd: {  	[dreg:$0x2] =	wrdreg s24  }
0xbe: {  	[dreg:$0x3] =	wrdreg s18  }
0xbf: {  	[dreg:$0x4] =	wrdreg $0x69000  }
0xc0: {  	[dreg:$0x5] =	wrdreg $0x9  }
0xc1: {  	_ =	task.clear_ibuf [dreg:s22], $0x6FFFF;
	_ =	strace $0x90000049  }
0xc2: {  	s29 =	simm.s32 $0x9;
	_ =	strace $0x8000004B  }
0xc3: {  	_ =	swait.ge [sflag:s29], $0x1  }
0xc4: {  	[sflag:s29] =	ssyncadd.s32 $0xFFFFFFFF  }
0xc5: {  	_ =	strace $0x9000004B  }
0xc6: {  	_ =	sfence  }
0xc7: {  	s30 =	sld [smem:$0x0];
	_ =	sdelay $0x2  }
0xc8: {  	s31 =	sshll.u32 s1, $0xD;
	s1 =	sshrl.u32 s1, $0x2  }
0xc9: {  	s4 =	sand.u32 $0x4000, s31;
	s1 =	sadd.s32 s1, s30  }
0xca: {  	s0 =	sor.u32 s4, s0;
	s1 =	sshll.u32 s1, $0x11  }
0xcb: {  	s0 =	sor.u32 s1, s0  }
0xcc: {  	s0 =	sadd.s32 $0x8F2B, s0  }
0xcd: {  	[sflag:s0] =	ssyncadd.remote.s32 $0x1  }
0xce: {  	_ =	sfence.sel $0xFFFF  }
0xcf: {  	[dreg:$0x0] =	wrdreg $0xFFFFFFFF;
	(pc) =	sbr.abs _section_cstart, $3  }
0xd0: {  	[dreg:$0x1] =	wrdreg $0xFFFFFFFF  }
0xd1: {  	_ =	task.clear_ibuf [dreg:s22], $0x2FFFF;
	_ =	strace $0x9FFFFFFF  }
0xd2: {  	(tm) =	ssettm $0x7FFFFFFF  }
0xd3: {  	_ =	shalt  }
tec
execute0_lowered:
.L_overlay_start_1:
0x0: {  	(tag) =	ssettag $0x1  }
0x1: {  	s5 =	rddreg [dreg:$0x0]  }
0x2: {  	s20 =	rddreg [dreg:$0x1]  }
0x3: {  	s1 =	rddreg [dreg:$0x2];
	s2 =	simm.s32 $0x0;
	s6 =	srdreg.scid  }
0x4: {  	s0 =	stileid.u32;
	s28 =	simm.s32 $0x1;
	s29 =	simm.s32 $0x0  }
0x5: {  	[smem:$0x7FF] =	sst s2;
	s4 =	sadd.s32 $0x12600, s5;
	s6 =	sand.u32 $0x1, s6  }
0x6: {  	s21 =	sshll.u32 s0, $0xC;
	s8 =	smul.u32 $0x50000, s0;
	s19 =	sadd.s32 $0x8A600, s5  }
0x7: {  	s16 =	smul.u32 $0x14000, s0;
	_ =	strace $0x8000004A;
	s7 =	ssub.s32 $0x2, s6  }
0x8: {  	s22 =	sadd.s32 s21, s5;
	s17 =	smul.u32 $0x140000, s6;
	s23 =	sshll.u32 s6, $0xB  }
0x9: {  	s21 =	sadd.s32 s21, s20;
	s24 =	sshrl.u32 s7, $0x1;
	s25 =	sshrl.u32 s8, $0x2  }
0xa: {  	s12 =	sadd.s32 $0x4000, s16;
	s14 =	sadd.s32 $0x8000, s16;
	s18 =	sadd.s32 $0xC000, s16  }
0xb: {  	s22 =	sadd.s32 s23, s22;
	s21 =	sadd.s32 s23, s21;
	s23 =	simm.s32 $0x2  }
0xc: {  	s7 =	ssub.s32 s7, s24;
	s5 =	sadd.s32 s25, s1;
	s11 =	sadd.s32 s17, s16  }
0xd: {  	s13 =	sadd.s32 s17, s12;
	s12 =	sadd.s32 s12, s1;
	s15 =	sadd.s32 s17, s14  }
0xe: {  	s14 =	sadd.s32 s14, s1;
	s24 =	sadd.s32 s17, s18;
	s25 =	sadd.s32 $0x10000, s16  }
0xf: {  	s16 =	sadd.s32 s18, s1;
	s20 =	sadd.s32 $0x2600, s22;
	s22 =	simm.s32 $0x2900  }
0x10: {  	s26 =	smax.u32 s7, $0x1;
	s7 =	sadd.s32 $0x4000, s5;
	s8 =	sadd.s32 $0x8000, s5  }
0x11: {  	s9 =	sadd.s32 $0xC000, s5;
	s10 =	sadd.s32 $0x10000, s5;
	s11 =	sshrl.u32 s11, $0x3  }
0x12: {  	s13 =	sshrl.u32 s13, $0x3;
	s15 =	sshrl.u32 s15, $0x3;
	s30 =	sshrl.u32 s24, $0x3  }
0x13: {  	s31 =	sadd.s32 s17, s25;
	s18 =	sadd.s32 s25, s1;
	s25 =	simm.s32 $0x50  }
0x14: {  	[dreg:$0x4] =	wrdreg s26;
	s11 =	sadd.s32 s19, s11;
	s13 =	sadd.s32 s19, s13  }
0x15: {  	s15 =	sadd.s32 s19, s15;
	s17 =	sadd.s32 s19, s30;
	s24 =	sshrl.u32 s31, $0x3  }
0x16: {  	v0 =	vimm.f32 $0.0e+00;
	s26 =	simm.s32 $0x100;
	s19 =	sadd.s32 s19, s24;
	s24 =	simm.s32 $0x80  }
.LBB2_1:
0x17: {  	s30 =	simm.s32 $0x0;
	s31 =	simm.s32 $0x200  }
.LBB2_2:
0x18: {  	p0 =	sne.s32 s31, $0xFE00;
	[tilespmem:s30+$0x2970] =	vst v0  }
0x19: {  	[tilespmem:s30+$0x2900] =	vst v0  }
0x1a: {  	[tilespmem:s30+$0x2910] =	vst v0  }
.Ltmp0:
0x1b: {  	[tilespmem:s30+$0x2920] =	vst v0;
	(pc) =	sbr.rel @p0 .LBB2_2-.Ltmp0, $4  }
0x1c: {  	[tilespmem:s30+$0x2930] =	vst v0  }
0x1d: {  	[tilespmem:s30+$0x2940] =	vst v0  }
0x1e: {  	[tilespmem:s30+$0x2950] =	vst v0  }
0x1f: {  	[tilespmem:s30+$0x2960] =	vst v0;
	s30 =	sshra.s32 s31, $0x2;
	s31 =	sadd.s32 $0x200, s31  }
0x20: {  	[tilespmem:s30+$0x2970] =	vst v0  }
0x21: {  	[tilespmem:s30+$0x2900] =	vst v0  }
0x22: {  	[tilespmem:s30+$0x2910] =	vst v0  }
0x23: {  	[tilespmem:s30+$0x2920] =	vst v0  }
0x24: {  	[tilespmem:s30+$0x2930] =	vst v0  }
0x25: {  	[tilespmem:s30+$0x2940] =	vst v0  }
0x26: {  	[tilespmem:s30+$0x2950] =	vst v0  }
0x27: {  	[tilespmem:s30+$0x2960] =	vst v0  }
0x28: {  	[spmem:s5] =	stream.linear.scatter [tilespmem:s22], [sflag:$0x2], $0x4000, $0x38;
	[tilespmem:$0x1A900] =	vst v63  }
0x29: {  	_ =	swait.ge [sflag:s23], $0x4000  }
0x2a: {  	[sflag:s23] =	ssyncset.done $0x0  }
0x2b: {  	[sflag:s23] =	ssyncadd.s32 $0xFFFFC000  }
0x2c: {  	[spmem:s7] =	stream.linear.scatter [tilespmem:s22], [sflag:$0x2], $0x4000, $0x38;
	[tilespmem:$0x1A900] =	vst v63  }
0x2d: {  	_ =	swait.ge [sflag:s23], $0x4000  }
0x2e: {  	[sflag:s23] =	ssyncset.done $0x0  }
0x2f: {  	[sflag:s23] =	ssyncadd.s32 $0xFFFFC000  }
0x30: {  	[spmem:s8] =	stream.linear.scatter [tilespmem:s22], [sflag:$0x2], $0x4000, $0x38;
	[tilespmem:$0x1A900] =	vst v63  }
0x31: {  	_ =	swait.ge [sflag:s23], $0x4000  }
0x32: {  	[sflag:s23] =	ssyncset.done $0x0  }
0x33: {  	[sflag:s23] =	ssyncadd.s32 $0xFFFFC000  }
0x34: {  	[spmem:s9] =	stream.linear.scatter [tilespmem:s22], [sflag:$0x2], $0x4000, $0x38;
	[tilespmem:$0x1A900] =	vst v63  }
0x35: {  	_ =	swait.ge [sflag:s23], $0x4000  }
0x36: {  	[sflag:s23] =	ssyncset.done $0x0  }
0x37: {  	[sflag:s23] =	ssyncadd.s32 $0xFFFFC000  }
0x38: {  	[spmem:s10] =	stream.linear.scatter [tilespmem:s22], [sflag:$0x2], $0x4000, $0x38;
	[tilespmem:$0x1A900] =	vst v63  }
0x39: {  	_ =	swait.ge [sflag:s23], $0x4000  }
0x3a: {  	[sflag:s23] =	ssyncset.done $0x0  }
0x3b: {  	[sflag:s23] =	ssyncadd.s32 $0xFFFFC000  }
0x3c: {  	s30 =	sadd.s32 $0x0, s20;
	[bflag:$0x0] =	sbarrier.arrive $0xFFFF  }
0x3d: {  	[tilespmem:s2], [sflag:$0x2] =	stream.linear.gather [hbm4b:s30+s2], $0x80, $0x38;
	[tilespmem:$0x1A900] =	vst v63  }
0x3e: {  	_ =	swait.ge [sflag:s23], $0x80  }
0x3f: {  	[sflag:s23] =	ssyncset.done $0x0  }
0x40: {  	s30 =	sadd.s32 $0x0, s21;
	[sflag:s23] =	ssyncadd.s32 $0xFFFFFF80  }
0x41: {  	[tilespmem:s24], [sflag:$0x2] =	stream.linear.gather [hbm4b:s30+s2], $0x80, $0x38;
	[tilespmem:$0x1A900] =	vst v63  }
0x42: {  	_ =	swait.ge [sflag:s23], $0x80  }
0x43: {  	[sflag:s23] =	ssyncset.done $0x0  }
0x44: {  	[sflag:s23] =	ssyncadd.s32 $0xFFFFFF80  }
0x45: {  	[tilespmem:s26], [sflag:$0x1] =	stream.indirect.gather [hbm4b:s4+s25], $0x80, s2, s25, $0xb8;
	[tilespmem:$0x1A900] =	vst v63  }
0x46: {  	_ =	swait.ge [sflag:s28], $0x2800  }
0x47: {  	[sflag:s28] =	ssyncset.done $0x0  }
0x48: {  	[sflag:s28] =	ssyncadd.s32 $0xFFFFD800  }
0x49: {  	[spmem:s1] =	stream.indirect.scatter.add.f32 [tilespmem:s26], [sflag:$0x2], $0x80, s24, s25, $0xb8;
	[tilespmem:$0x1A900] =	vst v63  }
0x4a: {  	_ =	swait.ge [sflag:s23], $0x2800  }
0x4b: {  	s31 =	simm.s32 $0x20;
	s30 =	simm.s32 $0x10;
	[sflag:s23] =	ssyncset.done $0x0  }
.LBB2_4:
0x4c: {  	s0 =	sadd.s32 s30, s20  }
0x4d: {  	[sflag:s23] =	ssyncadd.s32 $0xFFFFD800;
	s3 =	smov.u32 s31;
	s6 =	sadd.s32 $0x10, s31  }
0x4e: {  	[tilespmem:s2], [sflag:$0x2] =	stream.linear.gather [hbm4b:s0+s2], $0x80, $0x38;
	[tilespmem:$0x1A900] =	vst v63  }
0x4f: {  	p0 =	sne.s32 s31, $0x7C0;
	_ =	swait.ge [sflag:s23], $0x80  }
0x50: {  	[sflag:s23] =	ssyncset.done $0x0  }
0x51: {  	s0 =	sadd.s32 s30, s21;
	s30 =	smov.u32 s3;
	[sflag:s23] =	ssyncadd.s32 $0xFFFFFF80  }
0x52: {  	[tilespmem:s24], [sflag:$0x2] =	stream.linear.gather [hbm4b:s0+s2], $0x80, $0x38;
	[tilespmem:$0x1A900] =	vst v63  }
0x53: {  	_ =	swait.ge [sflag:s23], $0x80  }
0x54: {  	[sflag:s23] =	ssyncset.done $0x0  }
0x55: {  	[sflag:s23] =	ssyncadd.s32 $0xFFFFFF80  }
0x56: {  	[tilespmem:s26], [sflag:$0x1] =	stream.indirect.gather [hbm4b:s4+s25], $0x80, s2, s25, $0xb8;
	[tilespmem:$0x1A900] =	vst v63  }
0x57: {  	_ =	swait.ge [sflag:s28], $0x2800  }
.Ltmp1:
0x58: {  	[sflag:s28] =	ssyncset.done $0x0;
	(pc) =	sbr.rel @p0 .LBB2_4-.Ltmp1, $4  }
0x59: {  	[sflag:s28] =	ssyncadd.s32 $0xFFFFD800  }
0x5a: {  	[spmem:s1] =	stream.indirect.scatter.add.f32 [tilespmem:s26], [sflag:$0x2], $0x80, s24, s25, $0xb8;
	[tilespmem:$0x1A900] =	vst v63  }
0x5b: {  	_ =	swait.ge [sflag:s23], $0x2800  }
0x5c: {  	s31 =	smov.u32 s6;
	[sflag:s23] =	ssyncset.done $0x0  }
0x5d: {  	s0 =	sadd.s32 s30, s20;
	[sflag:s23] =	ssyncadd.s32 $0xFFFFD800  }
0x5e: {  	[tilespmem:s2], [sflag:$0x2] =	stream.linear.gather [hbm4b:s0+s2], $0x80, $0x38;
	[tilespmem:$0x1A900] =	vst v63  }
0x5f: {  	_ =	swait.ge [sflag:s23], $0x80  }
0x60: {  	[sflag:s23] =	ssyncset.done $0x0  }
0x61: {  	s30 =	sadd.s32 s30, s21;
	[sflag:s23] =	ssyncadd.s32 $0xFFFFFF80  }
0x62: {  	[tilespmem:s24], [sflag:$0x2] =	stream.linear.gather [hbm4b:s30+s2], $0x80, $0x38;
	[tilespmem:$0x1A900] =	vst v63  }
0x63: {  	_ =	swait.ge [sflag:s23], $0x80  }
0x64: {  	[sflag:s23] =	ssyncset.done $0x0  }
0x65: {  	[sflag:s23] =	ssyncadd.s32 $0xFFFFFF80  }
0x66: {  	[tilespmem:s26], [sflag:$0x1] =	stream.indirect.gather [hbm4b:s4+s25], $0x80, s2, s25, $0xb8;
	[tilespmem:$0x1A900] =	vst v63  }
0x67: {  	_ =	swait.ge [sflag:s28], $0x2800  }
0x68: {  	[sflag:s28] =	ssyncset.done $0x0  }
0x69: {  	[sflag:s28] =	ssyncadd.s32 $0xFFFFD800  }
0x6a: {  	[spmem:s1] =	stream.indirect.scatter.add.f32 [tilespmem:s26], [sflag:$0x2], $0x80, s24, s25, $0xb8;
	[tilespmem:$0x1A900] =	vst v63  }
0x6b: {  	_ =	swait.ge [sflag:s23], $0x2800  }
0x6c: {  	[sflag:s23] =	ssyncset.done $0x0  }
0x6d: {  	[sflag:s23] =	ssyncadd.s32 $0xFFFFD800  }
0x6e: {  	[bflag:$0x0] =	sbarrier.arrive $0xFFFF  }
0x6f: {  	[tilespmem:s22], [sflag:$0x2] =	stream.linear.gather [spmem:s5], $0x4000, $0x38;
	[tilespmem:$0x1A900] =	vst v63  }
0x70: {  	_ =	swait.ge [sflag:s23], $0x4000  }
0x71: {  	[sflag:s23] =	ssyncset.done $0x0  }
0x72: {  	[sflag:s23] =	ssyncadd.s32 $0xFFFFC000  }
0x73: {  	[hbm4b:s11+s2] =	stream.linear.scatter [tilespmem:s22], [sflag:$0x2], $0x4000, $0x38;
	[tilespmem:$0x1A900] =	vst v63  }
0x74: {  	_ =	swait.ge [sflag:s23], $0x4000  }
0x75: {  	[sflag:s23] =	ssyncset.done $0x0  }
0x76: {  	[sflag:s23] =	ssyncadd.s32 $0xFFFFC000  }
0x77: {  	[tilespmem:s22], [sflag:$0x2] =	stream.linear.gather [spmem:s12], $0x4000, $0x38;
	[tilespmem:$0x1A900] =	vst v63  }
0x78: {  	_ =	swait.ge [sflag:s23], $0x4000  }
0x79: {  	[sflag:s23] =	ssyncset.done $0x0  }
0x7a: {  	[sflag:s23] =	ssyncadd.s32 $0xFFFFC000  }
0x7b: {  	[hbm4b:s13+s2] =	stream.linear.scatter [tilespmem:s22], [sflag:$0x2], $0x4000, $0x38;
	[tilespmem:$0x1A900] =	vst v63  }
0x7c: {  	_ =	swait.ge [sflag:s23], $0x4000  }
0x7d: {  	[sflag:s23] =	ssyncset.done $0x0  }
0x7e: {  	[sflag:s23] =	ssyncadd.s32 $0xFFFFC000  }
0x7f: {  	[tilespmem:s22], [sflag:$0x2] =	stream.linear.gather [spmem:s14], $0x4000, $0x38;
	[tilespmem:$0x1A900] =	vst v63  }
0x80: {  	_ =	swait.ge [sflag:s23], $0x4000  }
0x81: {  	[sflag:s23] =	ssyncset.done $0x0  }
0x82: {  	[sflag:s23] =	ssyncadd.s32 $0xFFFFC000  }
0x83: {  	[hbm4b:s15+s2] =	stream.linear.scatter [tilespmem:s22], [sflag:$0x2], $0x4000, $0x38;
	[tilespmem:$0x1A900] =	vst v63  }
0x84: {  	_ =	swait.ge [sflag:s23], $0x4000  }
0x85: {  	[sflag:s23] =	ssyncset.done $0x0  }
0x86: {  	[sflag:s23] =	ssyncadd.s32 $0xFFFFC000  }
0x87: {  	[tilespmem:s22], [sflag:$0x2] =	stream.linear.gather [spmem:s16], $0x4000, $0x38;
	[tilespmem:$0x1A900] =	vst v63  }
0x88: {  	_ =	swait.ge [sflag:s23], $0x4000  }
0x89: {  	[sflag:s23] =	ssyncset.done $0x0  }
0x8a: {  	[sflag:s23] =	ssyncadd.s32 $0xFFFFC000  }
0x8b: {  	[hbm4b:s17+s2] =	stream.linear.scatter [tilespmem:s22], [sflag:$0x2], $0x4000, $0x38;
	[tilespmem:$0x1A900] =	vst v63  }
0x8c: {  	_ =	swait.ge [sflag:s23], $0x4000  }
0x8d: {  	[sflag:s23] =	ssyncset.done $0x0  }
0x8e: {  	[sflag:s23] =	ssyncadd.s32 $0xFFFFC000  }
0x8f: {  	[tilespmem:s22], [sflag:$0x2] =	stream.linear.gather [spmem:s18], $0x4000, $0x38;
	[tilespmem:$0x1A900] =	vst v63  }
0x90: {  	_ =	swait.ge [sflag:s23], $0x4000  }
0x91: {  	[sflag:s23] =	ssyncset.done $0x0  }
0x92: {  	[sflag:s23] =	ssyncadd.s32 $0xFFFFC000  }
0x93: {  	[hbm4b:s19+s2] =	stream.linear.scatter [tilespmem:s22], [sflag:$0x2], $0x4000, $0x38;
	[tilespmem:$0x1A900] =	vst v63  }
0x94: {  	_ =	swait.ge [sflag:s23], $0x4000  }
0x95: {  	s29 =	sadd.s32 $0x1, s29;
	s31 =	rddreg [dreg:$0x4]  }
0x96: {  	p0 =	sne.s32 s29, s31  }
.Ltmp2:
0x97: {  	_ = 	snop;
	(pc) =	sbr.rel @p0 .LBB2_1-.Ltmp2, $3  }
0x98: {  	_ =	sdelay $0x1  }
0x99: {  	[sflag:s23] =	ssyncset.done $0x0  }
0x9a: {  	[sflag:s23] =	ssyncadd.s32 $0xFFFFC000  }
0x9b: {  	_ =	sfence.sel $0x180000  }
0x9c: {  	[bflag:$0x0] =	sbarrier.arrive $0xFFFF  }
0x9d: {  	_ =	strace $0x9000004A  }
0x9e: {  	s0 =	stileid.u32;
	[bflag:$0x2] =	sbarrier.arrive $0xFFFF  }
0x9f: {  	p0 =	sne.s32 s0, $0x0;
	s0 =	rddreg [dreg:$0x3]  }
0xa0: {  	s0 =	sadd.s32 @!p0 $0x100000, s0  }
0xa1: {  	[sflag:s0] =	ssyncadd.tile.s32 @!p0 $0x1;
	_ =	shalt  }
.Lfunc_end2:
_tile_overlayer_lowered:
.L_overlay_start_2:
0xa2: {  	(tag) =	ssettag $0x2  }
0xa3: {  	s0 =	rddreg [dreg:$0x0];
	s2 =	stileid.u32  }
0xa4: {  	s1 =	rddreg [dreg:$0x1];
	p0 =	sne.s32 s2, $0x0  }
0xa5: {  	s3 =	rddreg [dreg:$0x2];
	[bflag:$0x3] =	sbarrier.arrive $0xFFFF;
	s2 =	simm.s32 @!p0 $0x1C02  }
0xa6: {  	[timem:s3], [sflag:s2] =	dma.local @!p0 [hbm:s0], s1  }
0xa7: {  	s0 =	simm.s32 @!p0 $0x2  }
0xa8: {  	_ =	swait.ge @!p0 [sflag:s0], s1  }
0xa9: {  	s1 =	ssub.s32 @!p0 $0x0, s1;
	[sflag:s0] =	ssyncset.done @!p0 $0x0  }
0xaa: {  	[sflag:s0] =	ssyncadd.s32 @!p0 s1  }
0xab: {  	[bflag:$0x3] =	sbarrier.arrive $0xFFFF  }
0xac: {  	_ =	shalt  }

// kernel: kernel.14.cloned.1.call-start
scs
__scs_entry_jumppad:
0x0: {  	(pc) =	sbr.rel $0x88, $3  }
0x1: {  	(tag) =	ssettag $0x0;
	lr =	simm.s32 $0x1  }
0x2: {  	[smem:$0x3F9A] =	sst lr;
	_ =	strace $0xD0000000  }
0x3: {  	_ = 	snop  }
0x4: {  	_ = 	snop  }
0x5: {  	_ = 	snop  }
0x6: {  	_ = 	snop  }
0x7: {  	_ = 	snop  }
__scs_overlays_trampoline_lowered:
0x8: {  	[smem:$0x3FA9] =	sst s0  }
0x9: {  	[smem:$0x3FAA] =	sst s1  }
0xa: {  	[smem:$0x3FAB] =	sst s2  }
0xb: {  	[smem:$0x3FAC] =	sst s3  }
0xc: {  	[smem:$0x3FAD] =	sst s4  }
0xd: {  	[smem:$0x3FAE] =	sst s5  }
0xe: {  	[smem:$0x3FAF] =	sst s6  }
0xf: {  	[smem:$0x3FB0] =	sst s7  }
0x10: {  	[smem:$0x3FB1] =	sst s8  }
0x11: {  	[smem:$0x3FB2] =	sst s9;
	s0 =	simm.s32 @!p0 $0x0  }
0x12: {  	s1 =	sld [smem:$0x3F98];
	s0 =	simm.s32 @p0 $0x1  }
0x13: {  	[smem:$0x3FB3] =	sst s0;
	s0 =	simm.s32 @!p1 $0x0  }
0x14: {  	s2 =	sld [smem:$0x3F97];
	s0 =	simm.s32 @p1 $0x1  }
0x15: {  	[smem:$0x3FB4] =	sst s0;
	s0 =	simm.s32 @!p2 $0x0  }
0x16: {  	s3 =	sld [smem:$0x3FDB];
	s0 =	simm.s32 @p2 $0x1  }
0x17: {  	s4 =	simm.s32 $0x1BF5;
	[smem:$0x3FB6] =	sst s0  }
0x18: {  	s0 =	sld [smem:$0x3F99];
	_ =	swait.ge [sflag:s4], $0x0  }
0x19: {  	s7 =	sld [smem:$0x3F9A]  }
0x1a: {  	s8 =	sadd.s32 $0xFFFFE003, lr  }
0x1b: {  	s9 =	sadd.s32 $0xFFFFFEF7, lr;
	s5 =	simm.s32 $0xFFFFFFFF;
	p2 =	slt.u32 s8, $0xFFFFF086  }
0x1c: {  	p1 =	slt.u32 s9, $0xF7A;
	s5 =	simm.s32 @!p2 $0x0  }
0x1d: {  	s5 =	simm.s32 @p1 $0x1;
	p0 =	seq.s32 s7, s2  }
0x1e: {  	s7 =	smul.u32 @!p0 $0xF7A, s2;
	p2 =	seq.s32 @!p0 s5, $0x0  }
0x1f: {  	s9 =	smul.u32 $0xF7A, s1;
	s8 =	simm.s32 @!p0 $0x1BF5;
	p2 =	por !p2, p0  }
0x20: {  	[sflag:s8] =	ssyncset.s32 @!p0 $0xFFFFF086;
	s6 =	sadd.s32 @!p0 s3, s7;
	s7 =	simm.s32 @!p0 $0x108  }
0x21: {  	s3 =	sadd.s32 s3, s9;
	s6 =	sadd.s32 @!p0 $0x88, s6;
	s7 =	simm.s32 @p2 $0x1082  }
0x22: {  	[simem:s7], [sflag:s8] =	dma.local @!p0 [hbm:s6], $0xF7A  }
0x23: {  	s9 =	sor.u32 $0xD0000000, s2;
	s6 =	simm.s32 $0x108;
	_ =	swait.ge @!p0 [sflag:s8], $0x0  }
0x24: {  	s3 =	sadd.s32 $0x88, s3;
	s6 =	simm.s32 @!p1 $0x1082;
	[sflag:s4] =	ssyncset.s32 $0xFFFFF086  }
0x25: {  	[simem:s6], [sflag:s4] =	dma.local [hbm:s3], $0xF7A  }
0x26: {  	[smem:$0x3F9A] =	sst s1;
	(tag) =	ssettag s2;
	_ =	strace s9  }
0x27: {  	s1 =	sld [smem:$0x3FAA]  }
0x28: {  	s2 =	sld [smem:$0x3FAB]  }
0x29: {  	s4 =	sld [smem:$0x3FAD]  }
0x2a: {  	p0 =	seq.s32 s5, $0x0;
	s5 =	sld [smem:$0x3FAE]  }
0x2b: {  	s6 =	sld [smem:$0x3FAF]  }
0x2c: {  	s7 =	sld [smem:$0x3FB0]  }
0x2d: {  	s3 =	simm.s32 $0x108;
	s8 =	sld [smem:$0x3FB1]  }
0x2e: {  	s3 =	simm.s32 @!p0 $0x1082;
	s9 =	sld [smem:$0x3FB2]  }
0x2f: {  	lr =	sadd.s32 s0, s3;
	s0 =	sld [smem:$0x3FA9]  }
0x30: {  	s3 =	sld [smem:$0x3FAC]  }
0x31: {  	[smem:$0x3FB5] =	sst s10  }
0x32: {  	s10 =	sld [smem:$0x3FB3];
	_ =	sdelay $0x3  }
0x33: {  	p0 =	seq.s32 s10, $0x1;
	s10 =	sld [smem:$0x3FB5];
	_ =	sdelay $0x3  }
0x34: {  	[smem:$0x3FB5] =	sst s10  }
0x35: {  	s10 =	sld [smem:$0x3FB4];
	_ =	sdelay $0x3  }
0x36: {  	p1 =	seq.s32 s10, $0x1;
	s10 =	sld [smem:$0x3FB5];
	_ =	sdelay $0x3  }
0x37: {  	[smem:$0x3FB5] =	sst s10  }
0x38: {  	s10 =	sld [smem:$0x3FB6]  }
0x39: {  	_ = 	snop;
	(pc) =	sbr.ind lr, $3  }
0x3a: {  	_ = 	snop  }
0x3b: {  	_ = 	snop  }
0x3c: {  	p2 =	seq.s32 s10, $0x1;
	s10 =	sld [smem:$0x3FB5]  }
0x3d: {  	_ =	shalt  }
0x3e: {  	_ =	shalt  }
0x3f: {  	_ =	shalt  }
0x40: {  	_ =	shalt  }
0x41: {  	_ =	shalt  }
0x42: {  	_ =	shalt  }
0x43: {  	_ =	shalt  }
0x44: {  	_ =	shalt  }
0x45: {  	_ =	shalt  }
0x46: {  	_ =	shalt  }
0x47: {  	_ =	shalt  }
0x48: {  	_ =	shalt  }
0x49: {  	_ =	shalt  }
0x4a: {  	_ =	shalt  }
0x4b: {  	_ =	shalt  }
0x4c: {  	_ =	shalt  }
0x4d: {  	_ =	shalt  }
0x4e: {  	_ =	shalt  }
0x4f: {  	_ =	shalt  }
0x50: {  	_ =	shalt  }
0x51: {  	_ =	shalt  }
0x52: {  	_ =	shalt  }
0x53: {  	_ =	shalt  }
0x54: {  	_ =	shalt  }
0x55: {  	_ =	shalt  }
0x56: {  	_ =	shalt  }
0x57: {  	_ =	shalt  }
0x58: {  	_ =	shalt  }
0x59: {  	_ =	shalt  }
0x5a: {  	_ =	shalt  }
0x5b: {  	_ =	shalt  }
0x5c: {  	_ =	shalt  }
0x5d: {  	_ =	shalt  }
0x5e: {  	_ =	shalt  }
0x5f: {  	_ =	shalt  }
0x60: {  	_ =	shalt  }
0x61: {  	_ =	shalt  }
0x62: {  	_ =	shalt  }
0x63: {  	_ =	shalt  }
0x64: {  	_ =	shalt  }
0x65: {  	_ =	shalt  }
0x66: {  	_ =	shalt  }
0x67: {  	_ =	shalt  }
0x68: {  	_ =	shalt  }
0x69: {  	_ =	shalt  }
0x6a: {  	_ =	shalt  }
0x6b: {  	_ =	shalt  }
0x6c: {  	_ =	shalt  }
0x6d: {  	_ =	shalt  }
0x6e: {  	_ =	shalt  }
0x6f: {  	_ =	shalt  }
0x70: {  	_ =	shalt  }
0x71: {  	_ =	shalt  }
0x72: {  	_ =	shalt  }
0x73: {  	_ =	shalt  }
0x74: {  	_ =	shalt  }
0x75: {  	_ =	shalt  }
0x76: {  	_ =	shalt  }
0x77: {  	_ =	shalt  }
0x78: {  	_ =	shalt  }
0x79: {  	_ =	shalt  }
0x7a: {  	_ =	shalt  }
0x7b: {  	_ =	shalt  }
0x7c: {  	_ =	shalt  }
0x7d: {  	_ =	shalt  }
0x7e: {  	_ =	shalt  }
0x7f: {  	_ =	shalt  }
0x80: {  	_ =	shalt  }
0x81: {  	_ =	shalt  }
0x82: {  	_ =	shalt  }
0x83: {  	_ =	shalt  }
0x84: {  	_ =	shalt  }
0x85: {  	_ =	shalt  }
0x86: {  	_ =	shalt  }
0x87: {  	_ =	shalt  }
.Lfunc_end0:
.L_simem_size_0:
called_computation.1_lowered:
.L_overlay_start_0:
0x88: {  	s2 =	sld [smem:$0x3FD9]  }
0x89: {  	s3 =	sld [smem:$0x3FFE];
	_ =	sdelay $0x1  }
0x8a: {  	s1 =	srdreg.scid  }
0x8b: {  	s0 =	sand.u32 $0x1, s1  }
0x8c: {  	s17 =	sshll.u32 s0, $0xA;
	s2 =	sadd.s32 s3, s2  }
0x8d: {  	s2 =	sadd.s32 s2, s17  }
0x8e: {  	[smem:$0x3FC1] =	sst s2  }
0x8f: {  	_ = 	snop  }
0x90: {  	s2 =	sld [smem:$0x3FD0];
	(tm) =	ssettm $0x1  }
0x91: {  	s18 =	sld [smem:$0x3FFB];
	_ =	sdelay $0x3  }
0x92: {  	_ =	strace s18  }
0x93: {  	s3 =	sld [smem:$0x3FFC];
	_ =	sdelay $0x3  }
0x94: {  	_ =	strace s3  }
0x95: {  	s3 =	sld [smem:$0x3FFD];
	_ =	sdelay $0x3  }
0x96: {  	_ =	strace s3  }
0x97: {  	_ =	strace $0x8FFFFFFF  }
0x98: {  	s19 =	sld [smem:$0x3FDB];
	_ =	sdelay $0x1  }
0x99: {  	s4 =	simm.s32 $_scs_section_size  }
0x9a: {  	s5 =	simm.s32 $_size__tile_overlayer_lowered;
	s6 =	simm.s32 $_tile_overlayer_lowered  }
0x9b: {  	s22 =	simm.s32 $0x1BFF;
	s21 =	sshll.u32 s6, $0x1;
	s3 =	sadd.s32 s4, s19  }
0x9c: {  	s7 =	simm.s32 $0x0;
	s20 =	sshll.u32 s5, $0x1;
	s5 =	sadd.s32 s21, s3  }
0x9d: {  	[timem:s7], [sflag:s22] =	dma.local [hbm:s5], s20  }
0x9e: {  	_ =	swait.ge [sflag:s22], s20  }
0x9f: {  	s4 =	ssub.s32 $0x0, s20;
	[sflag:s22] =	ssyncset.done $0x0  }
0xa0: {  	[sflag:s22] =	ssyncadd.s32 s4;
	_ =	sdelay $0x1  }
0xa1: {  	s23 =	simm.s32 $0x1B8B  }
0xa2: {  	_ =	swait.ge [sflag:s23], $0x1  }
0xa3: {  	[sflag:s23] =	ssyncset.done $0x0  }
0xa4: {  	s25 =	simm.s32 $0x1B8E;
	s24 =	sld [smem:$0x3FFE];
	[sflag:s23] =	ssyncadd.s32 $0xFFFFFFFF  }
0xa5: {  	s26 =	simm.s32 $execute0_lowered;
	[smem:$0x3FD2] =	sst s25  }
0xa6: {  	s5 =	sshll.u32 s26, $0x1;
	_ =	strace $0x80000046;
	[dreg:$0x1] =	wrdreg $0xFFFFFFFF  }
0xa7: {  	s28 =	simm.s32 $_size_execute0_lowered;
	s3 =	sadd.s32 s3, s5;
	[dreg:$0x0] =	wrdreg $0x0  }
0xa8: {  	s5 =	sshll.u32 s28, $0x1;
	[dreg:$0x2] =	wrdreg s3  }
0xa9: {  	[dreg:$0x3] =	wrdreg s5  }
0xaa: {  	[dreg:$0x4] =	wrdreg $0xC0  }
0xab: {  	_ =	task [dreg:s7], $0x5FFFF  }
0xac: {  	[dreg:$0x1] =	wrdreg $0xFFFFFFFF  }
0xad: {  	[dreg:$0x0] =	wrdreg $0x60  }
0xae: {  	[dreg:$0x2] =	wrdreg s24  }
0xaf: {  	[dreg:$0x3] =	wrdreg s2  }
0xb0: {  	[dreg:$0x4] =	wrdreg $0x69000  }
0xb1: {  	[dreg:$0x5] =	wrdreg $0xA  }
0xb2: {  	_ =	task.clear_ibuf [dreg:s7], $0x6FFFF;
	_ =	strace $0x90000046  }
0xb3: {  	s29 =	simm.s32 $0xA;
	_ =	strace $0x80000048  }
0xb4: {  	_ =	swait.ge [sflag:s29], $0x1  }
0xb5: {  	[sflag:s29] =	ssyncadd.s32 $0xFFFFFFFF  }
0xb6: {  	_ =	strace $0x90000048  }
0xb7: {  	_ =	sfence  }
0xb8: {  	s30 =	sld [smem:$0x0];
	_ =	sdelay $0x2  }
0xb9: {  	s31 =	sshll.u32 s1, $0xD;
	s1 =	sshrl.u32 s1, $0x2  }
0xba: {  	s3 =	sand.u32 $0x4000, s31;
	s1 =	sadd.s32 s1, s30  }
0xbb: {  	s0 =	sor.u32 s3, s0;
	s1 =	sshll.u32 s1, $0x11  }
0xbc: {  	s0 =	sor.u32 s1, s0  }
0xbd: {  	s0 =	sadd.s32 $0x8F2B, s0  }
0xbe: {  	[sflag:s0] =	ssyncadd.remote.s32 $0x1  }
0xbf: {  	_ =	sfence.sel $0xFFFF  }
0xc0: {  	[dreg:$0x0] =	wrdreg $0xFFFFFFFF;
	(pc) =	sbr.abs _section_cstart, $3  }
0xc1: {  	[dreg:$0x1] =	wrdreg $0xFFFFFFFF  }
0xc2: {  	_ =	task.clear_ibuf [dreg:s7], $0x2FFFF;
	_ =	strace $0x9FFFFFFF  }
0xc3: {  	(tm) =	ssettm $0x7FFFFFFF  }
tec
execute0_lowered:
.L_overlay_start_1:
0x0: {  	(tag) =	ssettag $0x1  }
0x1: {  	s5 =	rddreg [dreg:$0x0]  }
0x2: {  	s20 =	rddreg [dreg:$0x1]  }
0x3: {  	s1 =	rddreg [dreg:$0x2];
	s2 =	simm.s32 $0x0;
	s6 =	srdreg.scid  }
0x4: {  	s0 =	stileid.u32;
	s28 =	simm.s32 $0x1;
	s29 =	simm.s32 $0x0  }
0x5: {  	[smem:$0x7FF] =	sst s2;
	s4 =	sadd.s32 $0x12600, s5;
	s6 =	sand.u32 $0x1, s6  }
0x6: {  	s21 =	sshll.u32 s0, $0xC;
	s8 =	smul.u32 $0x50000, s0;
	s19 =	sadd.s32 $0x3A600, s5  }
0x7: {  	s16 =	smul.u32 $0x14000, s0;
	_ =	strace $0x80000047;
	s7 =	ssub.s32 $0x2, s6  }
0x8: {  	s22 =	sadd.s32 s21, s5;
	s17 =	smul.u32 $0x140000, s6;
	s20 =	sadd.s32 s21, s20  }
0x9: {  	s23 =	sshrl.u32 s7, $0x1;
	s24 =	sshrl.u32 s8, $0x2;
	s12 =	sadd.s32 $0x4000, s16  }
0xa: {  	s14 =	sadd.s32 $0x8000, s16;
	s18 =	sadd.s32 $0xC000, s16;
	s7 =	ssub.s32 s7, s23  }
0xb: {  	s5 =	sadd.s32 s24, s1;
	s23 =	sshll.u32 s6, $0xB;
	s11 =	sadd.s32 s17, s16  }
0xc: {  	s13 =	sadd.s32 s17, s12;
	s12 =	sadd.s32 s12, s1;
	s15 =	sadd.s32 s17, s14  }
0xd: {  	s14 =	sadd.s32 s14, s1;
	s24 =	sadd.s32 s17, s18;
	s25 =	smax.u32 s7, $0x1  }
0xe: {  	s7 =	sadd.s32 $0x4000, s5;
	s8 =	sadd.s32 $0x8000, s5;
	s9 =	sadd.s32 $0xC000, s5  }
0xf: {  	s10 =	sadd.s32 $0x10000, s5;
	s11 =	sshrl.u32 s11, $0x3;
	s13 =	sshrl.u32 s13, $0x3  }
0x10: {  	s15 =	sshrl.u32 s15, $0x3;
	s26 =	sshrl.u32 s24, $0x3;
	s31 =	sadd.s32 s23, s22  }
0x11: {  	s20 =	sadd.s32 s23, s20;
	s22 =	simm.s32 $0x2900;
	s23 =	simm.s32 $0x2  }
0x12: {  	[dreg:$0x4] =	wrdreg s25;
	s11 =	sadd.s32 s19, s11;
	s13 =	sadd.s32 s19, s13  }
0x13: {  	s15 =	sadd.s32 s19, s15;
	s25 =	sadd.s32 $0x10000, s16;
	s16 =	sadd.s32 s18, s1  }
0x14: {  	s21 =	sadd.s32 $0x2600, s31;
	s30 =	sadd.s32 s17, s25;
	s17 =	sadd.s32 s19, s26  }
0x15: {  	s18 =	sadd.s32 s25, s1;
	s25 =	simm.s32 $0x50;
	s24 =	sshrl.u32 s30, $0x3  }
0x16: {  	v0 =	vimm.f32 $0.0e+00;
	s26 =	simm.s32 $0x100;
	s19 =	sadd.s32 s19, s24;
	s24 =	simm.s32 $0x80  }
.LBB2_1:
0x17: {  	s30 =	simm.s32 $0x0;
	s31 =	simm.s32 $0x200  }
.LBB2_2:
0x18: {  	p0 =	sne.s32 s31, $0xFE00;
	[tilespmem:s30+$0x2970] =	vst v0  }
0x19: {  	[tilespmem:s30+$0x2900] =	vst v0  }
0x1a: {  	[tilespmem:s30+$0x2910] =	vst v0  }
.Ltmp0:
0x1b: {  	[tilespmem:s30+$0x2920] =	vst v0;
	(pc) =	sbr.rel @p0 .LBB2_2-.Ltmp0, $4  }
0x1c: {  	[tilespmem:s30+$0x2930] =	vst v0  }
0x1d: {  	[tilespmem:s30+$0x2940] =	vst v0  }
0x1e: {  	[tilespmem:s30+$0x2950] =	vst v0  }
0x1f: {  	[tilespmem:s30+$0x2960] =	vst v0;
	s30 =	sshra.s32 s31, $0x2;
	s31 =	sadd.s32 $0x200, s31  }
0x20: {  	[tilespmem:s30+$0x2970] =	vst v0  }
0x21: {  	[tilespmem:s30+$0x2900] =	vst v0  }
0x22: {  	[tilespmem:s30+$0x2910] =	vst v0  }
0x23: {  	[tilespmem:s30+$0x2920] =	vst v0  }
0x24: {  	[tilespmem:s30+$0x2930] =	vst v0  }
0x25: {  	[tilespmem:s30+$0x2940] =	vst v0  }
0x26: {  	[tilespmem:s30+$0x2950] =	vst v0  }
0x27: {  	[tilespmem:s30+$0x2960] =	vst v0  }
0x28: {  	[spmem:s5] =	stream.linear.scatter [tilespmem:s22], [sflag:$0x2], $0x4000, $0x38;
	[tilespmem:$0x1A900] =	vst v63  }
0x29: {  	_ =	swait.ge [sflag:s23], $0x4000  }
0x2a: {  	[sflag:s23] =	ssyncset.done $0x0  }
0x2b: {  	[sflag:s23] =	ssyncadd.s32 $0xFFFFC000  }
0x2c: {  	[spmem:s7] =	stream.linear.scatter [tilespmem:s22], [sflag:$0x2], $0x4000, $0x38;
	[tilespmem:$0x1A900] =	vst v63  }
0x2d: {  	_ =	swait.ge [sflag:s23], $0x4000  }
0x2e: {  	[sflag:s23] =	ssyncset.done $0x0  }
0x2f: {  	[sflag:s23] =	ssyncadd.s32 $0xFFFFC000  }
0x30: {  	[spmem:s8] =	stream.linear.scatter [tilespmem:s22], [sflag:$0x2], $0x4000, $0x38;
	[tilespmem:$0x1A900] =	vst v63  }
0x31: {  	_ =	swait.ge [sflag:s23], $0x4000  }
0x32: {  	[sflag:s23] =	ssyncset.done $0x0  }
0x33: {  	[sflag:s23] =	ssyncadd.s32 $0xFFFFC000  }
0x34: {  	[spmem:s9] =	stream.linear.scatter [tilespmem:s22], [sflag:$0x2], $0x4000, $0x38;
	[tilespmem:$0x1A900] =	vst v63  }
0x35: {  	_ =	swait.ge [sflag:s23], $0x4000  }
0x36: {  	[sflag:s23] =	ssyncset.done $0x0  }
0x37: {  	[sflag:s23] =	ssyncadd.s32 $0xFFFFC000  }
0x38: {  	[spmem:s10] =	stream.linear.scatter [tilespmem:s22], [sflag:$0x2], $0x4000, $0x38;
	[tilespmem:$0x1A900] =	vst v63  }
0x39: {  	_ =	swait.ge [sflag:s23], $0x4000  }
0x3a: {  	[sflag:s23] =	ssyncset.done $0x0  }
0x3b: {  	[sflag:s23] =	ssyncadd.s32 $0xFFFFC000  }
0x3c: {  	s30 =	sadd.s32 $0x0, s20;
	[bflag:$0x0] =	sbarrier.arrive $0xFFFF  }
0x3d: {  	[tilespmem:s2], [sflag:$0x2] =	stream.linear.gather [hbm4b:s30+s2], $0x80, $0x38;
	[tilespmem:$0x1A900] =	vst v63  }
0x3e: {  	_ =	swait.ge [sflag:s23], $0x80  }
0x3f: {  	[sflag:s23] =	ssyncset.done $0x0  }
0x40: {  	s30 =	sadd.s32 $0x0, s21;
	[sflag:s23] =	ssyncadd.s32 $0xFFFFFF80  }
0x41: {  	[tilespmem:s24], [sflag:$0x2] =	stream.linear.gather [hbm4b:s30+s2], $0x80, $0x38;
	[tilespmem:$0x1A900] =	vst v63  }
0x42: {  	_ =	swait.ge [sflag:s23], $0x80  }
0x43: {  	[sflag:s23] =	ssyncset.done $0x0  }
0x44: {  	[sflag:s23] =	ssyncadd.s32 $0xFFFFFF80  }
0x45: {  	[tilespmem:s26], [sflag:$0x1] =	stream.indirect.gather [hbm4b:s4+s25], $0x80, s2, s25, $0xb8;
	[tilespmem:$0x1A900] =	vst v63  }
0x46: {  	_ =	swait.ge [sflag:s28], $0x2800  }
0x47: {  	[sflag:s28] =	ssyncset.done $0x0  }
0x48: {  	[sflag:s28] =	ssyncadd.s32 $0xFFFFD800  }
0x49: {  	[spmem:s1] =	stream.indirect.scatter.add.f32 [tilespmem:s26], [sflag:$0x2], $0x80, s24, s25, $0xb8;
	[tilespmem:$0x1A900] =	vst v63  }
0x4a: {  	_ =	swait.ge [sflag:s23], $0x2800  }
0x4b: {  	s31 =	simm.s32 $0x20;
	s30 =	simm.s32 $0x10;
	[sflag:s23] =	ssyncset.done $0x0  }
.LBB2_4:
0x4c: {  	s0 =	sadd.s32 s30, s20  }
0x4d: {  	[sflag:s23] =	ssyncadd.s32 $0xFFFFD800;
	s3 =	smov.u32 s31;
	s6 =	sadd.s32 $0x10, s31  }
0x4e: {  	[tilespmem:s2], [sflag:$0x2] =	stream.linear.gather [hbm4b:s0+s2], $0x80, $0x38;
	[tilespmem:$0x1A900] =	vst v63  }
0x4f: {  	p0 =	sne.s32 s31, $0x7C0;
	_ =	swait.ge [sflag:s23], $0x80  }
0x50: {  	[sflag:s23] =	ssyncset.done $0x0  }
0x51: {  	s0 =	sadd.s32 s30, s21;
	s30 =	smov.u32 s3;
	[sflag:s23] =	ssyncadd.s32 $0xFFFFFF80  }
0x52: {  	[tilespmem:s24], [sflag:$0x2] =	stream.linear.gather [hbm4b:s0+s2], $0x80, $0x38;
	[tilespmem:$0x1A900] =	vst v63  }
0x53: {  	_ =	swait.ge [sflag:s23], $0x80  }
0x54: {  	[sflag:s23] =	ssyncset.done $0x0  }
0x55: {  	[sflag:s23] =	ssyncadd.s32 $0xFFFFFF80  }
0x56: {  	[tilespmem:s26], [sflag:$0x1] =	stream.indirect.gather [hbm4b:s4+s25], $0x80, s2, s25, $0xb8;
	[tilespmem:$0x1A900] =	vst v63  }
0x57: {  	_ =	swait.ge [sflag:s28], $0x2800  }
.Ltmp1:
0x58: {  	[sflag:s28] =	ssyncset.done $0x0;
	(pc) =	sbr.rel @p0 .LBB2_4-.Ltmp1, $4  }
0x59: {  	[sflag:s28] =	ssyncadd.s32 $0xFFFFD800  }
0x5a: {  	[spmem:s1] =	stream.indirect.scatter.add.f32 [tilespmem:s26], [sflag:$0x2], $0x80, s24, s25, $0xb8;
	[tilespmem:$0x1A900] =	vst v63  }
0x5b: {  	_ =	swait.ge [sflag:s23], $0x2800  }
0x5c: {  	s31 =	smov.u32 s6;
	[sflag:s23] =	ssyncset.done $0x0  }
0x5d: {  	s0 =	sadd.s32 s30, s20;
	[sflag:s23] =	ssyncadd.s32 $0xFFFFD800  }
0x5e: {  	[tilespmem:s2], [sflag:$0x2] =	stream.linear.gather [hbm4b:s0+s2], $0x80, $0x38;
	[tilespmem:$0x1A900] =	vst v63  }
0x5f: {  	_ =	swait.ge [sflag:s23], $0x80  }
0x60: {  	[sflag:s23] =	ssyncset.done $0x0  }
0x61: {  	s30 =	sadd.s32 s30, s21;
	[sflag:s23] =	ssyncadd.s32 $0xFFFFFF80  }
0x62: {  	[tilespmem:s24], [sflag:$0x2] =	stream.linear.gather [hbm4b:s30+s2], $0x80, $0x38;
	[tilespmem:$0x1A900] =	vst v63  }
0x63: {  	_ =	swait.ge [sflag:s23], $0x80  }
0x64: {  	[sflag:s23] =	ssyncset.done $0x0  }
0x65: {  	[sflag:s23] =	ssyncadd.s32 $0xFFFFFF80  }
0x66: {  	[tilespmem:s26], [sflag:$0x1] =	stream.indirect.gather [hbm4b:s4+s25], $0x80, s2, s25, $0xb8;
	[tilespmem:$0x1A900] =	vst v63  }
0x67: {  	_ =	swait.ge [sflag:s28], $0x2800  }
0x68: {  	[sflag:s28] =	ssyncset.done $0x0  }
0x69: {  	[sflag:s28] =	ssyncadd.s32 $0xFFFFD800  }
0x6a: {  	[spmem:s1] =	stream.indirect.scatter.add.f32 [tilespmem:s26], [sflag:$0x2], $0x80, s24, s25, $0xb8;
	[tilespmem:$0x1A900] =	vst v63  }
0x6b: {  	_ =	swait.ge [sflag:s23], $0x2800  }
0x6c: {  	[sflag:s23] =	ssyncset.done $0x0  }
0x6d: {  	[sflag:s23] =	ssyncadd.s32 $0xFFFFD800  }
0x6e: {  	[bflag:$0x0] =	sbarrier.arrive $0xFFFF  }
0x6f: {  	[tilespmem:s22], [sflag:$0x2] =	stream.linear.gather [spmem:s5], $0x4000, $0x38;
	[tilespmem:$0x1A900] =	vst v63  }
0x70: {  	_ =	swait.ge [sflag:s23], $0x4000  }
0x71: {  	[sflag:s23] =	ssyncset.done $0x0  }
0x72: {  	[sflag:s23] =	ssyncadd.s32 $0xFFFFC000  }
0x73: {  	[hbm4b:s11+s2] =	stream.linear.scatter [tilespmem:s22], [sflag:$0x2], $0x4000, $0x38;
	[tilespmem:$0x1A900] =	vst v63  }
0x74: {  	_ =	swait.ge [sflag:s23], $0x4000  }
0x75: {  	[sflag:s23] =	ssyncset.done $0x0  }
0x76: {  	[sflag:s23] =	ssyncadd.s32 $0xFFFFC000  }
0x77: {  	[tilespmem:s22], [sflag:$0x2] =	stream.linear.gather [spmem:s12], $0x4000, $0x38;
	[tilespmem:$0x1A900] =	vst v63  }
0x78: {  	_ =	swait.ge [sflag:s23], $0x4000  }
0x79: {  	[sflag:s23] =	ssyncset.done $0x0  }
0x7a: {  	[sflag:s23] =	ssyncadd.s32 $0xFFFFC000  }
0x7b: {  	[hbm4b:s13+s2] =	stream.linear.scatter [tilespmem:s22], [sflag:$0x2], $0x4000, $0x38;
	[tilespmem:$0x1A900] =	vst v63  }
0x7c: {  	_ =	swait.ge [sflag:s23], $0x4000  }
0x7d: {  	[sflag:s23] =	ssyncset.done $0x0  }
0x7e: {  	[sflag:s23] =	ssyncadd.s32 $0xFFFFC000  }
0x7f: {  	[tilespmem:s22], [sflag:$0x2] =	stream.linear.gather [spmem:s14], $0x4000, $0x38;
	[tilespmem:$0x1A900] =	vst v63  }
0x80: {  	_ =	swait.ge [sflag:s23], $0x4000  }
0x81: {  	[sflag:s23] =	ssyncset.done $0x0  }
0x82: {  	[sflag:s23] =	ssyncadd.s32 $0xFFFFC000  }
0x83: {  	[hbm4b:s15+s2] =	stream.linear.scatter [tilespmem:s22], [sflag:$0x2], $0x4000, $0x38;
	[tilespmem:$0x1A900] =	vst v63  }
0x84: {  	_ =	swait.ge [sflag:s23], $0x4000  }
0x85: {  	[sflag:s23] =	ssyncset.done $0x0  }
0x86: {  	[sflag:s23] =	ssyncadd.s32 $0xFFFFC000  }
0x87: {  	[tilespmem:s22], [sflag:$0x2] =	stream.linear.gather [spmem:s16], $0x4000, $0x38;
	[tilespmem:$0x1A900] =	vst v63  }
0x88: {  	_ =	swait.ge [sflag:s23], $0x4000  }
0x89: {  	[sflag:s23] =	ssyncset.done $0x0  }
0x8a: {  	[sflag:s23] =	ssyncadd.s32 $0xFFFFC000  }
0x8b: {  	[hbm4b:s17+s2] =	stream.linear.scatter [tilespmem:s22], [sflag:$0x2], $0x4000, $0x38;
	[tilespmem:$0x1A900] =	vst v63  }
0x8c: {  	_ =	swait.ge [sflag:s23], $0x4000  }
0x8d: {  	[sflag:s23] =	ssyncset.done $0x0  }
0x8e: {  	[sflag:s23] =	ssyncadd.s32 $0xFFFFC000  }
0x8f: {  	[tilespmem:s22], [sflag:$0x2] =	stream.linear.gather [spmem:s18], $0x4000, $0x38;
	[tilespmem:$0x1A900] =	vst v63  }
0x90: {  	_ =	swait.ge [sflag:s23], $0x4000  }
0x91: {  	[sflag:s23] =	ssyncset.done $0x0  }
0x92: {  	[sflag:s23] =	ssyncadd.s32 $0xFFFFC000  }
0x93: {  	[hbm4b:s19+s2] =	stream.linear.scatter [tilespmem:s22], [sflag:$0x2], $0x4000, $0x38;
	[tilespmem:$0x1A900] =	vst v63  }
0x94: {  	_ =	swait.ge [sflag:s23], $0x4000  }
0x95: {  	s29 =	sadd.s32 $0x1, s29;
	s31 =	rddreg [dreg:$0x4]  }
0x96: {  	p0 =	sne.s32 s29, s31  }
.Ltmp2:
0x97: {  	_ = 	snop;
	(pc) =	sbr.rel @p0 .LBB2_1-.Ltmp2, $3  }
0x98: {  	_ =	sdelay $0x1  }
0x99: {  	[sflag:s23] =	ssyncset.done $0x0  }
0x9a: {  	[sflag:s23] =	ssyncadd.s32 $0xFFFFC000  }
0x9b: {  	_ =	sfence.sel $0x180000  }
0x9c: {  	[bflag:$0x0] =	sbarrier.arrive $0xFFFF  }
0x9d: {  	_ =	strace $0x90000047  }
0x9e: {  	s0 =	stileid.u32;
	[bflag:$0x2] =	sbarrier.arrive $0xFFFF  }
0x9f: {  	p0 =	sne.s32 s0, $0x0;
	s0 =	rddreg [dreg:$0x3]  }
0xa0: {  	s0 =	sadd.s32 @!p0 $0x100000, s0  }
0xa1: {  	[sflag:s0] =	ssyncadd.tile.s32 @!p0 $0x1;
	_ =	shalt  }
.Lfunc_end2:
_tile_overlayer_lowered:
.L_overlay_start_2:
0xa2: {  	(tag) =	ssettag $0x2  }
0xa3: {  	s0 =	rddreg [dreg:$0x0];
	s2 =	stileid.u32  }
0xa4: {  	s1 =	rddreg [dreg:$0x1];
	p0 =	sne.s32 s2, $0x0  }
0xa5: {  	s3 =	rddreg [dreg:$0x2];
	[bflag:$0x3] =	sbarrier.arrive $0xFFFF;
	s2 =	simm.s32 @!p0 $0x1C02  }
0xa6: {  	[timem:s3], [sflag:s2] =	dma.local @!p0 [hbm:s0], s1  }
0xa7: {  	s0 =	simm.s32 @!p0 $0x2  }
0xa8: {  	_ =	swait.ge @!p0 [sflag:s0], s1  }
0xa9: {  	s1 =	ssub.s32 @!p0 $0x0, s1;
	[sflag:s0] =	ssyncset.done @!p0 $0x0  }
0xaa: {  	[sflag:s0] =	ssyncadd.s32 @!p0 s1  }
0xab: {  	[bflag:$0x3] =	sbarrier.arrive $0xFFFF  }
0xac: {  	_ =	shalt  }

// kernel: kernel.17.cloned.1.call-start
scs
__scs_entry_jumppad:
0x0: {  	(pc) =	sbr.rel $0x88, $3  }
0x1: {  	(tag) =	ssettag $0x0;
	lr =	simm.s32 $0x1  }
0x2: {  	[smem:$0x3F9A] =	sst lr;
	_ =	strace $0xD0000000  }
0x3: {  	_ = 	snop  }
0x4: {  	_ = 	snop  }
0x5: {  	_ = 	snop  }
0x6: {  	_ = 	snop  }
0x7: {  	_ = 	snop  }
__scs_overlays_trampoline_lowered:
0x8: {  	[smem:$0x3FA9] =	sst s0  }
0x9: {  	[smem:$0x3FAA] =	sst s1  }
0xa: {  	[smem:$0x3FAB] =	sst s2  }
0xb: {  	[smem:$0x3FAC] =	sst s3  }
0xc: {  	[smem:$0x3FAD] =	sst s4  }
0xd: {  	[smem:$0x3FAE] =	sst s5  }
0xe: {  	[smem:$0x3FAF] =	sst s6  }
0xf: {  	[smem:$0x3FB0] =	sst s7  }
0x10: {  	[smem:$0x3FB1] =	sst s8  }
0x11: {  	[smem:$0x3FB2] =	sst s9;
	s0 =	simm.s32 @!p0 $0x0  }
0x12: {  	s1 =	sld [smem:$0x3F98];
	s0 =	simm.s32 @p0 $0x1  }
0x13: {  	[smem:$0x3FB3] =	sst s0;
	s0 =	simm.s32 @!p1 $0x0  }
0x14: {  	s2 =	sld [smem:$0x3F97];
	s0 =	simm.s32 @p1 $0x1  }
0x15: {  	[smem:$0x3FB4] =	sst s0;
	s0 =	simm.s32 @!p2 $0x0  }
0x16: {  	s3 =	sld [smem:$0x3FDB];
	s0 =	simm.s32 @p2 $0x1  }
0x17: {  	s4 =	simm.s32 $0x1BF5;
	[smem:$0x3FB6] =	sst s0  }
0x18: {  	s0 =	sld [smem:$0x3F99];
	_ =	swait.ge [sflag:s4], $0x0  }
0x19: {  	s7 =	sld [smem:$0x3F9A]  }
0x1a: {  	s8 =	sadd.s32 $0xFFFFE003, lr  }
0x1b: {  	s9 =	sadd.s32 $0xFFFFFEF7, lr;
	s5 =	simm.s32 $0xFFFFFFFF;
	p2 =	slt.u32 s8, $0xFFFFF086  }
0x1c: {  	p1 =	slt.u32 s9, $0xF7A;
	s5 =	simm.s32 @!p2 $0x0  }
0x1d: {  	s5 =	simm.s32 @p1 $0x1;
	p0 =	seq.s32 s7, s2  }
0x1e: {  	s7 =	smul.u32 @!p0 $0xF7A, s2;
	p2 =	seq.s32 @!p0 s5, $0x0  }
0x1f: {  	s9 =	smul.u32 $0xF7A, s1;
	s8 =	simm.s32 @!p0 $0x1BF5;
	p2 =	por !p2, p0  }
0x20: {  	[sflag:s8] =	ssyncset.s32 @!p0 $0xFFFFF086;
	s6 =	sadd.s32 @!p0 s3, s7;
	s7 =	simm.s32 @!p0 $0x108  }
0x21: {  	s3 =	sadd.s32 s3, s9;
	s6 =	sadd.s32 @!p0 $0x88, s6;
	s7 =	simm.s32 @p2 $0x1082  }
0x22: {  	[simem:s7], [sflag:s8] =	dma.local @!p0 [hbm:s6], $0xF7A  }
0x23: {  	s9 =	sor.u32 $0xD0000000, s2;
	s6 =	simm.s32 $0x108;
	_ =	swait.ge @!p0 [sflag:s8], $0x0  }
0x24: {  	s3 =	sadd.s32 $0x88, s3;
	s6 =	simm.s32 @!p1 $0x1082;
	[sflag:s4] =	ssyncset.s32 $0xFFFFF086  }
0x25: {  	[simem:s6], [sflag:s4] =	dma.local [hbm:s3], $0xF7A  }
0x26: {  	[smem:$0x3F9A] =	sst s1;
	(tag) =	ssettag s2;
	_ =	strace s9  }
0x27: {  	s1 =	sld [smem:$0x3FAA]  }
0x28: {  	s2 =	sld [smem:$0x3FAB]  }
0x29: {  	s4 =	sld [smem:$0x3FAD]  }
0x2a: {  	p0 =	seq.s32 s5, $0x0;
	s5 =	sld [smem:$0x3FAE]  }
0x2b: {  	s6 =	sld [smem:$0x3FAF]  }
0x2c: {  	s7 =	sld [smem:$0x3FB0]  }
0x2d: {  	s3 =	simm.s32 $0x108;
	s8 =	sld [smem:$0x3FB1]  }
0x2e: {  	s3 =	simm.s32 @!p0 $0x1082;
	s9 =	sld [smem:$0x3FB2]  }
0x2f: {  	lr =	sadd.s32 s0, s3;
	s0 =	sld [smem:$0x3FA9]  }
0x30: {  	s3 =	sld [smem:$0x3FAC]  }
0x31: {  	[smem:$0x3FB5] =	sst s10  }
0x32: {  	s10 =	sld [smem:$0x3FB3];
	_ =	sdelay $0x3  }
0x33: {  	p0 =	seq.s32 s10, $0x1;
	s10 =	sld [smem:$0x3FB5];
	_ =	sdelay $0x3  }
0x34: {  	[smem:$0x3FB5] =	sst s10  }
0x35: {  	s10 =	sld [smem:$0x3FB4];
	_ =	sdelay $0x3  }
0x36: {  	p1 =	seq.s32 s10, $0x1;
	s10 =	sld [smem:$0x3FB5];
	_ =	sdelay $0x3  }
0x37: {  	[smem:$0x3FB5] =	sst s10  }
0x38: {  	s10 =	sld [smem:$0x3FB6]  }
0x39: {  	_ = 	snop;
	(pc) =	sbr.ind lr, $3  }
0x3a: {  	_ = 	snop  }
0x3b: {  	_ = 	snop  }
0x3c: {  	p2 =	seq.s32 s10, $0x1;
	s10 =	sld [smem:$0x3FB5]  }
0x3d: {  	_ =	shalt  }
0x3e: {  	_ =	shalt  }
0x3f: {  	_ =	shalt  }
0x40: {  	_ =	shalt  }
0x41: {  	_ =	shalt  }
0x42: {  	_ =	shalt  }
0x43: {  	_ =	shalt  }
0x44: {  	_ =	shalt  }
0x45: {  	_ =	shalt  }
0x46: {  	_ =	shalt  }
0x47: {  	_ =	shalt  }
0x48: {  	_ =	shalt  }
0x49: {  	_ =	shalt  }
0x4a: {  	_ =	shalt  }
0x4b: {  	_ =	shalt  }
0x4c: {  	_ =	shalt  }
0x4d: {  	_ =	shalt  }
0x4e: {  	_ =	shalt  }
0x4f: {  	_ =	shalt  }
0x50: {  	_ =	shalt  }
0x51: {  	_ =	shalt  }
0x52: {  	_ =	shalt  }
0x53: {  	_ =	shalt  }
0x54: {  	_ =	shalt  }
0x55: {  	_ =	shalt  }
0x56: {  	_ =	shalt  }
0x57: {  	_ =	shalt  }
0x58: {  	_ =	shalt  }
0x59: {  	_ =	shalt  }
0x5a: {  	_ =	shalt  }
0x5b: {  	_ =	shalt  }
0x5c: {  	_ =	shalt  }
0x5d: {  	_ =	shalt  }
0x5e: {  	_ =	shalt  }
0x5f: {  	_ =	shalt  }
0x60: {  	_ =	shalt  }
0x61: {  	_ =	shalt  }
0x62: {  	_ =	shalt  }
0x63: {  	_ =	shalt  }
0x64: {  	_ =	shalt  }
0x65: {  	_ =	shalt  }
0x66: {  	_ =	shalt  }
0x67: {  	_ =	shalt  }
0x68: {  	_ =	shalt  }
0x69: {  	_ =	shalt  }
0x6a: {  	_ =	shalt  }
0x6b: {  	_ =	shalt  }
0x6c: {  	_ =	shalt  }
0x6d: {  	_ =	shalt  }
0x6e: {  	_ =	shalt  }
0x6f: {  	_ =	shalt  }
0x70: {  	_ =	shalt  }
0x71: {  	_ =	shalt  }
0x72: {  	_ =	shalt  }
0x73: {  	_ =	shalt  }
0x74: {  	_ =	shalt  }
0x75: {  	_ =	shalt  }
0x76: {  	_ =	shalt  }
0x77: {  	_ =	shalt  }
0x78: {  	_ =	shalt  }
0x79: {  	_ =	shalt  }
0x7a: {  	_ =	shalt  }
0x7b: {  	_ =	shalt  }
0x7c: {  	_ =	shalt  }
0x7d: {  	_ =	shalt  }
0x7e: {  	_ =	shalt  }
0x7f: {  	_ =	shalt  }
0x80: {  	_ =	shalt  }
0x81: {  	_ =	shalt  }
0x82: {  	_ =	shalt  }
0x83: {  	_ =	shalt  }
0x84: {  	_ =	shalt  }
0x85: {  	_ =	shalt  }
0x86: {  	_ =	shalt  }
0x87: {  	_ =	shalt  }
.Lfunc_end0:
.L_simem_size_0:
called_computation.2_lowered:
.L_overlay_start_0:
0x88: {  	s2 =	sld [smem:$0x3FD9]  }
0x89: {  	s3 =	sld [smem:$0x3FFE];
	_ =	sdelay $0x1  }
0x8a: {  	s1 =	srdreg.scid  }
0x8b: {  	s0 =	sand.u32 $0x1, s1  }
0x8c: {  	s17 =	sshll.u32 s0, $0xA;
	s2 =	sadd.s32 s3, s2  }
0x8d: {  	s2 =	sadd.s32 s2, s17  }
0x8e: {  	[smem:$0x3FC1] =	sst s2  }
0x8f: {  	_ = 	snop  }
0x90: {  	s2 =	sld [smem:$0x3FD0];
	(tm) =	ssettm $0x1  }
0x91: {  	s18 =	sld [smem:$0x3FFB];
	_ =	sdelay $0x3  }
0x92: {  	_ =	strace s18  }
0x93: {  	s3 =	sld [smem:$0x3FFC];
	_ =	sdelay $0x3  }
0x94: {  	_ =	strace s3  }
0x95: {  	s3 =	sld [smem:$0x3FFD];
	_ =	sdelay $0x3  }
0x96: {  	_ =	strace s3  }
0x97: {  	_ =	strace $0x8FFFFFFF  }
0x98: {  	s19 =	sld [smem:$0x3FDB];
	_ =	sdelay $0x1  }
0x99: {  	s4 =	simm.s32 $_scs_section_size  }
0x9a: {  	s5 =	simm.s32 $_size__tile_overlayer_lowered;
	s6 =	simm.s32 $_tile_overlayer_lowered  }
0x9b: {  	s22 =	simm.s32 $0x1BFF;
	s21 =	sshll.u32 s6, $0x1;
	s3 =	sadd.s32 s4, s19  }
0x9c: {  	s7 =	simm.s32 $0x0;
	s20 =	sshll.u32 s5, $0x1;
	s5 =	sadd.s32 s21, s3  }
0x9d: {  	[timem:s7], [sflag:s22] =	dma.local [hbm:s5], s20  }
0x9e: {  	_ =	swait.ge [sflag:s22], s20  }
0x9f: {  	s4 =	ssub.s32 $0x0, s20;
	[sflag:s22] =	ssyncset.done $0x0  }
0xa0: {  	[sflag:s22] =	ssyncadd.s32 s4;
	_ =	sdelay $0x1  }
0xa1: {  	s23 =	simm.s32 $0x1B8B  }
0xa2: {  	_ =	swait.ge [sflag:s23], $0x1  }
0xa3: {  	[sflag:s23] =	ssyncset.done $0x0  }
0xa4: {  	s25 =	simm.s32 $0x1B8E;
	s24 =	sld [smem:$0x3FFE];
	[sflag:s23] =	ssyncadd.s32 $0xFFFFFFFF  }
0xa5: {  	s26 =	simm.s32 $execute0_lowered;
	[smem:$0x3FD2] =	sst s25  }
0xa6: {  	s5 =	sshll.u32 s26, $0x1;
	_ =	strace $0x8000004C;
	[dreg:$0x1] =	wrdreg $0xFFFFFFFF  }
0xa7: {  	s28 =	simm.s32 $_size_execute0_lowered;
	s3 =	sadd.s32 s3, s5;
	[dreg:$0x0] =	wrdreg $0x0  }
0xa8: {  	s5 =	sshll.u32 s28, $0x1;
	[dreg:$0x2] =	wrdreg s3  }
0xa9: {  	[dreg:$0x3] =	wrdreg s5  }
0xaa: {  	[dreg:$0x4] =	wrdreg $0xC0  }
0xab: {  	_ =	task [dreg:s7], $0x5FFFF  }
0xac: {  	[dreg:$0x1] =	wrdreg $0xFFFFFFFF  }
0xad: {  	[dreg:$0x0] =	wrdreg $0x60  }
0xae: {  	[dreg:$0x2] =	wrdreg s24  }
0xaf: {  	[dreg:$0x3] =	wrdreg s2  }
0xb0: {  	[dreg:$0x4] =	wrdreg $0x69000  }
0xb1: {  	[dreg:$0x5] =	wrdreg $0x9  }
0xb2: {  	_ =	task.clear_ibuf [dreg:s7], $0x6FFFF;
	_ =	strace $0x9000004C  }
0xb3: {  	s29 =	simm.s32 $0x9;
	_ =	strace $0x8000004E  }
0xb4: {  	_ =	swait.ge [sflag:s29], $0x1  }
0xb5: {  	[sflag:s29] =	ssyncadd.s32 $0xFFFFFFFF  }
0xb6: {  	_ =	strace $0x9000004E  }
0xb7: {  	_ =	sfence  }
0xb8: {  	s30 =	sld [smem:$0x0];
	_ =	sdelay $0x2  }
0xb9: {  	s31 =	sshll.u32 s1, $0xD;
	s1 =	sshrl.u32 s1, $0x2  }
0xba: {  	s3 =	sand.u32 $0x4000, s31;
	s1 =	sadd.s32 s1, s30  }
0xbb: {  	s0 =	sor.u32 s3, s0;
	s1 =	sshll.u32 s1, $0x11  }
0xbc: {  	s0 =	sor.u32 s1, s0  }
0xbd: {  	s0 =	sadd.s32 $0x8F2B, s0  }
0xbe: {  	[sflag:s0] =	ssyncadd.remote.s32 $0x1  }
0xbf: {  	_ =	sfence.sel $0xFFFF  }
0xc0: {  	[dreg:$0x0] =	wrdreg $0xFFFFFFFF;
	(pc) =	sbr.abs _section_cstart, $3  }
0xc1: {  	[dreg:$0x1] =	wrdreg $0xFFFFFFFF  }
0xc2: {  	_ =	task.clear_ibuf [dreg:s7], $0x2FFFF;
	_ =	strace $0x9FFFFFFF  }
0xc3: {  	(tm) =	ssettm $0x7FFFFFFF  }
tec
execute0_lowered:
.L_overlay_start_1:
0x0: {  	(tag) =	ssettag $0x1  }
0x1: {  	s5 =	rddreg [dreg:$0x0]  }
0x2: {  	s20 =	rddreg [dreg:$0x1]  }
0x3: {  	s1 =	rddreg [dreg:$0x2];
	s2 =	simm.s32 $0x0;
	s6 =	srdreg.scid  }
0x4: {  	s0 =	stileid.u32;
	s28 =	simm.s32 $0x1;
	s29 =	simm.s32 $0x0  }
0x5: {  	[smem:$0x7FF] =	sst s2;
	s4 =	sadd.s32 $0x12600, s5;
	s6 =	sand.u32 $0x1, s6  }
0x6: {  	s21 =	sshll.u32 s0, $0xC;
	s8 =	smul.u32 $0x50000, s0;
	s19 =	sadd.s32 $0x3A600, s5  }
0x7: {  	s16 =	smul.u32 $0x14000, s0;
	_ =	strace $0x8000004D;
	s7 =	ssub.s32 $0x2, s6  }
0x8: {  	s22 =	sadd.s32 s21, s5;
	s17 =	smul.u32 $0x140000, s6;
	s20 =	sadd.s32 s21, s20  }
0x9: {  	s23 =	sshrl.u32 s7, $0x1;
	s24 =	sshrl.u32 s8, $0x2;
	s12 =	sadd.s32 $0x4000, s16  }
0xa: {  	s14 =	sadd.s32 $0x8000, s16;
	s18 =	sadd.s32 $0xC000, s16;
	s7 =	ssub.s32 s7, s23  }
0xb: {  	s5 =	sadd.s32 s24, s1;
	s23 =	sshll.u32 s6, $0xB;
	s11 =	sadd.s32 s17, s16  }
0xc: {  	s13 =	sadd.s32 s17, s12;
	s12 =	sadd.s32 s12, s1;
	s15 =	sadd.s32 s17, s14  }
0xd: {  	s14 =	sadd.s32 s14, s1;
	s24 =	sadd.s32 s17, s18;
	s25 =	smax.u32 s7, $0x1  }
0xe: {  	s7 =	sadd.s32 $0x4000, s5;
	s8 =	sadd.s32 $0x8000, s5;
	s9 =	sadd.s32 $0xC000, s5  }
0xf: {  	s10 =	sadd.s32 $0x10000, s5;
	s11 =	sshrl.u32 s11, $0x3;
	s13 =	sshrl.u32 s13, $0x3  }
0x10: {  	s15 =	sshrl.u32 s15, $0x3;
	s26 =	sshrl.u32 s24, $0x3;
	s31 =	sadd.s32 s23, s22  }
0x11: {  	s20 =	sadd.s32 s23, s20;
	s22 =	simm.s32 $0x2900;
	s23 =	simm.s32 $0x2  }
0x12: {  	[dreg:$0x4] =	wrdreg s25;
	s11 =	sadd.s32 s19, s11;
	s13 =	sadd.s32 s19, s13  }
0x13: {  	s15 =	sadd.s32 s19, s15;
	s25 =	sadd.s32 $0x10000, s16;
	s16 =	sadd.s32 s18, s1  }
0x14: {  	s21 =	sadd.s32 $0x2600, s31;
	s30 =	sadd.s32 s17, s25;
	s17 =	sadd.s32 s19, s26  }
0x15: {  	s18 =	sadd.s32 s25, s1;
	s25 =	simm.s32 $0x50;
	s24 =	sshrl.u32 s30, $0x3  }
0x16: {  	v0 =	vimm.f32 $0.0e+00;
	s26 =	simm.s32 $0x100;
	s19 =	sadd.s32 s19, s24;
	s24 =	simm.s32 $0x80  }
.LBB2_1:
0x17: {  	s30 =	simm.s32 $0x0;
	s31 =	simm.s32 $0x200  }
.LBB2_2:
0x18: {  	p0 =	sne.s32 s31, $0xFE00;
	[tilespmem:s30+$0x2970] =	vst v0  }
0x19: {  	[tilespmem:s30+$0x2900] =	vst v0  }
0x1a: {  	[tilespmem:s30+$0x2910] =	vst v0  }
.Ltmp0:
0x1b: {  	[tilespmem:s30+$0x2920] =	vst v0;
	(pc) =	sbr.rel @p0 .LBB2_2-.Ltmp0, $4  }
0x1c: {  	[tilespmem:s30+$0x2930] =	vst v0  }
0x1d: {  	[tilespmem:s30+$0x2940] =	vst v0  }
0x1e: {  	[tilespmem:s30+$0x2950] =	vst v0  }
0x1f: {  	[tilespmem:s30+$0x2960] =	vst v0;
	s30 =	sshra.s32 s31, $0x2;
	s31 =	sadd.s32 $0x200, s31  }
0x20: {  	[tilespmem:s30+$0x2970] =	vst v0  }
0x21: {  	[tilespmem:s30+$0x2900] =	vst v0  }
0x22: {  	[tilespmem:s30+$0x2910] =	vst v0  }
0x23: {  	[tilespmem:s30+$0x2920] =	vst v0  }
0x24: {  	[tilespmem:s30+$0x2930] =	vst v0  }
0x25: {  	[tilespmem:s30+$0x2940] =	vst v0  }
0x26: {  	[tilespmem:s30+$0x2950] =	vst v0  }
0x27: {  	[tilespmem:s30+$0x2960] =	vst v0  }
0x28: {  	[spmem:s5] =	stream.linear.scatter [tilespmem:s22], [sflag:$0x2], $0x4000, $0x38;
	[tilespmem:$0x1A900] =	vst v63  }
0x29: {  	_ =	swait.ge [sflag:s23], $0x4000  }
0x2a: {  	[sflag:s23] =	ssyncset.done $0x0  }
0x2b: {  	[sflag:s23] =	ssyncadd.s32 $0xFFFFC000  }
0x2c: {  	[spmem:s7] =	stream.linear.scatter [tilespmem:s22], [sflag:$0x2], $0x4000, $0x38;
	[tilespmem:$0x1A900] =	vst v63  }
0x2d: {  	_ =	swait.ge [sflag:s23], $0x4000  }
0x2e: {  	[sflag:s23] =	ssyncset.done $0x0  }
0x2f: {  	[sflag:s23] =	ssyncadd.s32 $0xFFFFC000  }
0x30: {  	[spmem:s8] =	stream.linear.scatter [tilespmem:s22], [sflag:$0x2], $0x4000, $0x38;
	[tilespmem:$0x1A900] =	vst v63  }
0x31: {  	_ =	swait.ge [sflag:s23], $0x4000  }
0x32: {  	[sflag:s23] =	ssyncset.done $0x0  }
0x33: {  	[sflag:s23] =	ssyncadd.s32 $0xFFFFC000  }
0x34: {  	[spmem:s9] =	stream.linear.scatter [tilespmem:s22], [sflag:$0x2], $0x4000, $0x38;
	[tilespmem:$0x1A900] =	vst v63  }
0x35: {  	_ =	swait.ge [sflag:s23], $0x4000  }
0x36: {  	[sflag:s23] =	ssyncset.done $0x0  }
0x37: {  	[sflag:s23] =	ssyncadd.s32 $0xFFFFC000  }
0x38: {  	[spmem:s10] =	stream.linear.scatter [tilespmem:s22], [sflag:$0x2], $0x4000, $0x38;
	[tilespmem:$0x1A900] =	vst v63  }
0x39: {  	_ =	swait.ge [sflag:s23], $0x4000  }
0x3a: {  	[sflag:s23] =	ssyncset.done $0x0  }
0x3b: {  	[sflag:s23] =	ssyncadd.s32 $0xFFFFC000  }
0x3c: {  	s30 =	sadd.s32 $0x0, s20;
	[bflag:$0x0] =	sbarrier.arrive $0xFFFF  }
0x3d: {  	[tilespmem:s2], [sflag:$0x2] =	stream.linear.gather [hbm4b:s30+s2], $0x80, $0x38;
	[tilespmem:$0x1A900] =	vst v63  }
0x3e: {  	_ =	swait.ge [sflag:s23], $0x80  }
0x3f: {  	[sflag:s23] =	ssyncset.done $0x0  }
0x40: {  	s30 =	sadd.s32 $0x0, s21;
	[sflag:s23] =	ssyncadd.s32 $0xFFFFFF80  }
0x41: {  	[tilespmem:s24], [sflag:$0x2] =	stream.linear.gather [hbm4b:s30+s2], $0x80, $0x38;
	[tilespmem:$0x1A900] =	vst v63  }
0x42: {  	_ =	swait.ge [sflag:s23], $0x80  }
0x43: {  	[sflag:s23] =	ssyncset.done $0x0  }
0x44: {  	[sflag:s23] =	ssyncadd.s32 $0xFFFFFF80  }
0x45: {  	[tilespmem:s26], [sflag:$0x1] =	stream.indirect.gather [hbm4b:s4+s25], $0x80, s2, s25, $0xb8;
	[tilespmem:$0x1A900] =	vst v63  }
0x46: {  	_ =	swait.ge [sflag:s28], $0x2800  }
0x47: {  	[sflag:s28] =	ssyncset.done $0x0  }
0x48: {  	[sflag:s28] =	ssyncadd.s32 $0xFFFFD800  }
0x49: {  	[spmem:s1] =	stream.indirect.scatter.add.f32 [tilespmem:s26], [sflag:$0x2], $0x80, s24, s25, $0xb8;
	[tilespmem:$0x1A900] =	vst v63  }
0x4a: {  	_ =	swait.ge [sflag:s23], $0x2800  }
0x4b: {  	s31 =	simm.s32 $0x20;
	s30 =	simm.s32 $0x10;
	[sflag:s23] =	ssyncset.done $0x0  }
.LBB2_4:
0x4c: {  	s0 =	sadd.s32 s30, s20  }
0x4d: {  	[sflag:s23] =	ssyncadd.s32 $0xFFFFD800;
	s3 =	smov.u32 s31;
	s6 =	sadd.s32 $0x10, s31  }
0x4e: {  	[tilespmem:s2], [sflag:$0x2] =	stream.linear.gather [hbm4b:s0+s2], $0x80, $0x38;
	[tilespmem:$0x1A900] =	vst v63  }
0x4f: {  	p0 =	sne.s32 s31, $0x7C0;
	_ =	swait.ge [sflag:s23], $0x80  }
0x50: {  	[sflag:s23] =	ssyncset.done $0x0  }
0x51: {  	s0 =	sadd.s32 s30, s21;
	s30 =	smov.u32 s3;
	[sflag:s23] =	ssyncadd.s32 $0xFFFFFF80  }
0x52: {  	[tilespmem:s24], [sflag:$0x2] =	stream.linear.gather [hbm4b:s0+s2], $0x80, $0x38;
	[tilespmem:$0x1A900] =	vst v63  }
0x53: {  	_ =	swait.ge [sflag:s23], $0x80  }
0x54: {  	[sflag:s23] =	ssyncset.done $0x0  }
0x55: {  	[sflag:s23] =	ssyncadd.s32 $0xFFFFFF80  }
0x56: {  	[tilespmem:s26], [sflag:$0x1] =	stream.indirect.gather [hbm4b:s4+s25], $0x80, s2, s25, $0xb8;
	[tilespmem:$0x1A900] =	vst v63  }
0x57: {  	_ =	swait.ge [sflag:s28], $0x2800  }
.Ltmp1:
0x58: {  	[sflag:s28] =	ssyncset.done $0x0;
	(pc) =	sbr.rel @p0 .LBB2_4-.Ltmp1, $4  }
0x59: {  	[sflag:s28] =	ssyncadd.s32 $0xFFFFD800  }
0x5a: {  	[spmem:s1] =	stream.indirect.scatter.add.f32 [tilespmem:s26], [sflag:$0x2], $0x80, s24, s25, $0xb8;
	[tilespmem:$0x1A900] =	vst v63  }
0x5b: {  	_ =	swait.ge [sflag:s23], $0x2800  }
0x5c: {  	s31 =	smov.u32 s6;
	[sflag:s23] =	ssyncset.done $0x0  }
0x5d: {  	s0 =	sadd.s32 s30, s20;
	[sflag:s23] =	ssyncadd.s32 $0xFFFFD800  }
0x5e: {  	[tilespmem:s2], [sflag:$0x2] =	stream.linear.gather [hbm4b:s0+s2], $0x80, $0x38;
	[tilespmem:$0x1A900] =	vst v63  }
0x5f: {  	_ =	swait.ge [sflag:s23], $0x80  }
0x60: {  	[sflag:s23] =	ssyncset.done $0x0  }
0x61: {  	s30 =	sadd.s32 s30, s21;
	[sflag:s23] =	ssyncadd.s32 $0xFFFFFF80  }
0x62: {  	[tilespmem:s24], [sflag:$0x2] =	stream.linear.gather [hbm4b:s30+s2], $0x80, $0x38;
	[tilespmem:$0x1A900] =	vst v63  }
0x63: {  	_ =	swait.ge [sflag:s23], $0x80  }
0x64: {  	[sflag:s23] =	ssyncset.done $0x0  }
0x65: {  	[sflag:s23] =	ssyncadd.s32 $0xFFFFFF80  }
0x66: {  	[tilespmem:s26], [sflag:$0x1] =	stream.indirect.gather [hbm4b:s4+s25], $0x80, s2, s25, $0xb8;
	[tilespmem:$0x1A900] =	vst v63  }
0x67: {  	_ =	swait.ge [sflag:s28], $0x2800  }
0x68: {  	[sflag:s28] =	ssyncset.done $0x0  }
0x69: {  	[sflag:s28] =	ssyncadd.s32 $0xFFFFD800  }
0x6a: {  	[spmem:s1] =	stream.indirect.scatter.add.f32 [tilespmem:s26], [sflag:$0x2], $0x80, s24, s25, $0xb8;
	[tilespmem:$0x1A900] =	vst v63  }
0x6b: {  	_ =	swait.ge [sflag:s23], $0x2800  }
0x6c: {  	[sflag:s23] =	ssyncset.done $0x0  }
0x6d: {  	[sflag:s23] =	ssyncadd.s32 $0xFFFFD800  }
0x6e: {  	[bflag:$0x0] =	sbarrier.arrive $0xFFFF  }
0x6f: {  	[tilespmem:s22], [sflag:$0x2] =	stream.linear.gather [spmem:s5], $0x4000, $0x38;
	[tilespmem:$0x1A900] =	vst v63  }
0x70: {  	_ =	swait.ge [sflag:s23], $0x4000  }
0x71: {  	[sflag:s23] =	ssyncset.done $0x0  }
0x72: {  	[sflag:s23] =	ssyncadd.s32 $0xFFFFC000  }
0x73: {  	[hbm4b:s11+s2] =	stream.linear.scatter [tilespmem:s22], [sflag:$0x2], $0x4000, $0x38;
	[tilespmem:$0x1A900] =	vst v63  }
0x74: {  	_ =	swait.ge [sflag:s23], $0x4000  }
0x75: {  	[sflag:s23] =	ssyncset.done $0x0  }
0x76: {  	[sflag:s23] =	ssyncadd.s32 $0xFFFFC000  }
0x77: {  	[tilespmem:s22], [sflag:$0x2] =	stream.linear.gather [spmem:s12], $0x4000, $0x38;
	[tilespmem:$0x1A900] =	vst v63  }
0x78: {  	_ =	swait.ge [sflag:s23], $0x4000  }
0x79: {  	[sflag:s23] =	ssyncset.done $0x0  }
0x7a: {  	[sflag:s23] =	ssyncadd.s32 $0xFFFFC000  }
0x7b: {  	[hbm4b:s13+s2] =	stream.linear.scatter [tilespmem:s22], [sflag:$0x2], $0x4000, $0x38;
	[tilespmem:$0x1A900] =	vst v63  }
0x7c: {  	_ =	swait.ge [sflag:s23], $0x4000  }
0x7d: {  	[sflag:s23] =	ssyncset.done $0x0  }
0x7e: {  	[sflag:s23] =	ssyncadd.s32 $0xFFFFC000  }
0x7f: {  	[tilespmem:s22], [sflag:$0x2] =	stream.linear.gather [spmem:s14], $0x4000, $0x38;
	[tilespmem:$0x1A900] =	vst v63  }
0x80: {  	_ =	swait.ge [sflag:s23], $0x4000  }
0x81: {  	[sflag:s23] =	ssyncset.done $0x0  }
0x82: {  	[sflag:s23] =	ssyncadd.s32 $0xFFFFC000  }
0x83: {  	[hbm4b:s15+s2] =	stream.linear.scatter [tilespmem:s22], [sflag:$0x2], $0x4000, $0x38;
	[tilespmem:$0x1A900] =	vst v63  }
0x84: {  	_ =	swait.ge [sflag:s23], $0x4000  }
0x85: {  	[sflag:s23] =	ssyncset.done $0x0  }
0x86: {  	[sflag:s23] =	ssyncadd.s32 $0xFFFFC000  }
0x87: {  	[tilespmem:s22], [sflag:$0x2] =	stream.linear.gather [spmem:s16], $0x4000, $0x38;
	[tilespmem:$0x1A900] =	vst v63  }
0x88: {  	_ =	swait.ge [sflag:s23], $0x4000  }
0x89: {  	[sflag:s23] =	ssyncset.done $0x0  }
0x8a: {  	[sflag:s23] =	ssyncadd.s32 $0xFFFFC000  }
0x8b: {  	[hbm4b:s17+s2] =	stream.linear.scatter [tilespmem:s22], [sflag:$0x2], $0x4000, $0x38;
	[tilespmem:$0x1A900] =	vst v63  }
0x8c: {  	_ =	swait.ge [sflag:s23], $0x4000  }
0x8d: {  	[sflag:s23] =	ssyncset.done $0x0  }
0x8e: {  	[sflag:s23] =	ssyncadd.s32 $0xFFFFC000  }
0x8f: {  	[tilespmem:s22], [sflag:$0x2] =	stream.linear.gather [spmem:s18], $0x4000, $0x38;
	[tilespmem:$0x1A900] =	vst v63  }
0x90: {  	_ =	swait.ge [sflag:s23], $0x4000  }
0x91: {  	[sflag:s23] =	ssyncset.done $0x0  }
0x92: {  	[sflag:s23] =	ssyncadd.s32 $0xFFFFC000  }
0x93: {  	[hbm4b:s19+s2] =	stream.linear.scatter [tilespmem:s22], [sflag:$0x2], $0x4000, $0x38;
	[tilespmem:$0x1A900] =	vst v63  }
0x94: {  	_ =	swait.ge [sflag:s23], $0x4000  }
0x95: {  	s29 =	sadd.s32 $0x1, s29;
	s31 =	rddreg [dreg:$0x4]  }
0x96: {  	p0 =	sne.s32 s29, s31  }
.Ltmp2:
0x97: {  	_ = 	snop;
	(pc) =	sbr.rel @p0 .LBB2_1-.Ltmp2, $3  }
0x98: {  	_ =	sdelay $0x1  }
0x99: {  	[sflag:s23] =	ssyncset.done $0x0  }
0x9a: {  	[sflag:s23] =	ssyncadd.s32 $0xFFFFC000  }
0x9b: {  	_ =	sfence.sel $0x180000  }
0x9c: {  	[bflag:$0x0] =	sbarrier.arrive $0xFFFF  }
0x9d: {  	_ =	strace $0x9000004D  }
0x9e: {  	s0 =	stileid.u32;
	[bflag:$0x2] =	sbarrier.arrive $0xFFFF  }
0x9f: {  	p0 =	sne.s32 s0, $0x0;
	s0 =	rddreg [dreg:$0x3]  }
0xa0: {  	s0 =	sadd.s32 @!p0 $0x100000, s0  }
0xa1: {  	[sflag:s0] =	ssyncadd.tile.s32 @!p0 $0x1;
	_ =	shalt  }
.Lfunc_end2:
_tile_overlayer_lowered:
.L_overlay_start_2:
0xa2: {  	(tag) =	ssettag $0x2  }
0xa3: {  	s0 =	rddreg [dreg:$0x0];
	s2 =	stileid.u32  }
0xa4: {  	s1 =	rddreg [dreg:$0x1];
	p0 =	sne.s32 s2, $0x0  }
0xa5: {  	s3 =	rddreg [dreg:$0x2];
	[bflag:$0x3] =	sbarrier.arrive $0xFFFF;
	s2 =	simm.s32 @!p0 $0x1C02  }
0xa6: {  	[timem:s3], [sflag:s2] =	dma.local @!p0 [hbm:s0], s1  }
0xa7: {  	s0 =	simm.s32 @!p0 $0x2  }
0xa8: {  	_ =	swait.ge @!p0 [sflag:s0], s1  }
0xa9: {  	s1 =	ssub.s32 @!p0 $0x0, s1;
	[sflag:s0] =	ssyncset.done @!p0 $0x0  }
0xaa: {  	[sflag:s0] =	ssyncadd.s32 @!p0 s1  }
0xab: {  	[bflag:$0x3] =	sbarrier.arrive $0xFFFF  }
0xac: {  	_ =	shalt  }

// kernel: kernel.20.cloned.1.call-start
scs
__scs_entry_jumppad:
0x0: {  	(pc) =	sbr.rel $0x88, $3  }
0x1: {  	(tag) =	ssettag $0x0;
	lr =	simm.s32 $0x1  }
0x2: {  	[smem:$0x3F9A] =	sst lr;
	_ =	strace $0xD0000000  }
0x3: {  	_ = 	snop  }
0x4: {  	_ = 	snop  }
0x5: {  	_ = 	snop  }
0x6: {  	_ = 	snop  }
0x7: {  	_ = 	snop  }
__scs_overlays_trampoline_lowered:
0x8: {  	[smem:$0x3FA9] =	sst s0  }
0x9: {  	[smem:$0x3FAA] =	sst s1  }
0xa: {  	[smem:$0x3FAB] =	sst s2  }
0xb: {  	[smem:$0x3FAC] =	sst s3  }
0xc: {  	[smem:$0x3FAD] =	sst s4  }
0xd: {  	[smem:$0x3FAE] =	sst s5  }
0xe: {  	[smem:$0x3FAF] =	sst s6  }
0xf: {  	[smem:$0x3FB0] =	sst s7  }
0x10: {  	[smem:$0x3FB1] =	sst s8  }
0x11: {  	[smem:$0x3FB2] =	sst s9;
	s0 =	simm.s32 @!p0 $0x0  }
0x12: {  	s1 =	sld [smem:$0x3F98];
	s0 =	simm.s32 @p0 $0x1  }
0x13: {  	[smem:$0x3FB3] =	sst s0;
	s0 =	simm.s32 @!p1 $0x0  }
0x14: {  	s2 =	sld [smem:$0x3F97];
	s0 =	simm.s32 @p1 $0x1  }
0x15: {  	[smem:$0x3FB4] =	sst s0;
	s0 =	simm.s32 @!p2 $0x0  }
0x16: {  	s3 =	sld [smem:$0x3FDB];
	s0 =	simm.s32 @p2 $0x1  }
0x17: {  	s4 =	simm.s32 $0x1BF5;
	[smem:$0x3FB6] =	sst s0  }
0x18: {  	s0 =	sld [smem:$0x3F99];
	_ =	swait.ge [sflag:s4], $0x0  }
0x19: {  	s7 =	sld [smem:$0x3F9A]  }
0x1a: {  	s8 =	sadd.s32 $0xFFFFE003, lr  }
0x1b: {  	s9 =	sadd.s32 $0xFFFFFEF7, lr;
	s5 =	simm.s32 $0xFFFFFFFF;
	p2 =	slt.u32 s8, $0xFFFFF086  }
0x1c: {  	p1 =	slt.u32 s9, $0xF7A;
	s5 =	simm.s32 @!p2 $0x0  }
0x1d: {  	s5 =	simm.s32 @p1 $0x1;
	p0 =	seq.s32 s7, s2  }
0x1e: {  	s7 =	smul.u32 @!p0 $0xF7A, s2;
	p2 =	seq.s32 @!p0 s5, $0x0  }
0x1f: {  	s9 =	smul.u32 $0xF7A, s1;
	s8 =	simm.s32 @!p0 $0x1BF5;
	p2 =	por !p2, p0  }
0x20: {  	[sflag:s8] =	ssyncset.s32 @!p0 $0xFFFFF086;
	s6 =	sadd.s32 @!p0 s3, s7;
	s7 =	simm.s32 @!p0 $0x108  }
0x21: {  	s3 =	sadd.s32 s3, s9;
	s6 =	sadd.s32 @!p0 $0x88, s6;
	s7 =	simm.s32 @p2 $0x1082  }
0x22: {  	[simem:s7], [sflag:s8] =	dma.local @!p0 [hbm:s6], $0xF7A  }
0x23: {  	s9 =	sor.u32 $0xD0000000, s2;
	s6 =	simm.s32 $0x108;
	_ =	swait.ge @!p0 [sflag:s8], $0x0  }
0x24: {  	s3 =	sadd.s32 $0x88, s3;
	s6 =	simm.s32 @!p1 $0x1082;
	[sflag:s4] =	ssyncset.s32 $0xFFFFF086  }
0x25: {  	[simem:s6], [sflag:s4] =	dma.local [hbm:s3], $0xF7A  }
0x26: {  	[smem:$0x3F9A] =	sst s1;
	(tag) =	ssettag s2;
	_ =	strace s9  }
0x27: {  	s1 =	sld [smem:$0x3FAA]  }
0x28: {  	s2 =	sld [smem:$0x3FAB]  }
0x29: {  	s4 =	sld [smem:$0x3FAD]  }
0x2a: {  	p0 =	seq.s32 s5, $0x0;
	s5 =	sld [smem:$0x3FAE]  }
0x2b: {  	s6 =	sld [smem:$0x3FAF]  }
0x2c: {  	s7 =	sld [smem:$0x3FB0]  }
0x2d: {  	s3 =	simm.s32 $0x108;
	s8 =	sld [smem:$0x3FB1]  }
0x2e: {  	s3 =	simm.s32 @!p0 $0x1082;
	s9 =	sld [smem:$0x3FB2]  }
0x2f: {  	lr =	sadd.s32 s0, s3;
	s0 =	sld [smem:$0x3FA9]  }
0x30: {  	s3 =	sld [smem:$0x3FAC]  }
0x31: {  	[smem:$0x3FB5] =	sst s10  }
0x32: {  	s10 =	sld [smem:$0x3FB3];
	_ =	sdelay $0x3  }
0x33: {  	p0 =	seq.s32 s10, $0x1;
	s10 =	sld [smem:$0x3FB5];
	_ =	sdelay $0x3  }
0x34: {  	[smem:$0x3FB5] =	sst s10  }
0x35: {  	s10 =	sld [smem:$0x3FB4];
	_ =	sdelay $0x3  }
0x36: {  	p1 =	seq.s32 s10, $0x1;
	s10 =	sld [smem:$0x3FB5];
	_ =	sdelay $0x3  }
0x37: {  	[smem:$0x3FB5] =	sst s10  }
0x38: {  	s10 =	sld [smem:$0x3FB6]  }
0x39: {  	_ = 	snop;
	(pc) =	sbr.ind lr, $3  }
0x3a: {  	_ = 	snop  }
0x3b: {  	_ = 	snop  }
0x3c: {  	p2 =	seq.s32 s10, $0x1;
	s10 =	sld [smem:$0x3FB5]  }
0x3d: {  	_ =	shalt  }
0x3e: {  	_ =	shalt  }
0x3f: {  	_ =	shalt  }
0x40: {  	_ =	shalt  }
0x41: {  	_ =	shalt  }
0x42: {  	_ =	shalt  }
0x43: {  	_ =	shalt  }
0x44: {  	_ =	shalt  }
0x45: {  	_ =	shalt  }
0x46: {  	_ =	shalt  }
0x47: {  	_ =	shalt  }
0x48: {  	_ =	shalt  }
0x49: {  	_ =	shalt  }
0x4a: {  	_ =	shalt  }
0x4b: {  	_ =	shalt  }
0x4c: {  	_ =	shalt  }
0x4d: {  	_ =	shalt  }
0x4e: {  	_ =	shalt  }
0x4f: {  	_ =	shalt  }
0x50: {  	_ =	shalt  }
0x51: {  	_ =	shalt  }
0x52: {  	_ =	shalt  }
0x53: {  	_ =	shalt  }
0x54: {  	_ =	shalt  }
0x55: {  	_ =	shalt  }
0x56: {  	_ =	shalt  }
0x57: {  	_ =	shalt  }
0x58: {  	_ =	shalt  }
0x59: {  	_ =	shalt  }
0x5a: {  	_ =	shalt  }
0x5b: {  	_ =	shalt  }
0x5c: {  	_ =	shalt  }
0x5d: {  	_ =	shalt  }
0x5e: {  	_ =	shalt  }
0x5f: {  	_ =	shalt  }
0x60: {  	_ =	shalt  }
0x61: {  	_ =	shalt  }
0x62: {  	_ =	shalt  }
0x63: {  	_ =	shalt  }
0x64: {  	_ =	shalt  }
0x65: {  	_ =	shalt  }
0x66: {  	_ =	shalt  }
0x67: {  	_ =	shalt  }
0x68: {  	_ =	shalt  }
0x69: {  	_ =	shalt  }
0x6a: {  	_ =	shalt  }
0x6b: {  	_ =	shalt  }
0x6c: {  	_ =	shalt  }
0x6d: {  	_ =	shalt  }
0x6e: {  	_ =	shalt  }
0x6f: {  	_ =	shalt  }
0x70: {  	_ =	shalt  }
0x71: {  	_ =	shalt  }
0x72: {  	_ =	shalt  }
0x73: {  	_ =	shalt  }
0x74: {  	_ =	shalt  }
0x75: {  	_ =	shalt  }
0x76: {  	_ =	shalt  }
0x77: {  	_ =	shalt  }
0x78: {  	_ =	shalt  }
0x79: {  	_ =	shalt  }
0x7a: {  	_ =	shalt  }
0x7b: {  	_ =	shalt  }
0x7c: {  	_ =	shalt  }
0x7d: {  	_ =	shalt  }
0x7e: {  	_ =	shalt  }
0x7f: {  	_ =	shalt  }
0x80: {  	_ =	shalt  }
0x81: {  	_ =	shalt  }
0x82: {  	_ =	shalt  }
0x83: {  	_ =	shalt  }
0x84: {  	_ =	shalt  }
0x85: {  	_ =	shalt  }
0x86: {  	_ =	shalt  }
0x87: {  	_ =	shalt  }
.Lfunc_end0:
.L_simem_size_0:
called_computation.3_lowered:
.L_overlay_start_0:
0x88: {  	s2 =	sld [smem:$0x3FD9]  }
0x89: {  	s3 =	sld [smem:$0x3FFE];
	_ =	sdelay $0x1  }
0x8a: {  	s1 =	srdreg.scid  }
0x8b: {  	s0 =	sand.u32 $0x1, s1  }
0x8c: {  	s17 =	sshll.u32 s0, $0xA;
	s2 =	sadd.s32 s3, s2  }
0x8d: {  	s2 =	sadd.s32 s2, s17  }
0x8e: {  	[smem:$0x3FC1] =	sst s2  }
0x8f: {  	_ = 	snop  }
0x90: {  	s2 =	sld [smem:$0x3FD0];
	(tm) =	ssettm $0x1  }
0x91: {  	s18 =	sld [smem:$0x3FFB];
	_ =	sdelay $0x3  }
0x92: {  	_ =	strace s18  }
0x93: {  	s3 =	sld [smem:$0x3FFC];
	_ =	sdelay $0x3  }
0x94: {  	_ =	strace s3  }
0x95: {  	s3 =	sld [smem:$0x3FFD];
	_ =	sdelay $0x3  }
0x96: {  	_ =	strace s3  }
0x97: {  	_ =	strace $0x8FFFFFFF  }
0x98: {  	s19 =	sld [smem:$0x3FDB];
	_ =	sdelay $0x1  }
0x99: {  	s4 =	simm.s32 $_scs_section_size  }
0x9a: {  	s5 =	simm.s32 $_size__tile_overlayer_lowered;
	s6 =	simm.s32 $_tile_overlayer_lowered  }
0x9b: {  	s22 =	simm.s32 $0x1BFF;
	s21 =	sshll.u32 s6, $0x1;
	s3 =	sadd.s32 s4, s19  }
0x9c: {  	s7 =	simm.s32 $0x0;
	s20 =	sshll.u32 s5, $0x1;
	s5 =	sadd.s32 s21, s3  }
0x9d: {  	[timem:s7], [sflag:s22] =	dma.local [hbm:s5], s20  }
0x9e: {  	_ =	swait.ge [sflag:s22], s20  }
0x9f: {  	s4 =	ssub.s32 $0x0, s20;
	[sflag:s22] =	ssyncset.done $0x0  }
0xa0: {  	[sflag:s22] =	ssyncadd.s32 s4;
	_ =	sdelay $0x1  }
0xa1: {  	s23 =	simm.s32 $0x1B8B  }
0xa2: {  	_ =	swait.ge [sflag:s23], $0x1  }
0xa3: {  	[sflag:s23] =	ssyncset.done $0x0  }
0xa4: {  	s25 =	simm.s32 $0x1B8E;
	s24 =	sld [smem:$0x3FFE];
	[sflag:s23] =	ssyncadd.s32 $0xFFFFFFFF  }
0xa5: {  	s26 =	simm.s32 $execute0_lowered;
	[smem:$0x3FD2] =	sst s25  }
0xa6: {  	s5 =	sshll.u32 s26, $0x1;
	_ =	strace $0x8000004F;
	[dreg:$0x1] =	wrdreg $0xFFFFFFFF  }
0xa7: {  	s28 =	simm.s32 $_size_execute0_lowered;
	s3 =	sadd.s32 s3, s5;
	[dreg:$0x0] =	wrdreg $0x0  }
0xa8: {  	s5 =	sshll.u32 s28, $0x1;
	[dreg:$0x2] =	wrdreg s3  }
0xa9: {  	[dreg:$0x3] =	wrdreg s5  }
0xaa: {  	[dreg:$0x4] =	wrdreg $0xC0  }
0xab: {  	_ =	task [dreg:s7], $0x5FFFF  }
0xac: {  	[dreg:$0x1] =	wrdreg $0xFFFFFFFF  }
0xad: {  	[dreg:$0x0] =	wrdreg $0x60  }
0xae: {  	[dreg:$0x2] =	wrdreg s24  }
0xaf: {  	[dreg:$0x3] =	wrdreg s2  }
0xb0: {  	[dreg:$0x4] =	wrdreg $0x69000  }
0xb1: {  	[dreg:$0x5] =	wrdreg $0x9  }
0xb2: {  	_ =	task.clear_ibuf [dreg:s7], $0x6FFFF;
	_ =	strace $0x9000004F  }
0xb3: {  	s29 =	simm.s32 $0x9;
	_ =	strace $0x80000051  }
0xb4: {  	_ =	swait.ge [sflag:s29], $0x1  }
0xb5: {  	[sflag:s29] =	ssyncadd.s32 $0xFFFFFFFF  }
0xb6: {  	_ =	strace $0x90000051  }
0xb7: {  	_ =	sfence  }
0xb8: {  	s30 =	sld [smem:$0x0];
	_ =	sdelay $0x2  }
0xb9: {  	s31 =	sshll.u32 s1, $0xD;
	s1 =	sshrl.u32 s1, $0x2  }
0xba: {  	s3 =	sand.u32 $0x4000, s31;
	s1 =	sadd.s32 s1, s30  }
0xbb: {  	s0 =	sor.u32 s3, s0;
	s1 =	sshll.u32 s1, $0x11  }
0xbc: {  	s0 =	sor.u32 s1, s0  }
0xbd: {  	s0 =	sadd.s32 $0x8F2B, s0  }
0xbe: {  	[sflag:s0] =	ssyncadd.remote.s32 $0x1  }
0xbf: {  	_ =	sfence.sel $0xFFFF  }
0xc0: {  	[dreg:$0x0] =	wrdreg $0xFFFFFFFF;
	(pc) =	sbr.abs _section_cstart, $3  }
0xc1: {  	[dreg:$0x1] =	wrdreg $0xFFFFFFFF  }
0xc2: {  	_ =	task.clear_ibuf [dreg:s7], $0x2FFFF;
	_ =	strace $0x9FFFFFFF  }
0xc3: {  	(tm) =	ssettm $0x7FFFFFFF  }
tec
execute0_lowered:
.L_overlay_start_1:
0x0: {  	(tag) =	ssettag $0x1  }
0x1: {  	s5 =	rddreg [dreg:$0x0]  }
0x2: {  	s20 =	rddreg [dreg:$0x1]  }
0x3: {  	s1 =	rddreg [dreg:$0x2];
	s2 =	simm.s32 $0x0;
	s6 =	srdreg.scid  }
0x4: {  	s0 =	stileid.u32;
	s28 =	simm.s32 $0x1;
	s29 =	simm.s32 $0x0  }
0x5: {  	[smem:$0x7FF] =	sst s2;
	s4 =	sadd.s32 $0x12600, s5;
	s6 =	sand.u32 $0x1, s6  }
0x6: {  	s21 =	sshll.u32 s0, $0xC;
	s8 =	smul.u32 $0x50000, s0;
	s19 =	sadd.s32 $0x3A600, s5  }
0x7: {  	s16 =	smul.u32 $0x14000, s0;
	_ =	strace $0x80000050;
	s7 =	ssub.s32 $0x2, s6  }
0x8: {  	s22 =	sadd.s32 s21, s5;
	s17 =	smul.u32 $0x140000, s6;
	s20 =	sadd.s32 s21, s20  }
0x9: {  	s23 =	sshrl.u32 s7, $0x1;
	s24 =	sshrl.u32 s8, $0x2;
	s12 =	sadd.s32 $0x4000, s16  }
0xa: {  	s14 =	sadd.s32 $0x8000, s16;
	s18 =	sadd.s32 $0xC000, s16;
	s7 =	ssub.s32 s7, s23  }
0xb: {  	s5 =	sadd.s32 s24, s1;
	s23 =	sshll.u32 s6, $0xB;
	s11 =	sadd.s32 s17, s16  }
0xc: {  	s13 =	sadd.s32 s17, s12;
	s12 =	sadd.s32 s12, s1;
	s15 =	sadd.s32 s17, s14  }
0xd: {  	s14 =	sadd.s32 s14, s1;
	s24 =	sadd.s32 s17, s18;
	s25 =	smax.u32 s7, $0x1  }
0xe: {  	s7 =	sadd.s32 $0x4000, s5;
	s8 =	sadd.s32 $0x8000, s5;
	s9 =	sadd.s32 $0xC000, s5  }
0xf: {  	s10 =	sadd.s32 $0x10000, s5;
	s11 =	sshrl.u32 s11, $0x3;
	s13 =	sshrl.u32 s13, $0x3  }
0x10: {  	s15 =	sshrl.u32 s15, $0x3;
	s26 =	sshrl.u32 s24, $0x3;
	s31 =	sadd.s32 s23, s22  }
0x11: {  	s20 =	sadd.s32 s23, s20;
	s22 =	simm.s32 $0x2900;
	s23 =	simm.s32 $0x2  }
0x12: {  	[dreg:$0x4] =	wrdreg s25;
	s11 =	sadd.s32 s19, s11;
	s13 =	sadd.s32 s19, s13  }
0x13: {  	s15 =	sadd.s32 s19, s15;
	s25 =	sadd.s32 $0x10000, s16;
	s16 =	sadd.s32 s18, s1  }
0x14: {  	s21 =	sadd.s32 $0x2600, s31;
	s30 =	sadd.s32 s17, s25;
	s17 =	sadd.s32 s19, s26  }
0x15: {  	s18 =	sadd.s32 s25, s1;
	s25 =	simm.s32 $0x50;
	s24 =	sshrl.u32 s30, $0x3  }
0x16: {  	v0 =	vimm.f32 $0.0e+00;
	s26 =	simm.s32 $0x100;
	s19 =	sadd.s32 s19, s24;
	s24 =	simm.s32 $0x80  }
.LBB2_1:
0x17: {  	s30 =	simm.s32 $0x0;
	s31 =	simm.s32 $0x200  }
.LBB2_2:
0x18: {  	p0 =	sne.s32 s31, $0xFE00;
	[tilespmem:s30+$0x2970] =	vst v0  }
0x19: {  	[tilespmem:s30+$0x2900] =	vst v0  }
0x1a: {  	[tilespmem:s30+$0x2910] =	vst v0  }
.Ltmp0:
0x1b: {  	[tilespmem:s30+$0x2920] =	vst v0;
	(pc) =	sbr.rel @p0 .LBB2_2-.Ltmp0, $4  }
0x1c: {  	[tilespmem:s30+$0x2930] =	vst v0  }
0x1d: {  	[tilespmem:s30+$0x2940] =	vst v0  }
0x1e: {  	[tilespmem:s30+$0x2950] =	vst v0  }
0x1f: {  	[tilespmem:s30+$0x2960] =	vst v0;
	s30 =	sshra.s32 s31, $0x2;
	s31 =	sadd.s32 $0x200, s31  }
0x20: {  	[tilespmem:s30+$0x2970] =	vst v0  }
0x21: {  	[tilespmem:s30+$0x2900] =	vst v0  }
0x22: {  	[tilespmem:s30+$0x2910] =	vst v0  }
0x23: {  	[tilespmem:s30+$0x2920] =	vst v0  }
0x24: {  	[tilespmem:s30+$0x2930] =	vst v0  }
0x25: {  	[tilespmem:s30+$0x2940] =	vst v0  }
0x26: {  	[tilespmem:s30+$0x2950] =	vst v0  }
0x27: {  	[tilespmem:s30+$0x2960] =	vst v0  }
0x28: {  	[spmem:s5] =	stream.linear.scatter [tilespmem:s22], [sflag:$0x2], $0x4000, $0x38;
	[tilespmem:$0x1A900] =	vst v63  }
0x29: {  	_ =	swait.ge [sflag:s23], $0x4000  }
0x2a: {  	[sflag:s23] =	ssyncset.done $0x0  }
0x2b: {  	[sflag:s23] =	ssyncadd.s32 $0xFFFFC000  }
0x2c: {  	[spmem:s7] =	stream.linear.scatter [tilespmem:s22], [sflag:$0x2], $0x4000, $0x38;
	[tilespmem:$0x1A900] =	vst v63  }
0x2d: {  	_ =	swait.ge [sflag:s23], $0x4000  }
0x2e: {  	[sflag:s23] =	ssyncset.done $0x0  }
0x2f: {  	[sflag:s23] =	ssyncadd.s32 $0xFFFFC000  }
0x30: {  	[spmem:s8] =	stream.linear.scatter [tilespmem:s22], [sflag:$0x2], $0x4000, $0x38;
	[tilespmem:$0x1A900] =	vst v63  }
0x31: {  	_ =	swait.ge [sflag:s23], $0x4000  }
0x32: {  	[sflag:s23] =	ssyncset.done $0x0  }
0x33: {  	[sflag:s23] =	ssyncadd.s32 $0xFFFFC000  }
0x34: {  	[spmem:s9] =	stream.linear.scatter [tilespmem:s22], [sflag:$0x2], $0x4000, $0x38;
	[tilespmem:$0x1A900] =	vst v63  }
0x35: {  	_ =	swait.ge [sflag:s23], $0x4000  }
0x36: {  	[sflag:s23] =	ssyncset.done $0x0  }
0x37: {  	[sflag:s23] =	ssyncadd.s32 $0xFFFFC000  }
0x38: {  	[spmem:s10] =	stream.linear.scatter [tilespmem:s22], [sflag:$0x2], $0x4000, $0x38;
	[tilespmem:$0x1A900] =	vst v63  }
0x39: {  	_ =	swait.ge [sflag:s23], $0x4000  }
0x3a: {  	[sflag:s23] =	ssyncset.done $0x0  }
0x3b: {  	[sflag:s23] =	ssyncadd.s32 $0xFFFFC000  }
0x3c: {  	s30 =	sadd.s32 $0x0, s20;
	[bflag:$0x0] =	sbarrier.arrive $0xFFFF  }
0x3d: {  	[tilespmem:s2], [sflag:$0x2] =	stream.linear.gather [hbm4b:s30+s2], $0x80, $0x38;
	[tilespmem:$0x1A900] =	vst v63  }
0x3e: {  	_ =	swait.ge [sflag:s23], $0x80  }
0x3f: {  	[sflag:s23] =	ssyncset.done $0x0  }
0x40: {  	s30 =	sadd.s32 $0x0, s21;
	[sflag:s23] =	ssyncadd.s32 $0xFFFFFF80  }
0x41: {  	[tilespmem:s24], [sflag:$0x2] =	stream.linear.gather [hbm4b:s30+s2], $0x80, $0x38;
	[tilespmem:$0x1A900] =	vst v63  }
0x42: {  	_ =	swait.ge [sflag:s23], $0x80  }
0x43: {  	[sflag:s23] =	ssyncset.done $0x0  }
0x44: {  	[sflag:s23] =	ssyncadd.s32 $0xFFFFFF80  }
0x45: {  	[tilespmem:s26], [sflag:$0x1] =	stream.indirect.gather [hbm4b:s4+s25], $0x80, s2, s25, $0xb8;
	[tilespmem:$0x1A900] =	vst v63  }
0x46: {  	_ =	swait.ge [sflag:s28], $0x2800  }
0x47: {  	[sflag:s28] =	ssyncset.done $0x0  }
0x48: {  	[sflag:s28] =	ssyncadd.s32 $0xFFFFD800  }
0x49: {  	[spmem:s1] =	stream.indirect.scatter.add.f32 [tilespmem:s26], [sflag:$0x2], $0x80, s24, s25, $0xb8;
	[tilespmem:$0x1A900] =	vst v63  }
0x4a: {  	_ =	swait.ge [sflag:s23], $0x2800  }
0x4b: {  	s31 =	simm.s32 $0x20;
	s30 =	simm.s32 $0x10;
	[sflag:s23] =	ssyncset.done $0x0  }
.LBB2_4:
0x4c: {  	s0 =	sadd.s32 s30, s20  }
0x4d: {  	[sflag:s23] =	ssyncadd.s32 $0xFFFFD800;
	s3 =	smov.u32 s31;
	s6 =	sadd.s32 $0x10, s31  }
0x4e: {  	[tilespmem:s2], [sflag:$0x2] =	stream.linear.gather [hbm4b:s0+s2], $0x80, $0x38;
	[tilespmem:$0x1A900] =	vst v63  }
0x4f: {  	p0 =	sne.s32 s31, $0x7C0;
	_ =	swait.ge [sflag:s23], $0x80  }
0x50: {  	[sflag:s23] =	ssyncset.done $0x0  }
0x51: {  	s0 =	sadd.s32 s30, s21;
	s30 =	smov.u32 s3;
	[sflag:s23] =	ssyncadd.s32 $0xFFFFFF80  }
0x52: {  	[tilespmem:s24], [sflag:$0x2] =	stream.linear.gather [hbm4b:s0+s2], $0x80, $0x38;
	[tilespmem:$0x1A900] =	vst v63  }
0x53: {  	_ =	swait.ge [sflag:s23], $0x80  }
0x54: {  	[sflag:s23] =	ssyncset.done $0x0  }
0x55: {  	[sflag:s23] =	ssyncadd.s32 $0xFFFFFF80  }
0x56: {  	[tilespmem:s26], [sflag:$0x1] =	stream.indirect.gather [hbm4b:s4+s25], $0x80, s2, s25, $0xb8;
	[tilespmem:$0x1A900] =	vst v63  }
0x57: {  	_ =	swait.ge [sflag:s28], $0x2800  }
.Ltmp1:
0x58: {  	[sflag:s28] =	ssyncset.done $0x0;
	(pc) =	sbr.rel @p0 .LBB2_4-.Ltmp1, $4  }
0x59: {  	[sflag:s28] =	ssyncadd.s32 $0xFFFFD800  }
0x5a: {  	[spmem:s1] =	stream.indirect.scatter.add.f32 [tilespmem:s26], [sflag:$0x2], $0x80, s24, s25, $0xb8;
	[tilespmem:$0x1A900] =	vst v63  }
0x5b: {  	_ =	swait.ge [sflag:s23], $0x2800  }
0x5c: {  	s31 =	smov.u32 s6;
	[sflag:s23] =	ssyncset.done $0x0  }
0x5d: {  	s0 =	sadd.s32 s30, s20;
	[sflag:s23] =	ssyncadd.s32 $0xFFFFD800  }
0x5e: {  	[tilespmem:s2], [sflag:$0x2] =	stream.linear.gather [hbm4b:s0+s2], $0x80, $0x38;
	[tilespmem:$0x1A900] =	vst v63  }
0x5f: {  	_ =	swait.ge [sflag:s23], $0x80  }
0x60: {  	[sflag:s23] =	ssyncset.done $0x0  }
0x61: {  	s30 =	sadd.s32 s30, s21;
	[sflag:s23] =	ssyncadd.s32 $0xFFFFFF80  }
0x62: {  	[tilespmem:s24], [sflag:$0x2] =	stream.linear.gather [hbm4b:s30+s2], $0x80, $0x38;
	[tilespmem:$0x1A900] =	vst v63  }
0x63: {  	_ =	swait.ge [sflag:s23], $0x80  }
0x64: {  	[sflag:s23] =	ssyncset.done $0x0  }
0x65: {  	[sflag:s23] =	ssyncadd.s32 $0xFFFFFF80  }
0x66: {  	[tilespmem:s26], [sflag:$0x1] =	stream.indirect.gather [hbm4b:s4+s25], $0x80, s2, s25, $0xb8;
	[tilespmem:$0x1A900] =	vst v63  }
0x67: {  	_ =	swait.ge [sflag:s28], $0x2800  }
0x68: {  	[sflag:s28] =	ssyncset.done $0x0  }
0x69: {  	[sflag:s28] =	ssyncadd.s32 $0xFFFFD800  }
0x6a: {  	[spmem:s1] =	stream.indirect.scatter.add.f32 [tilespmem:s26], [sflag:$0x2], $0x80, s24, s25, $0xb8;
	[tilespmem:$0x1A900] =	vst v63  }
0x6b: {  	_ =	swait.ge [sflag:s23], $0x2800  }
0x6c: {  	[sflag:s23] =	ssyncset.done $0x0  }
0x6d: {  	[sflag:s23] =	ssyncadd.s32 $0xFFFFD800  }
0x6e: {  	[bflag:$0x0] =	sbarrier.arrive $0xFFFF  }
0x6f: {  	[tilespmem:s22], [sflag:$0x2] =	stream.linear.gather [spmem:s5], $0x4000, $0x38;
	[tilespmem:$0x1A900] =	vst v63  }
0x70: {  	_ =	swait.ge [sflag:s23], $0x4000  }
0x71: {  	[sflag:s23] =	ssyncset.done $0x0  }
0x72: {  	[sflag:s23] =	ssyncadd.s32 $0xFFFFC000  }
0x73: {  	[hbm4b:s11+s2] =	stream.linear.scatter [tilespmem:s22], [sflag:$0x2], $0x4000, $0x38;
	[tilespmem:$0x1A900] =	vst v63  }
0x74: {  	_ =	swait.ge [sflag:s23], $0x4000  }
0x75: {  	[sflag:s23] =	ssyncset.done $0x0  }
0x76: {  	[sflag:s23] =	ssyncadd.s32 $0xFFFFC000  }
0x77: {  	[tilespmem:s22], [sflag:$0x2] =	stream.linear.gather [spmem:s12], $0x4000, $0x38;
	[tilespmem:$0x1A900] =	vst v63  }
0x78: {  	_ =	swait.ge [sflag:s23], $0x4000  }
0x79: {  	[sflag:s23] =	ssyncset.done $0x0  }
0x7a: {  	[sflag:s23] =	ssyncadd.s32 $0xFFFFC000  }
0x7b: {  	[hbm4b:s13+s2] =	stream.linear.scatter [tilespmem:s22], [sflag:$0x2], $0x4000, $0x38;
	[tilespmem:$0x1A900] =	vst v63  }
0x7c: {  	_ =	swait.ge [sflag:s23], $0x4000  }
0x7d: {  	[sflag:s23] =	ssyncset.done $0x0  }
0x7e: {  	[sflag:s23] =	ssyncadd.s32 $0xFFFFC000  }
0x7f: {  	[tilespmem:s22], [sflag:$0x2] =	stream.linear.gather [spmem:s14], $0x4000, $0x38;
	[tilespmem:$0x1A900] =	vst v63  }
0x80: {  	_ =	swait.ge [sflag:s23], $0x4000  }
0x81: {  	[sflag:s23] =	ssyncset.done $0x0  }
0x82: {  	[sflag:s23] =	ssyncadd.s32 $0xFFFFC000  }
0x83: {  	[hbm4b:s15+s2] =	stream.linear.scatter [tilespmem:s22], [sflag:$0x2], $0x4000, $0x38;
	[tilespmem:$0x1A900] =	vst v63  }
0x84: {  	_ =	swait.ge [sflag:s23], $0x4000  }
0x85: {  	[sflag:s23] =	ssyncset.done $0x0  }
0x86: {  	[sflag:s23] =	ssyncadd.s32 $0xFFFFC000  }
0x87: {  	[tilespmem:s22], [sflag:$0x2] =	stream.linear.gather [spmem:s16], $0x4000, $0x38;
	[tilespmem:$0x1A900] =	vst v63  }
0x88: {  	_ =	swait.ge [sflag:s23], $0x4000  }
0x89: {  	[sflag:s23] =	ssyncset.done $0x0  }
0x8a: {  	[sflag:s23] =	ssyncadd.s32 $0xFFFFC000  }
0x8b: {  	[hbm4b:s17+s2] =	stream.linear.scatter [tilespmem:s22], [sflag:$0x2], $0x4000, $0x38;
	[tilespmem:$0x1A900] =	vst v63  }
0x8c: {  	_ =	swait.ge [sflag:s23], $0x4000  }
0x8d: {  	[sflag:s23] =	ssyncset.done $0x0  }
0x8e: {  	[sflag:s23] =	ssyncadd.s32 $0xFFFFC000  }
0x8f: {  	[tilespmem:s22], [sflag:$0x2] =	stream.linear.gather [spmem:s18], $0x4000, $0x38;
	[tilespmem:$0x1A900] =	vst v63  }
0x90: {  	_ =	swait.ge [sflag:s23], $0x4000  }
0x91: {  	[sflag:s23] =	ssyncset.done $0x0  }
0x92: {  	[sflag:s23] =	ssyncadd.s32 $0xFFFFC000  }
0x93: {  	[hbm4b:s19+s2] =	stream.linear.scatter [tilespmem:s22], [sflag:$0x2], $0x4000, $0x38;
	[tilespmem:$0x1A900] =	vst v63  }
0x94: {  	_ =	swait.ge [sflag:s23], $0x4000  }
0x95: {  	s29 =	sadd.s32 $0x1, s29;
	s31 =	rddreg [dreg:$0x4]  }
0x96: {  	p0 =	sne.s32 s29, s31  }
.Ltmp2:
0x97: {  	_ = 	snop;
	(pc) =	sbr.rel @p0 .LBB2_1-.Ltmp2, $3  }
0x98: {  	_ =	sdelay $0x1  }
0x99: {  	[sflag:s23] =	ssyncset.done $0x0  }
0x9a: {  	[sflag:s23] =	ssyncadd.s32 $0xFFFFC000  }
0x9b: {  	_ =	sfence.sel $0x180000  }
0x9c: {  	[bflag:$0x0] =	sbarrier.arrive $0xFFFF  }
0x9d: {  	_ =	strace $0x90000050  }
0x9e: {  	s0 =	stileid.u32;
	[bflag:$0x2] =	sbarrier.arrive $0xFFFF  }
0x9f: {  	p0 =	sne.s32 s0, $0x0;
	s0 =	rddreg [dreg:$0x3]  }
0xa0: {  	s0 =	sadd.s32 @!p0 $0x100000, s0  }
0xa1: {  	[sflag:s0] =	ssyncadd.tile.s32 @!p0 $0x1;
	_ =	shalt  }
.Lfunc_end2:
_tile_overlayer_lowered:
.L_overlay_start_2:
0xa2: {  	(tag) =	ssettag $0x2  }
0xa3: {  	s0 =	rddreg [dreg:$0x0];
	s2 =	stileid.u32  }
0xa4: {  	s1 =	rddreg [dreg:$0x1];
	p0 =	sne.s32 s2, $0x0  }
0xa5: {  	s3 =	rddreg [dreg:$0x2];
	[bflag:$0x3] =	sbarrier.arrive $0xFFFF;
	s2 =	simm.s32 @!p0 $0x1C02  }
0xa6: {  	[timem:s3], [sflag:s2] =	dma.local @!p0 [hbm:s0], s1  }
0xa7: {  	s0 =	simm.s32 @!p0 $0x2  }
0xa8: {  	_ =	swait.ge @!p0 [sflag:s0], s1  }
0xa9: {  	s1 =	ssub.s32 @!p0 $0x0, s1;
	[sflag:s0] =	ssyncset.done @!p0 $0x0  }
0xaa: {  	[sflag:s0] =	ssyncadd.s32 @!p0 s1  }
0xab: {  	[bflag:$0x3] =	sbarrier.arrive $0xFFFF  }
0xac: {  	_ =	shalt  }

// kernel: kernel.23.cloned.1.call-start
scs
__scs_entry_jumppad:
0x0: {  	(pc) =	sbr.rel $0x88, $3  }
0x1: {  	(tag) =	ssettag $0x0;
	lr =	simm.s32 $0x1  }
0x2: {  	[smem:$0x3F9A] =	sst lr;
	_ =	strace $0xD0000000  }
0x3: {  	_ = 	snop  }
0x4: {  	_ = 	snop  }
0x5: {  	_ = 	snop  }
0x6: {  	_ = 	snop  }
0x7: {  	_ = 	snop  }
__scs_overlays_trampoline_lowered:
0x8: {  	[smem:$0x3FA9] =	sst s0  }
0x9: {  	[smem:$0x3FAA] =	sst s1  }
0xa: {  	[smem:$0x3FAB] =	sst s2  }
0xb: {  	[smem:$0x3FAC] =	sst s3  }
0xc: {  	[smem:$0x3FAD] =	sst s4  }
0xd: {  	[smem:$0x3FAE] =	sst s5  }
0xe: {  	[smem:$0x3FAF] =	sst s6  }
0xf: {  	[smem:$0x3FB0] =	sst s7  }
0x10: {  	[smem:$0x3FB1] =	sst s8  }
0x11: {  	[smem:$0x3FB2] =	sst s9;
	s0 =	simm.s32 @!p0 $0x0  }
0x12: {  	s1 =	sld [smem:$0x3F98];
	s0 =	simm.s32 @p0 $0x1  }
0x13: {  	[smem:$0x3FB3] =	sst s0;
	s0 =	simm.s32 @!p1 $0x0  }
0x14: {  	s2 =	sld [smem:$0x3F97];
	s0 =	simm.s32 @p1 $0x1  }
0x15: {  	[smem:$0x3FB4] =	sst s0;
	s0 =	simm.s32 @!p2 $0x0  }
0x16: {  	s3 =	sld [smem:$0x3FDB];
	s0 =	simm.s32 @p2 $0x1  }
0x17: {  	s4 =	simm.s32 $0x1BF5;
	[smem:$0x3FB6] =	sst s0  }
0x18: {  	s0 =	sld [smem:$0x3F99];
	_ =	swait.ge [sflag:s4], $0x0  }
0x19: {  	s7 =	sld [smem:$0x3F9A]  }
0x1a: {  	s8 =	sadd.s32 $0xFFFFE003, lr  }
0x1b: {  	s9 =	sadd.s32 $0xFFFFFEF7, lr;
	s5 =	simm.s32 $0xFFFFFFFF;
	p2 =	slt.u32 s8, $0xFFFFF086  }
0x1c: {  	p1 =	slt.u32 s9, $0xF7A;
	s5 =	simm.s32 @!p2 $0x0  }
0x1d: {  	s5 =	simm.s32 @p1 $0x1;
	p0 =	seq.s32 s7, s2  }
0x1e: {  	s7 =	smul.u32 @!p0 $0xF7A, s2;
	p2 =	seq.s32 @!p0 s5, $0x0  }
0x1f: {  	s9 =	smul.u32 $0xF7A, s1;
	s8 =	simm.s32 @!p0 $0x1BF5;
	p2 =	por !p2, p0  }
0x20: {  	[sflag:s8] =	ssyncset.s32 @!p0 $0xFFFFF086;
	s6 =	sadd.s32 @!p0 s3, s7;
	s7 =	simm.s32 @!p0 $0x108  }
0x21: {  	s3 =	sadd.s32 s3, s9;
	s6 =	sadd.s32 @!p0 $0x88, s6;
	s7 =	simm.s32 @p2 $0x1082  }
0x22: {  	[simem:s7], [sflag:s8] =	dma.local @!p0 [hbm:s6], $0xF7A  }
0x23: {  	s9 =	sor.u32 $0xD0000000, s2;
	s6 =	simm.s32 $0x108;
	_ =	swait.ge @!p0 [sflag:s8], $0x0  }
0x24: {  	s3 =	sadd.s32 $0x88, s3;
	s6 =	simm.s32 @!p1 $0x1082;
	[sflag:s4] =	ssyncset.s32 $0xFFFFF086  }
0x25: {  	[simem:s6], [sflag:s4] =	dma.local [hbm:s3], $0xF7A  }
0x26: {  	[smem:$0x3F9A] =	sst s1;
	(tag) =	ssettag s2;
	_ =	strace s9  }
0x27: {  	s1 =	sld [smem:$0x3FAA]  }
0x28: {  	s2 =	sld [smem:$0x3FAB]  }
0x29: {  	s4 =	sld [smem:$0x3FAD]  }
0x2a: {  	p0 =	seq.s32 s5, $0x0;
	s5 =	sld [smem:$0x3FAE]  }
0x2b: {  	s6 =	sld [smem:$0x3FAF]  }
0x2c: {  	s7 =	sld [smem:$0x3FB0]  }
0x2d: {  	s3 =	simm.s32 $0x108;
	s8 =	sld [smem:$0x3FB1]  }
0x2e: {  	s3 =	simm.s32 @!p0 $0x1082;
	s9 =	sld [smem:$0x3FB2]  }
0x2f: {  	lr =	sadd.s32 s0, s3;
	s0 =	sld [smem:$0x3FA9]  }
0x30: {  	s3 =	sld [smem:$0x3FAC]  }
0x31: {  	[smem:$0x3FB5] =	sst s10  }
0x32: {  	s10 =	sld [smem:$0x3FB3];
	_ =	sdelay $0x3  }
0x33: {  	p0 =	seq.s32 s10, $0x1;
	s10 =	sld [smem:$0x3FB5];
	_ =	sdelay $0x3  }
0x34: {  	[smem:$0x3FB5] =	sst s10  }
0x35: {  	s10 =	sld [smem:$0x3FB4];
	_ =	sdelay $0x3  }
0x36: {  	p1 =	seq.s32 s10, $0x1;
	s10 =	sld [smem:$0x3FB5];
	_ =	sdelay $0x3  }
0x37: {  	[smem:$0x3FB5] =	sst s10  }
0x38: {  	s10 =	sld [smem:$0x3FB6]  }
0x39: {  	_ = 	snop;
	(pc) =	sbr.ind lr, $3  }
0x3a: {  	_ = 	snop  }
0x3b: {  	_ = 	snop  }
0x3c: {  	p2 =	seq.s32 s10, $0x1;
	s10 =	sld [smem:$0x3FB5]  }
0x3d: {  	_ =	shalt  }
0x3e: {  	_ =	shalt  }
0x3f: {  	_ =	shalt  }
0x40: {  	_ =	shalt  }
0x41: {  	_ =	shalt  }
0x42: {  	_ =	shalt  }
0x43: {  	_ =	shalt  }
0x44: {  	_ =	shalt  }
0x45: {  	_ =	shalt  }
0x46: {  	_ =	shalt  }
0x47: {  	_ =	shalt  }
0x48: {  	_ =	shalt  }
0x49: {  	_ =	shalt  }
0x4a: {  	_ =	shalt  }
0x4b: {  	_ =	shalt  }
0x4c: {  	_ =	shalt  }
0x4d: {  	_ =	shalt  }
0x4e: {  	_ =	shalt  }
0x4f: {  	_ =	shalt  }
0x50: {  	_ =	shalt  }
0x51: {  	_ =	shalt  }
0x52: {  	_ =	shalt  }
0x53: {  	_ =	shalt  }
0x54: {  	_ =	shalt  }
0x55: {  	_ =	shalt  }
0x56: {  	_ =	shalt  }
0x57: {  	_ =	shalt  }
0x58: {  	_ =	shalt  }
0x59: {  	_ =	shalt  }
0x5a: {  	_ =	shalt  }
0x5b: {  	_ =	shalt  }
0x5c: {  	_ =	shalt  }
0x5d: {  	_ =	shalt  }
0x5e: {  	_ =	shalt  }
0x5f: {  	_ =	shalt  }
0x60: {  	_ =	shalt  }
0x61: {  	_ =	shalt  }
0x62: {  	_ =	shalt  }
0x63: {  	_ =	shalt  }
0x64: {  	_ =	shalt  }
0x65: {  	_ =	shalt  }
0x66: {  	_ =	shalt  }
0x67: {  	_ =	shalt  }
0x68: {  	_ =	shalt  }
0x69: {  	_ =	shalt  }
0x6a: {  	_ =	shalt  }
0x6b: {  	_ =	shalt  }
0x6c: {  	_ =	shalt  }
0x6d: {  	_ =	shalt  }
0x6e: {  	_ =	shalt  }
0x6f: {  	_ =	shalt  }
0x70: {  	_ =	shalt  }
0x71: {  	_ =	shalt  }
0x72: {  	_ =	shalt  }
0x73: {  	_ =	shalt  }
0x74: {  	_ =	shalt  }
0x75: {  	_ =	shalt  }
0x76: {  	_ =	shalt  }
0x77: {  	_ =	shalt  }
0x78: {  	_ =	shalt  }
0x79: {  	_ =	shalt  }
0x7a: {  	_ =	shalt  }
0x7b: {  	_ =	shalt  }
0x7c: {  	_ =	shalt  }
0x7d: {  	_ =	shalt  }
0x7e: {  	_ =	shalt  }
0x7f: {  	_ =	shalt  }
0x80: {  	_ =	shalt  }
0x81: {  	_ =	shalt  }
0x82: {  	_ =	shalt  }
0x83: {  	_ =	shalt  }
0x84: {  	_ =	shalt  }
0x85: {  	_ =	shalt  }
0x86: {  	_ =	shalt  }
0x87: {  	_ =	shalt  }
.Lfunc_end0:
.L_simem_size_0:
called_computation.4_lowered:
.L_overlay_start_0:
0x88: {  	s2 =	sld [smem:$0x3FD9]  }
0x89: {  	s3 =	sld [smem:$0x3FFE];
	_ =	sdelay $0x1  }
0x8a: {  	s1 =	srdreg.scid  }
0x8b: {  	s0 =	sand.u32 $0x1, s1  }
0x8c: {  	s17 =	sshll.u32 s0, $0xA;
	s2 =	sadd.s32 s3, s2  }
0x8d: {  	s2 =	sadd.s32 s2, s17  }
0x8e: {  	[smem:$0x3FC1] =	sst s2  }
0x8f: {  	_ = 	snop  }
0x90: {  	s2 =	sld [smem:$0x3FD0];
	(tm) =	ssettm $0x1  }
0x91: {  	s18 =	sld [smem:$0x3FFB];
	_ =	sdelay $0x3  }
0x92: {  	_ =	strace s18  }
0x93: {  	s3 =	sld [smem:$0x3FFC];
	_ =	sdelay $0x3  }
0x94: {  	_ =	strace s3  }
0x95: {  	s3 =	sld [smem:$0x3FFD];
	_ =	sdelay $0x3  }
0x96: {  	_ =	strace s3  }
0x97: {  	_ =	strace $0x8FFFFFFF  }
0x98: {  	s19 =	sld [smem:$0x3FDB];
	_ =	sdelay $0x1  }
0x99: {  	s4 =	simm.s32 $_scs_section_size  }
0x9a: {  	s5 =	simm.s32 $_size__tile_overlayer_lowered;
	s6 =	simm.s32 $_tile_overlayer_lowered  }
0x9b: {  	s22 =	simm.s32 $0x1BFF;
	s21 =	sshll.u32 s6, $0x1;
	s3 =	sadd.s32 s4, s19  }
0x9c: {  	s7 =	simm.s32 $0x0;
	s20 =	sshll.u32 s5, $0x1;
	s5 =	sadd.s32 s21, s3  }
0x9d: {  	[timem:s7], [sflag:s22] =	dma.local [hbm:s5], s20  }
0x9e: {  	_ =	swait.ge [sflag:s22], s20  }
0x9f: {  	s4 =	ssub.s32 $0x0, s20;
	[sflag:s22] =	ssyncset.done $0x0  }
0xa0: {  	[sflag:s22] =	ssyncadd.s32 s4;
	_ =	sdelay $0x1  }
0xa1: {  	s23 =	simm.s32 $0x1B8B  }
0xa2: {  	_ =	swait.ge [sflag:s23], $0x1  }
0xa3: {  	[sflag:s23] =	ssyncset.done $0x0  }
0xa4: {  	s25 =	simm.s32 $0x1B8E;
	s24 =	sld [smem:$0x3FFE];
	[sflag:s23] =	ssyncadd.s32 $0xFFFFFFFF  }
0xa5: {  	s26 =	simm.s32 $execute0_lowered;
	[smem:$0x3FD2] =	sst s25  }
0xa6: {  	s5 =	sshll.u32 s26, $0x1;
	_ =	strace $0x80000052;
	[dreg:$0x1] =	wrdreg $0xFFFFFFFF  }
0xa7: {  	s28 =	simm.s32 $_size_execute0_lowered;
	s3 =	sadd.s32 s3, s5;
	[dreg:$0x0] =	wrdreg $0x0  }
0xa8: {  	s5 =	sshll.u32 s28, $0x1;
	[dreg:$0x2] =	wrdreg s3  }
0xa9: {  	[dreg:$0x3] =	wrdreg s5  }
0xaa: {  	[dreg:$0x4] =	wrdreg $0xC0  }
0xab: {  	_ =	task [dreg:s7], $0x5FFFF  }
0xac: {  	[dreg:$0x1] =	wrdreg $0xFFFFFFFF  }
0xad: {  	[dreg:$0x0] =	wrdreg $0x60  }
0xae: {  	[dreg:$0x2] =	wrdreg s24  }
0xaf: {  	[dreg:$0x3] =	wrdreg s2  }
0xb0: {  	[dreg:$0x4] =	wrdreg $0x69000  }
0xb1: {  	[dreg:$0x5] =	wrdreg $0x9  }
0xb2: {  	_ =	task.clear_ibuf [dreg:s7], $0x6FFFF;
	_ =	strace $0x90000052  }
0xb3: {  	s29 =	simm.s32 $0x9;
	_ =	strace $0x80000054  }
0xb4: {  	_ =	swait.ge [sflag:s29], $0x1  }
0xb5: {  	[sflag:s29] =	ssyncadd.s32 $0xFFFFFFFF  }
0xb6: {  	_ =	strace $0x90000054  }
0xb7: {  	_ =	sfence  }
0xb8: {  	s30 =	sld [smem:$0x0];
	_ =	sdelay $0x2  }
0xb9: {  	s31 =	sshll.u32 s1, $0xD;
	s1 =	sshrl.u32 s1, $0x2  }
0xba: {  	s3 =	sand.u32 $0x4000, s31;
	s1 =	sadd.s32 s1, s30  }
0xbb: {  	s0 =	sor.u32 s3, s0;
	s1 =	sshll.u32 s1, $0x11  }
0xbc: {  	s0 =	sor.u32 s1, s0  }
0xbd: {  	s0 =	sadd.s32 $0x8F2B, s0  }
0xbe: {  	[sflag:s0] =	ssyncadd.remote.s32 $0x1  }
0xbf: {  	_ =	sfence.sel $0xFFFF  }
0xc0: {  	[dreg:$0x0] =	wrdreg $0xFFFFFFFF;
	(pc) =	sbr.abs _section_cstart, $3  }
0xc1: {  	[dreg:$0x1] =	wrdreg $0xFFFFFFFF  }
0xc2: {  	_ =	task.clear_ibuf [dreg:s7], $0x2FFFF;
	_ =	strace $0x9FFFFFFF  }
0xc3: {  	(tm) =	ssettm $0x7FFFFFFF  }
tec
execute0_lowered:
.L_overlay_start_1:
0x0: {  	(tag) =	ssettag $0x1  }
0x1: {  	s5 =	rddreg [dreg:$0x0]  }
0x2: {  	s20 =	rddreg [dreg:$0x1]  }
0x3: {  	s1 =	rddreg [dreg:$0x2];
	s2 =	simm.s32 $0x0;
	s6 =	srdreg.scid  }
0x4: {  	s0 =	stileid.u32;
	s28 =	simm.s32 $0x1;
	s29 =	simm.s32 $0x0  }
0x5: {  	[smem:$0x7FF] =	sst s2;
	s4 =	sadd.s32 $0x12600, s5;
	s6 =	sand.u32 $0x1, s6  }
0x6: {  	s21 =	sshll.u32 s0, $0xC;
	s8 =	smul.u32 $0x50000, s0;
	s19 =	sadd.s32 $0x3A600, s5  }
0x7: {  	s16 =	smul.u32 $0x14000, s0;
	_ =	strace $0x80000053;
	s7 =	ssub.s32 $0x2, s6  }
0x8: {  	s22 =	sadd.s32 s21, s5;
	s17 =	smul.u32 $0x140000, s6;
	s20 =	sadd.s32 s21, s20  }
0x9: {  	s23 =	sshrl.u32 s7, $0x1;
	s24 =	sshrl.u32 s8, $0x2;
	s12 =	sadd.s32 $0x4000, s16  }
0xa: {  	s14 =	sadd.s32 $0x8000, s16;
	s18 =	sadd.s32 $0xC000, s16;
	s7 =	ssub.s32 s7, s23  }
0xb: {  	s5 =	sadd.s32 s24, s1;
	s23 =	sshll.u32 s6, $0xB;
	s11 =	sadd.s32 s17, s16  }
0xc: {  	s13 =	sadd.s32 s17, s12;
	s12 =	sadd.s32 s12, s1;
	s15 =	sadd.s32 s17, s14  }
0xd: {  	s14 =	sadd.s32 s14, s1;
	s24 =	sadd.s32 s17, s18;
	s25 =	smax.u32 s7, $0x1  }
0xe: {  	s7 =	sadd.s32 $0x4000, s5;
	s8 =	sadd.s32 $0x8000, s5;
	s9 =	sadd.s32 $0xC000, s5  }
0xf: {  	s10 =	sadd.s32 $0x10000, s5;
	s11 =	sshrl.u32 s11, $0x3;
	s13 =	sshrl.u32 s13, $0x3  }
0x10: {  	s15 =	sshrl.u32 s15, $0x3;
	s26 =	sshrl.u32 s24, $0x3;
	s31 =	sadd.s32 s23, s22  }
0x11: {  	s20 =	sadd.s32 s23, s20;
	s22 =	simm.s32 $0x2900;
	s23 =	simm.s32 $0x2  }
0x12: {  	[dreg:$0x4] =	wrdreg s25;
	s11 =	sadd.s32 s19, s11;
	s13 =	sadd.s32 s19, s13  }
0x13: {  	s15 =	sadd.s32 s19, s15;
	s25 =	sadd.s32 $0x10000, s16;
	s16 =	sadd.s32 s18, s1  }
0x14: {  	s21 =	sadd.s32 $0x2600, s31;
	s30 =	sadd.s32 s17, s25;
	s17 =	sadd.s32 s19, s26  }
0x15: {  	s18 =	sadd.s32 s25, s1;
	s25 =	simm.s32 $0x50;
	s24 =	sshrl.u32 s30, $0x3  }
0x16: {  	v0 =	vimm.f32 $0.0e+00;
	s26 =	simm.s32 $0x100;
	s19 =	sadd.s32 s19, s24;
	s24 =	simm.s32 $0x80  }
.LBB2_1:
0x17: {  	s30 =	simm.s32 $0x0;
	s31 =	simm.s32 $0x200  }
.LBB2_2:
0x18: {  	p0 =	sne.s32 s31, $0xFE00;
	[tilespmem:s30+$0x2970] =	vst v0  }
0x19: {  	[tilespmem:s30+$0x2900] =	vst v0  }
0x1a: {  	[tilespmem:s30+$0x2910] =	vst v0  }
.Ltmp0:
0x1b: {  	[tilespmem:s30+$0x2920] =	vst v0;
	(pc) =	sbr.rel @p0 .LBB2_2-.Ltmp0, $4  }
0x1c: {  	[tilespmem:s30+$0x2930] =	vst v0  }
0x1d: {  	[tilespmem:s30+$0x2940] =	vst v0  }
0x1e: {  	[tilespmem:s30+$0x2950] =	vst v0  }
0x1f: {  	[tilespmem:s30+$0x2960] =	vst v0;
	s30 =	sshra.s32 s31, $0x2;
	s31 =	sadd.s32 $0x200, s31  }
0x20: {  	[tilespmem:s30+$0x2970] =	vst v0  }
0x21: {  	[tilespmem:s30+$0x2900] =	vst v0  }
0x22: {  	[tilespmem:s30+$0x2910] =	vst v0  }
0x23: {  	[tilespmem:s30+$0x2920] =	vst v0  }
0x24: {  	[tilespmem:s30+$0x2930] =	vst v0  }
0x25: {  	[tilespmem:s30+$0x2940] =	vst v0  }
0x26: {  	[tilespmem:s30+$0x2950] =	vst v0  }
0x27: {  	[tilespmem:s30+$0x2960] =	vst v0  }
0x28: {  	[spmem:s5] =	stream.linear.scatter [tilespmem:s22], [sflag:$0x2], $0x4000, $0x38;
	[tilespmem:$0x1A900] =	vst v63  }
0x29: {  	_ =	swait.ge [sflag:s23], $0x4000  }
0x2a: {  	[sflag:s23] =	ssyncset.done $0x0  }
0x2b: {  	[sflag:s23] =	ssyncadd.s32 $0xFFFFC000  }
0x2c: {  	[spmem:s7] =	stream.linear.scatter [tilespmem:s22], [sflag:$0x2], $0x4000, $0x38;
	[tilespmem:$0x1A900] =	vst v63  }
0x2d: {  	_ =	swait.ge [sflag:s23], $0x4000  }
0x2e: {  	[sflag:s23] =	ssyncset.done $0x0  }
0x2f: {  	[sflag:s23] =	ssyncadd.s32 $0xFFFFC000  }
0x30: {  	[spmem:s8] =	stream.linear.scatter [tilespmem:s22], [sflag:$0x2], $0x4000, $0x38;
	[tilespmem:$0x1A900] =	vst v63  }
0x31: {  	_ =	swait.ge [sflag:s23], $0x4000  }
0x32: {  	[sflag:s23] =	ssyncset.done $0x0  }
0x33: {  	[sflag:s23] =	ssyncadd.s32 $0xFFFFC000  }
0x34: {  	[spmem:s9] =	stream.linear.scatter [tilespmem:s22], [sflag:$0x2], $0x4000, $0x38;
	[tilespmem:$0x1A900] =	vst v63  }
0x35: {  	_ =	swait.ge [sflag:s23], $0x4000  }
0x36: {  	[sflag:s23] =	ssyncset.done $0x0  }
0x37: {  	[sflag:s23] =	ssyncadd.s32 $0xFFFFC000  }
0x38: {  	[spmem:s10] =	stream.linear.scatter [tilespmem:s22], [sflag:$0x2], $0x4000, $0x38;
	[tilespmem:$0x1A900] =	vst v63  }
0x39: {  	_ =	swait.ge [sflag:s23], $0x4000  }
0x3a: {  	[sflag:s23] =	ssyncset.done $0x0  }
0x3b: {  	[sflag:s23] =	ssyncadd.s32 $0xFFFFC000  }
0x3c: {  	s30 =	sadd.s32 $0x0, s20;
	[bflag:$0x0] =	sbarrier.arrive $0xFFFF  }
0x3d: {  	[tilespmem:s2], [sflag:$0x2] =	stream.linear.gather [hbm4b:s30+s2], $0x80, $0x38;
	[tilespmem:$0x1A900] =	vst v63  }
0x3e: {  	_ =	swait.ge [sflag:s23], $0x80  }
0x3f: {  	[sflag:s23] =	ssyncset.done $0x0  }
0x40: {  	s30 =	sadd.s32 $0x0, s21;
	[sflag:s23] =	ssyncadd.s32 $0xFFFFFF80  }
0x41: {  	[tilespmem:s24], [sflag:$0x2] =	stream.linear.gather [hbm4b:s30+s2], $0x80, $0x38;
	[tilespmem:$0x1A900] =	vst v63  }
0x42: {  	_ =	swait.ge [sflag:s23], $0x80  }
0x43: {  	[sflag:s23] =	ssyncset.done $0x0  }
0x44: {  	[sflag:s23] =	ssyncadd.s32 $0xFFFFFF80  }
0x45: {  	[tilespmem:s26], [sflag:$0x1] =	stream.indirect.gather [hbm4b:s4+s25], $0x80, s2, s25, $0xb8;
	[tilespmem:$0x1A900] =	vst v63  }
0x46: {  	_ =	swait.ge [sflag:s28], $0x2800  }
0x47: {  	[sflag:s28] =	ssyncset.done $0x0  }
0x48: {  	[sflag:s28] =	ssyncadd.s32 $0xFFFFD800  }
0x49: {  	[spmem:s1] =	stream.indirect.scatter.add.f32 [tilespmem:s26], [sflag:$0x2], $0x80, s24, s25, $0xb8;
	[tilespmem:$0x1A900] =	vst v63  }
0x4a: {  	_ =	swait.ge [sflag:s23], $0x2800  }
0x4b: {  	s31 =	simm.s32 $0x20;
	s30 =	simm.s32 $0x10;
	[sflag:s23] =	ssyncset.done $0x0  }
.LBB2_4:
0x4c: {  	s0 =	sadd.s32 s30, s20  }
0x4d: {  	[sflag:s23] =	ssyncadd.s32 $0xFFFFD800;
	s3 =	smov.u32 s31;
	s6 =	sadd.s32 $0x10, s31  }
0x4e: {  	[tilespmem:s2], [sflag:$0x2] =	stream.linear.gather [hbm4b:s0+s2], $0x80, $0x38;
	[tilespmem:$0x1A900] =	vst v63  }
0x4f: {  	p0 =	sne.s32 s31, $0x7C0;
	_ =	swait.ge [sflag:s23], $0x80  }
0x50: {  	[sflag:s23] =	ssyncset.done $0x0  }
0x51: {  	s0 =	sadd.s32 s30, s21;
	s30 =	smov.u32 s3;
	[sflag:s23] =	ssyncadd.s32 $0xFFFFFF80  }
0x52: {  	[tilespmem:s24], [sflag:$0x2] =	stream.linear.gather [hbm4b:s0+s2], $0x80, $0x38;
	[tilespmem:$0x1A900] =	vst v63  }
0x53: {  	_ =	swait.ge [sflag:s23], $0x80  }
0x54: {  	[sflag:s23] =	ssyncset.done $0x0  }
0x55: {  	[sflag:s23] =	ssyncadd.s32 $0xFFFFFF80  }
0x56: {  	[tilespmem:s26], [sflag:$0x1] =	stream.indirect.gather [hbm4b:s4+s25], $0x80, s2, s25, $0xb8;
	[tilespmem:$0x1A900] =	vst v63  }
0x57: {  	_ =	swait.ge [sflag:s28], $0x2800  }
.Ltmp1:
0x58: {  	[sflag:s28] =	ssyncset.done $0x0;
	(pc) =	sbr.rel @p0 .LBB2_4-.Ltmp1, $4  }
0x59: {  	[sflag:s28] =	ssyncadd.s32 $0xFFFFD800  }
0x5a: {  	[spmem:s1] =	stream.indirect.scatter.add.f32 [tilespmem:s26], [sflag:$0x2], $0x80, s24, s25, $0xb8;
	[tilespmem:$0x1A900] =	vst v63  }
0x5b: {  	_ =	swait.ge [sflag:s23], $0x2800  }
0x5c: {  	s31 =	smov.u32 s6;
	[sflag:s23] =	ssyncset.done $0x0  }
0x5d: {  	s0 =	sadd.s32 s30, s20;
	[sflag:s23] =	ssyncadd.s32 $0xFFFFD800  }
0x5e: {  	[tilespmem:s2], [sflag:$0x2] =	stream.linear.gather [hbm4b:s0+s2], $0x80, $0x38;
	[tilespmem:$0x1A900] =	vst v63  }
0x5f: {  	_ =	swait.ge [sflag:s23], $0x80  }
0x60: {  	[sflag:s23] =	ssyncset.done $0x0  }
0x61: {  	s30 =	sadd.s32 s30, s21;
	[sflag:s23] =	ssyncadd.s32 $0xFFFFFF80  }
0x62: {  	[tilespmem:s24], [sflag:$0x2] =	stream.linear.gather [hbm4b:s30+s2], $0x80, $0x38;
	[tilespmem:$0x1A900] =	vst v63  }
0x63: {  	_ =	swait.ge [sflag:s23], $0x80  }
0x64: {  	[sflag:s23] =	ssyncset.done $0x0  }
0x65: {  	[sflag:s23] =	ssyncadd.s32 $0xFFFFFF80  }
0x66: {  	[tilespmem:s26], [sflag:$0x1] =	stream.indirect.gather [hbm4b:s4+s25], $0x80, s2, s25, $0xb8;
	[tilespmem:$0x1A900] =	vst v63  }
0x67: {  	_ =	swait.ge [sflag:s28], $0x2800  }
0x68: {  	[sflag:s28] =	ssyncset.done $0x0  }
0x69: {  	[sflag:s28] =	ssyncadd.s32 $0xFFFFD800  }
0x6a: {  	[spmem:s1] =	stream.indirect.scatter.add.f32 [tilespmem:s26], [sflag:$0x2], $0x80, s24, s25, $0xb8;
	[tilespmem:$0x1A900] =	vst v63  }
0x6b: {  	_ =	swait.ge [sflag:s23], $0x2800  }
0x6c: {  	[sflag:s23] =	ssyncset.done $0x0  }
0x6d: {  	[sflag:s23] =	ssyncadd.s32 $0xFFFFD800  }
0x6e: {  	[bflag:$0x0] =	sbarrier.arrive $0xFFFF  }
0x6f: {  	[tilespmem:s22], [sflag:$0x2] =	stream.linear.gather [spmem:s5], $0x4000, $0x38;
	[tilespmem:$0x1A900] =	vst v63  }
0x70: {  	_ =	swait.ge [sflag:s23], $0x4000  }
0x71: {  	[sflag:s23] =	ssyncset.done $0x0  }
0x72: {  	[sflag:s23] =	ssyncadd.s32 $0xFFFFC000  }
0x73: {  	[hbm4b:s11+s2] =	stream.linear.scatter [tilespmem:s22], [sflag:$0x2], $0x4000, $0x38;
	[tilespmem:$0x1A900] =	vst v63  }
0x74: {  	_ =	swait.ge [sflag:s23], $0x4000  }
0x75: {  	[sflag:s23] =	ssyncset.done $0x0  }
0x76: {  	[sflag:s23] =	ssyncadd.s32 $0xFFFFC000  }
0x77: {  	[tilespmem:s22], [sflag:$0x2] =	stream.linear.gather [spmem:s12], $0x4000, $0x38;
	[tilespmem:$0x1A900] =	vst v63  }
0x78: {  	_ =	swait.ge [sflag:s23], $0x4000  }
0x79: {  	[sflag:s23] =	ssyncset.done $0x0  }
0x7a: {  	[sflag:s23] =	ssyncadd.s32 $0xFFFFC000  }
0x7b: {  	[hbm4b:s13+s2] =	stream.linear.scatter [tilespmem:s22], [sflag:$0x2], $0x4000, $0x38;
	[tilespmem:$0x1A900] =	vst v63  }
0x7c: {  	_ =	swait.ge [sflag:s23], $0x4000  }
0x7d: {  	[sflag:s23] =	ssyncset.done $0x0  }
0x7e: {  	[sflag:s23] =	ssyncadd.s32 $0xFFFFC000  }
0x7f: {  	[tilespmem:s22], [sflag:$0x2] =	stream.linear.gather [spmem:s14], $0x4000, $0x38;
	[tilespmem:$0x1A900] =	vst v63  }
0x80: {  	_ =	swait.ge [sflag:s23], $0x4000  }
0x81: {  	[sflag:s23] =	ssyncset.done $0x0  }
0x82: {  	[sflag:s23] =	ssyncadd.s32 $0xFFFFC000  }
0x83: {  	[hbm4b:s15+s2] =	stream.linear.scatter [tilespmem:s22], [sflag:$0x2], $0x4000, $0x38;
	[tilespmem:$0x1A900] =	vst v63  }
0x84: {  	_ =	swait.ge [sflag:s23], $0x4000  }
0x85: {  	[sflag:s23] =	ssyncset.done $0x0  }
0x86: {  	[sflag:s23] =	ssyncadd.s32 $0xFFFFC000  }
0x87: {  	[tilespmem:s22], [sflag:$0x2] =	stream.linear.gather [spmem:s16], $0x4000, $0x38;
	[tilespmem:$0x1A900] =	vst v63  }
0x88: {  	_ =	swait.ge [sflag:s23], $0x4000  }
0x89: {  	[sflag:s23] =	ssyncset.done $0x0  }
0x8a: {  	[sflag:s23] =	ssyncadd.s32 $0xFFFFC000  }
0x8b: {  	[hbm4b:s17+s2] =	stream.linear.scatter [tilespmem:s22], [sflag:$0x2], $0x4000, $0x38;
	[tilespmem:$0x1A900] =	vst v63  }
0x8c: {  	_ =	swait.ge [sflag:s23], $0x4000  }
0x8d: {  	[sflag:s23] =	ssyncset.done $0x0  }
0x8e: {  	[sflag:s23] =	ssyncadd.s32 $0xFFFFC000  }
0x8f: {  	[tilespmem:s22], [sflag:$0x2] =	stream.linear.gather [spmem:s18], $0x4000, $0x38;
	[tilespmem:$0x1A900] =	vst v63  }
0x90: {  	_ =	swait.ge [sflag:s23], $0x4000  }
0x91: {  	[sflag:s23] =	ssyncset.done $0x0  }
0x92: {  	[sflag:s23] =	ssyncadd.s32 $0xFFFFC000  }
0x93: {  	[hbm4b:s19+s2] =	stream.linear.scatter [tilespmem:s22], [sflag:$0x2], $0x4000, $0x38;
	[tilespmem:$0x1A900] =	vst v63  }
0x94: {  	_ =	swait.ge [sflag:s23], $0x4000  }
0x95: {  	s29 =	sadd.s32 $0x1, s29;
	s31 =	rddreg [dreg:$0x4]  }
0x96: {  	p0 =	sne.s32 s29, s31  }
.Ltmp2:
0x97: {  	_ = 	snop;
	(pc) =	sbr.rel @p0 .LBB2_1-.Ltmp2, $3  }
0x98: {  	_ =	sdelay $0x1  }
0x99: {  	[sflag:s23] =	ssyncset.done $0x0  }
0x9a: {  	[sflag:s23] =	ssyncadd.s32 $0xFFFFC000  }
0x9b: {  	_ =	sfence.sel $0x180000  }
0x9c: {  	[bflag:$0x0] =	sbarrier.arrive $0xFFFF  }
0x9d: {  	_ =	strace $0x90000053  }
0x9e: {  	s0 =	stileid.u32;
	[bflag:$0x2] =	sbarrier.arrive $0xFFFF  }
0x9f: {  	p0 =	sne.s32 s0, $0x0;
	s0 =	rddreg [dreg:$0x3]  }
0xa0: {  	s0 =	sadd.s32 @!p0 $0x100000, s0  }
0xa1: {  	[sflag:s0] =	ssyncadd.tile.s32 @!p0 $0x1;
	_ =	shalt  }
.Lfunc_end2:
_tile_overlayer_lowered:
.L_overlay_start_2:
0xa2: {  	(tag) =	ssettag $0x2  }
0xa3: {  	s0 =	rddreg [dreg:$0x0];
	s2 =	stileid.u32  }
0xa4: {  	s1 =	rddreg [dreg:$0x1];
	p0 =	sne.s32 s2, $0x0  }
0xa5: {  	s3 =	rddreg [dreg:$0x2];
	[bflag:$0x3] =	sbarrier.arrive $0xFFFF;
	s2 =	simm.s32 @!p0 $0x1C02  }
0xa6: {  	[timem:s3], [sflag:s2] =	dma.local @!p0 [hbm:s0], s1  }
0xa7: {  	s0 =	simm.s32 @!p0 $0x2  }
0xa8: {  	_ =	swait.ge @!p0 [sflag:s0], s1  }
0xa9: {  	s1 =	ssub.s32 @!p0 $0x0, s1;
	[sflag:s0] =	ssyncset.done @!p0 $0x0  }
0xaa: {  	[sflag:s0] =	ssyncadd.s32 @!p0 s1  }
0xab: {  	[bflag:$0x3] =	sbarrier.arrive $0xFFFF  }
0xac: {  	_ =	shalt  }

</sc_bundles>
